<compile_context>
chip_gen: v7x
topology: tpu7x:2x2x1
jax: 0.10.2.dev20260603
libtpu: 0.0.44.dev20260713+nightly
codegen_flags: <defaults>
</compile_context>

<pallas_src>
import functools
import math

import jax
import jax.numpy as jnp
from jax import lax
from jax.experimental import pallas as pl
from jax.experimental.pallas import tpu as pltpu
from jax.experimental.pallas import tpu_sc as plsc

N = 10000
NPAD = 10240
DIN = 128
DH = 128
DOUT = 64
E = 320000
NEG = 10
TEMP = 0.07
NORM = 0.1
AUG_GAE_W = 1e-05
INS_W = 1e-05
NORM_LOSS_W = -0.1
LOGN = math.log(float(N))
DPAD = 128

BI = 1024
NB = NPAD // BI

_NC = 2
_NS = 16
_NW = _NC * _NS
_CHUNK = 128
_RPS = NPAD // _NS

_f32 = jnp.float32





@functools.lru_cache(maxsize=None)
def _make_segsum(D, ca, cb):
    mesh = plsc.VectorSubcoreMesh(core_axis_name="c", subcore_axis_name="s")

    @functools.partial(
        pl.kernel,
        out_type=jax.ShapeDtypeStruct((2 * NPAD, D), _f32),
        mesh=mesh,
        scratch_types=[
            pltpu.VMEM((_CHUNK,), jnp.int32),
            pltpu.VMEM((_CHUNK,), jnp.int32),
            pltpu.VMEM((_CHUNK, D), _f32),
            pltpu.VMEM_SHARED((NPAD, D), _f32),
            pltpu.SemaphoreType.DMA,
        ],
    )
    def seg(table, srci, dsti, zeros, out, sidx, didx, rows, acc, sem):
        cid = lax.axis_index("c")
        sid = lax.axis_index("s")
        nloc = lax.select(cid == 0, jnp.int32(ca), jnp.int32(cb))
        off = lax.select(cid == 0, sid * ca, _NS * ca + sid * cb)
        pltpu.sync_copy(zeros.at[pl.ds(sid * _RPS, _RPS)],
                        acc.at[pl.ds(sid * _RPS, _RPS)])
        plsc.subcore_barrier()

        def body(t, carry):
            base = (off + t) * _CHUNK
            pltpu.sync_copy(srci.at[pl.ds(base, _CHUNK)], sidx)
            pltpu.sync_copy(dsti.at[pl.ds(base, _CHUNK)], didx)
            pltpu.async_copy(table.at[sidx], rows, sem).wait()
            pltpu.sync_copy(rows, acc.at[didx], add=True)
            return carry

        lax.fori_loop(0, nloc, body, 0)
        plsc.subcore_barrier()
        pltpu.sync_copy(acc.at[pl.ds(sid * _RPS, _RPS)],
                        out.at[pl.ds(cid * NPAD + sid * _RPS, _RPS)])

    return seg


@functools.lru_cache(maxsize=None)
def _make_gather(D, ca, cb):
    mesh = plsc.VectorSubcoreMesh(core_axis_name="c", subcore_axis_name="s")

    @functools.partial(
        pl.kernel,
        out_type=jax.ShapeDtypeStruct((_NS * (ca + cb) * _CHUNK, D), _f32),
        mesh=mesh,
        scratch_types=[
            pltpu.VMEM((_CHUNK,), jnp.int32),
            pltpu.VMEM((_CHUNK, D), _f32),
            pltpu.SemaphoreType.DMA,
        ],
    )
    def gat(table, idx, out, iidx, rows, sem):
        cid = lax.axis_index("c")
        sid = lax.axis_index("s")
        nloc = lax.select(cid == 0, jnp.int32(ca), jnp.int32(cb))
        off = lax.select(cid == 0, sid * ca, _NS * ca + sid * cb)

        def body(t, carry):
            base = (off + t) * _CHUNK
            pltpu.sync_copy(idx.at[pl.ds(base, _CHUNK)], iidx)
            pltpu.async_copy(table.at[iidx], rows, sem).wait()
            pltpu.sync_copy(rows, out.at[pl.ds(base, _CHUNK)])
            return carry

        lax.fori_loop(0, nloc, body, 0)

    return gat


def _segsum_call(table, srci, dsti, D, split):
    zeros = jnp.zeros((NPAD, D), _f32)
    return _make_segsum(D, split[0], split[1])(table, srci, dsti, zeros)


def _gather_call(table, idx, D, split):
    return _make_gather(D, split[0], split[1])(table, idx)



def _mm_body(x_ref, w_ref, o_ref):
    o_ref[...] = jnp.dot(x_ref[...], w_ref[...],
                         preferred_element_type=_f32)


def _mm(x, w, dout):
    return pl.pallas_call(
        _mm_body,
        grid=(NB,),
        in_specs=[pl.BlockSpec((BI, x.shape[1]), lambda i: (i, 0)),
                  pl.BlockSpec((x.shape[1], dout), lambda i: (0, 0))],
        out_specs=pl.BlockSpec((BI, dout), lambda i: (i, 0)),
        out_shape=jax.ShapeDtypeStruct((NPAD, dout), _f32),
        compiler_params=pltpu.CompilerParams(
            dimension_semantics=("arbitrary",)),
    )(x, w)


def _relu_mm_body(a0_ref, a1_ref, w_ref, o_ref):
    i = pl.program_id(0)
    rows = i * BI + lax.broadcasted_iota(jnp.int32, (BI, 1), 0)
    h1 = jnp.where(rows < N, jnp.maximum(a0_ref[...] + a1_ref[...], 0.0), 0.0)
    o_ref[...] = jnp.dot(h1, w_ref[...], preferred_element_type=_f32)


def _relu_mm(acc, w, din, dout):
    return pl.pallas_call(
        _relu_mm_body,
        grid=(NB,),
        in_specs=[pl.BlockSpec((BI, din), lambda i: (i, 0)),
                  pl.BlockSpec((BI, din), lambda i: (i + NB, 0)),
                  pl.BlockSpec((din, dout), lambda i: (0, 0))],
        out_specs=pl.BlockSpec((BI, dout), lambda i: (i, 0)),
        out_shape=jax.ShapeDtypeStruct((NPAD, dout), _f32),
        compiler_params=pltpu.CompilerParams(
            dimension_semantics=("arbitrary",)),
    )(acc, acc, w)


def _relu_body(a0_ref, a1_ref, o_ref):
    i = pl.program_id(0)
    rows = i * BI + lax.broadcasted_iota(jnp.int32, (BI, 1), 0)
    o_ref[...] = jnp.where(rows < N,
                           jnp.maximum(a0_ref[...] + a1_ref[...], 0.0), 0.0)


def _relu_sum(acc, d):
    return pl.pallas_call(
        _relu_body,
        grid=(NB,),
        in_specs=[pl.BlockSpec((BI, d), lambda i: (i, 0)),
                  pl.BlockSpec((BI, d), lambda i: (i + NB, 0))],
        out_specs=pl.BlockSpec((BI, d), lambda i: (i, 0)),
        out_shape=jax.ShapeDtypeStruct((NPAD, d), _f32),
        compiler_params=pltpu.CompilerParams(
            dimension_semantics=("arbitrary",)),
    )(acc, acc)


def _softplus_neg(x):
    return jnp.log1p(jnp.exp(-jnp.abs(x))) + jnp.maximum(-x, 0.0)


def _pass1_body(hi_ref, hj_ref, m_ref, z_ref, pmi_ref, ss_ref, sg_ref):
    i = pl.program_id(0)
    j = pl.program_id(1)
    hi = hi_ref[...]
    hj = hj_ref[...]
    G = lax.dot_general(hi, hj, (((1,), (1,)), ((), ())),
                        preferred_element_type=_f32)
    rowv = (i * BI + lax.broadcasted_iota(jnp.int32, (BI, 1), 0)) < N
    colv = (j * BI + lax.broadcasted_iota(jnp.int32, (1, BI), 1)) < N
    v = jnp.logical_and(rowv, colv)

    t_ss = jnp.sum(jnp.where(v, _softplus_neg(G), 0.0))
    t_sg = jnp.sum(jnp.where(v, G, 0.0))
    sig = jax.nn.sigmoid(G)
    t_z = jnp.sum(jnp.where(colv, jnp.exp(sig), 0.0), axis=1, keepdims=True)
    t_m = jnp.max(jnp.where(colv, G, -jnp.inf), axis=1, keepdims=True)

    @pl.when(jnp.logical_and(i == 0, j == 0))
    def _():
        ss_ref[...] = jnp.zeros_like(ss_ref)
        sg_ref[...] = jnp.zeros_like(sg_ref)

    @pl.when(j == 0)
    def _():
        m_ref[...] = jnp.full_like(m_ref, -jnp.inf)
        z_ref[...] = jnp.zeros_like(z_ref)

    m_new = jnp.maximum(m_ref[...], t_m)
    z_new = z_ref[...] + t_z
    m_ref[...] = m_new
    z_ref[...] = z_new
    ss_ref[...] = ss_ref[...] + t_ss
    sg_ref[...] = sg_ref[...] + t_sg

    @pl.when(j == NB - 1)
    def _():
        pmi_ref[...] = jnp.maximum(
            jax.nn.sigmoid(m_new) - jnp.log(z_new) + LOGN, 0.0)


def _pass1(h):
    specs_row = pl.BlockSpec((BI, 1), lambda i, j: (i, 0))
    spec_scalar = pl.BlockSpec((1, 1), lambda i, j: (0, 0))
    return pl.pallas_call(
        _pass1_body,
        grid=(NB, NB),
        in_specs=[pl.BlockSpec((BI, DPAD), lambda i, j: (i, 0)),
                  pl.BlockSpec((BI, DPAD), lambda i, j: (j, 0))],
        out_specs=[specs_row, specs_row, specs_row, spec_scalar, spec_scalar],
        out_shape=[jax.ShapeDtypeStruct((NPAD, 1), _f32),
                   jax.ShapeDtypeStruct((NPAD, 1), _f32),
                   jax.ShapeDtypeStruct((NPAD, 1), _f32),
                   jax.ShapeDtypeStruct((1, 1), _f32),
                   jax.ShapeDtypeStruct((1, 1), _f32)],
        compiler_params=pltpu.CompilerParams(
            dimension_semantics=("arbitrary", "arbitrary")),
    )(h, h)


def _pass2_body(hi_ref, hj_ref, gd_ref, rad_ref, s0_ref, s1_ref, ng_ref,
                ss2_ref, sa_ref, l1_ref, l2_ref, ip_ref, ineg_ref):
    i = pl.program_id(0)
    j = pl.program_id(1)
    hi = hi_ref[...]
    gdi = gd_ref[...]
    nrm = jnp.sqrt(jnp.sum(gdi * gdi, axis=1, keepdims=True))
    gdn = gdi / jnp.maximum(nrm, 1e-12)
    aug = hi + gdn * rad_ref[...]
    hj = hj_ref[...]
    A = lax.dot_general(aug, hj, (((1,), (1,)), ((), ())),
                        preferred_element_type=_f32)
    rowv = (i * BI + lax.broadcasted_iota(jnp.int32, (BI, 1), 0)) < N
    colv = (j * BI + lax.broadcasted_iota(jnp.int32, (1, BI), 1)) < N
    v = jnp.logical_and(rowv, colv)
    t_ss2 = jnp.sum(jnp.where(v, _softplus_neg(A), 0.0))
    t_sa = jnp.sum(jnp.where(v, A, 0.0))

    @pl.when(jnp.logical_and(i == 0, j == 0))
    def _():
        ss2_ref[...] = jnp.zeros_like(ss2_ref)
        sa_ref[...] = jnp.zeros_like(sa_ref)
        l1_ref[...] = jnp.zeros_like(l1_ref)
        l2_ref[...] = jnp.zeros_like(l2_ref)
        ip_ref[...] = jnp.zeros_like(ip_ref)
        ineg_ref[...] = jnp.zeros_like(ineg_ref)

    ss2_ref[...] = ss2_ref[...] + t_ss2
    sa_ref[...] = sa_ref[...] + t_sa

    @pl.when(j == 0)
    def _():
        s_i = s0_ref[...] + s1_ref[...]
        l1_ref[...] = l1_ref[...] + jnp.sum(hi * s_i)
        l2_ref[...] = l2_ref[...] + jnp.sum(aug * s_i)
        pos = jnp.sum(aug * hi, axis=1, keepdims=True) / TEMP
        ip_ref[...] = ip_ref[...] + jnp.sum(
            jnp.where(rowv, _softplus_neg(pos), 0.0))
        ng = ng_ref[...]
        acc = jnp.zeros((), _f32)
        for k in range(NEG):
            nk = ng[:, k * DPAD:(k + 1) * DPAD]
            d = jnp.sum(aug * nk, axis=1, keepdims=True) / TEMP
            acc = acc + jnp.sum(jnp.where(rowv, _softplus_neg(-d), 0.0))
        ineg_ref[...] = ineg_ref[...] + acc


def _pass2(h, gd, rad, s, negh):
    spec_scalar = pl.BlockSpec((1, 1), lambda i, j: (0, 0))
    return pl.pallas_call(
        _pass2_body,
        grid=(NB, NB),
        in_specs=[pl.BlockSpec((BI, DPAD), lambda i, j: (i, 0)),
                  pl.BlockSpec((BI, DPAD), lambda i, j: (j, 0)),
                  pl.BlockSpec((BI, DPAD), lambda i, j: (i, 0)),
                  pl.BlockSpec((BI, 1), lambda i, j: (i, 0)),
                  pl.BlockSpec((BI, DPAD), lambda i, j: (i, 0)),
                  pl.BlockSpec((BI, DPAD), lambda i, j: (i + NB, 0)),
                  pl.BlockSpec((BI, NEG * DPAD), lambda i, j: (i, 0))],
        out_specs=[spec_scalar] * 6,
        out_shape=[jax.ShapeDtypeStruct((1, 1), _f32)] * 6,
        compiler_params=pltpu.CompilerParams(
            dimension_semantics=("arbitrary", "arbitrary")),
    )(h, h, gd, rad, s, s, negh)



def kernel(x, edge_index, adj_orig_index, gradint_dir, negative_index, W1, W2):
    src = edge_index[0]
    dst = edge_index[1]
    ai = adj_orig_index[0]
    aj = adj_orig_index[1]

    frac0 = 0.58

    def _split(n):
        tot = -(-n // _CHUNK)
        ca = -(-int(tot * frac0) // _NS)
        cb = max(1, -(-(tot - _NS * ca) // _NS))
        return ca, cb

    def _prep_idx(v, split, fill):
        ca, cb = split
        pad = _NS * (ca + cb) * _CHUNK - v.shape[0]
        return jnp.concatenate([v, jnp.full((pad,), fill, jnp.int32)])

    esp = _split(E)
    src_p = _prep_idx(src, esp, 0)
    dst_p = _prep_idx(dst, esp, N)
    ai_p = _prep_idx(ai, esp, N)
    aj_p = _prep_idx(aj, esp, 0)

    nsp = _split(N * NEG)
    neg_p = _prep_idx(negative_index.reshape(-1), nsp, 0)

    xpad = jnp.pad(x, ((0, NPAD - N), (0, 0)))
    gdpad = jnp.pad(gradint_dir, ((0, NPAD - N), (0, DPAD - DOUT)))
    w2pad = jnp.pad(W2, ((0, 0), (0, DPAD - DOUT)))

    xw1 = _mm(xpad, W1, DH)
    acc1 = _segsum_call(xw1, src_p, dst_p, DH, esp)
    xw2 = _relu_mm(acc1, w2pad, DH, DPAD)
    acc2 = _segsum_call(xw2, src_p, dst_p, DPAD, esp)
    h = _relu_sum(acc2, DPAD)

    s = _segsum_call(h, aj_p, ai_p, DPAD, esp)
    negh = _gather_call(h, neg_p, DPAD, nsp)
    negh = negh[:N * NEG].reshape(N, NEG * DPAD)
    negh = jnp.pad(negh, ((0, NPAD - N), (0, 0)))

    _, _, pmi, ss1, sg = _pass1(h)
    pmi_n = pmi[:N, 0]
    big_p = jnp.max(pmi_n)
    radius = 1.0 - pmi_n / big_p
    rad = jnp.pad(radius[:, None], ((0, NPAD - N), (0, 0)))

    ss2, sa, l1, l2, ip, ineg = _pass2(h, gdpad, rad, s, negh)

    n2 = float(N) * float(N)
    gae = NORM * (ss1[0, 0] + sg[0, 0] - l1[0, 0]) / n2
    aug_gae = NORM * (ss2[0, 0] + sa[0, 0] - l2[0, 0]) / n2 * AUG_GAE_W
    ins = (ip[0, 0] + ineg[0, 0]) / float(N) * INS_W
    norm_loss = jnp.mean(pmi_n / big_p) * NORM_LOSS_W
    return gae + aug_gae + ins + norm_loss

# --- scband reference (transcript-rebuilt; emitter-appended) ---
"""Pipeline reference for scband-learn-r-79190607004101 (READ-ONLY COPY).

The authoritative reference and input builder live on the scoring server;
editing this copy changes nothing except your own understanding.
"""

import jax, jax.numpy as jnp
import numpy as np

N = 10000
D_IN = 128
D_H = 128
D_OUT = 64
E = 320000
NEG = 10
TEMP = 0.07
NORM = 0.1
POS_W = 1.0
AUG_GAE_W = 1e-05
INS_W = 1e-05
HINGE_W = 0.0
NORM_LOSS_W = -0.1
AUG_NUM = 1


def setup_inputs(seed: int = 0) -> dict:
    key = jax.random.key(seed)
    ks = jax.random.split(key, 8)
    x = jax.random.normal(ks[0], (N, D_IN), dtype=jnp.float32)
    edge_index = jax.random.randint(ks[1], (2, E), 0, N, dtype=jnp.int32)
    adj_orig_index = jax.random.randint(ks[2], (2, E), 0, N, dtype=jnp.int32)
    gradint_dir = jax.random.normal(ks[3], (N, D_OUT), dtype=jnp.float32)
    negative_index = jax.random.randint(ks[4], (N, NEG), 0, N, dtype=jnp.int32)
    # learned parameters of the 2-layer GCN encoder (bias=False)
    W1 = jax.random.normal(ks[5], (D_IN, D_H), dtype=jnp.float32) * 0.1
    W2 = jax.random.normal(ks[6], (D_H, D_OUT), dtype=jnp.float32) * 0.1
    return {
        "x": x,
        "edge_index": edge_index,
        "adj_orig_index": adj_orig_index,
        "gradint_dir": gradint_dir,
        "negative_index": negative_index,
        "W1": W1,
        "W2": W2,
    }


def _gcn_layer(x, W, src, dst):
    # GraphConvolution: act(A @ (x @ W)) with sparse A given by edge list
    xw = x @ W
    msgs = jnp.take(xw, src, axis=0)
    agg = jax.ops.segment_sum(msgs, dst, num_segments=N)
    return jax.nn.relu(agg)


def _weighted_ce(logits, labels, pos_weight):
    # tf.nn.weighted_cross_entropy_with_logits (numerically stable form)
    log_weight = 1.0 + (pos_weight - 1.0) * labels
    return (1.0 - labels) * logits + log_weight * (
        jnp.log1p(jnp.exp(-jnp.abs(logits))) + jnp.maximum(-logits, 0.0)
    )


def _sigmoid_ce(logits, labels):
    # tf.nn.sigmoid_cross_entropy_with_logits
    return jnp.maximum(logits, 0.0) - logits * labels + jnp.log1p(jnp.exp(-jnp.abs(logits)))


def _forward(x, gradint_dir, W1, W2, edge_index, adj_orig_index, negative_index):
    src = edge_index[0]
    dst = edge_index[1]
    h = _gcn_layer(x, W1, src, dst)
    h = _gcn_layer(h, W2, src, dst)

    # dense adjacency labels from sparse adj_orig (to_dense)
    labels = jnp.zeros((N, N), dtype=jnp.float32)
    labels = labels.at[adj_orig_index[0], adj_orig_index[1]].set(1.0)
    labels = labels.reshape(-1)

    # keras.utils.normalize -> row-wise L2 normalization
    gd = gradint_dir / jnp.maximum(
        jnp.linalg.norm(gradint_dir, axis=1, keepdims=True), 1e-12
    )

    def gae_loss(a, b):
        rec = (a @ b.T).reshape(-1)
        return NORM * jnp.mean(_weighted_ce(rec, labels, POS_W))

    gae = gae_loss(h, h)

    # learn_radius
    S = jax.nn.sigmoid(h @ h.T)
    S = jax.nn.softmax(S, axis=1)
    S = jnp.log(S) - jnp.log(1.0 / float(N))
    pmi = jnp.max(jnp.maximum(S, 0.0), axis=1)
    radius = (1.0 - pmi / jnp.max(pmi)).reshape(-1, 1)

    gd = gd * radius

    aug_gae = 0.0
    ins_loss = 0.0
    hinge_loss = 0.0
    for _ in range(AUG_NUM):
        aug_h = h + gd
        aug_gae = aug_gae + gae_loss(aug_h, h) * AUG_GAE_W
        neg_h = jnp.take(h, negative_index, axis=0)  # [N, NEG, D_OUT]
        pos = (jnp.sum(aug_h * h, axis=1) / TEMP).reshape(-1, 1)
        aug_t = jnp.broadcast_to(aug_h[:, None, :], (N, NEG, D_OUT))
        neg = jnp.sum(aug_t * neg_h, axis=2) / TEMP
        logits = jnp.concatenate([pos, neg], axis=1)
        lab = jnp.concatenate(
            [jnp.ones((N, 1), jnp.float32), jnp.zeros((N, NEG), jnp.float32)], axis=1
        )
        ins_loss = ins_loss + jnp.mean(jnp.sum(_sigmoid_ce(logits, lab), axis=1)) * INS_W
        pos_h = jnp.sum(aug_h * h, axis=1).reshape(-1, 1)
        neg_hg = jnp.sum(aug_t * neg_h, axis=2)
        hinge_loss = hinge_loss + jnp.mean(
            jnp.sum(jnp.maximum(0.0, neg_hg - pos_h), axis=-1)
        ) * HINGE_W

    norm_loss = jnp.mean(1.0 - radius) * NORM_LOSS_W
    total = gae + aug_gae + ins_loss + hinge_loss + norm_loss
    return total


def reference(x, edge_index, adj_orig_index, gradint_dir, negative_index, W1, W2):
    return _forward(x, gradint_dir, W1, W2, edge_index, adj_orig_index, negative_index)

if __name__ == "__main__":
    import jax
    _d = setup_inputs()
    print(jax.jit(kernel)(*tuple(_d.values())))

</pallas_src>

<mosaic_0001>
#map = affine_map<(d0, d1) -> (0, 0)>
#map1 = affine_map<(d0, d1) -> (0)>
module attributes {stable_mosaic.version = 14 : i64} {
  func.func @seg(%arg0: i32, %arg1: i32, %arg2: memref<10240x128xf32, #tpu.memory_space<hbm>>, %arg3: memref<321536xi32, #tpu.memory_space<hbm>>, %arg4: memref<321536xi32, #tpu.memory_space<hbm>>, %arg5: memref<10240x128xf32, #tpu.memory_space<hbm>>, %arg6: memref<20480x128xf32, #tpu.memory_space<hbm>>, %arg7: memref<128xi32, #tpu.memory_space<vmem>>, %arg8: memref<128xi32, #tpu.memory_space<vmem>>, %arg9: memref<128x128xf32, #tpu.memory_space<vmem>>, %arg10: memref<10240x128xf32, #tpu.memory_space<vmem_shared>>, %arg11: memref<!tpu.dma_semaphore, #tpu.memory_space<semaphore_mem>>) attributes {dimension_semantics = [#tpu.dimension_semantics<core_parallel>, #tpu.dimension_semantics<subcore_parallel>], iteration_bounds = array<i64: 2, 16>, scalar_prefetch = 0 : i64, scratch_operands = 5 : i64, tpu.core_type = #tpu.core_type<sc_vector_subcore>, window_params = [{transform_indices = #map}, {transform_indices = #map1}, {transform_indices = #map1}, {transform_indices = #map}, {transform_indices = #map}]} {
    %eq3A = arith.constant 0 : i32
    %eq3A_0 = arith.cmpi eq, %arg0, %eq3A : i32
    %select_n3A = arith.constant 66 : i32
    %select_n3A_1 = arith.constant 91 : i32
    %select_n3A_2 = arith.select %eq3A_0, %select_n3A_1, %select_n3A : i32
    %eq3A_3 = arith.constant 0 : i32
    %eq3A_4 = arith.cmpi eq, %arg0, %eq3A_3 : i32
    %mul3A = arith.constant 91 : i32
    %mul3A_5 = arith.muli %arg1, %mul3A : i32
    %mul3A_6 = arith.constant 66 : i32
    %mul3A_7 = arith.muli %arg1, %mul3A_6 : i32
    %add3A = arith.constant 1456 : i32
    %add3A_8 = arith.addi %add3A, %mul3A_7 : i32
    %select_n3A_9 = arith.select %eq3A_4, %mul3A_5, %add3A_8 : i32
    %mul3A_10 = arith.constant 640 : i32
    %mul3A_11 = arith.muli %arg1, %mul3A_10 : i32
    %mul3A_12 = arith.constant 640 : i32
    %mul3A_13 = arith.muli %arg1, %mul3A_12 : i32
    "tpu.region"() ({
      %run_scoped3A = tpu.sem_alloc : memref<!tpu.dma_semaphore, #tpu.memory_space<semaphore_mem>>
      %dma_start3A = arith.constant 0 : i32
      %dma_start3A_31 = tpu.memref_slice %arg10[%mul3A_13, %dma_start3A] : memref<10240x128xf32, #tpu.memory_space<vmem_shared>> -> memref<640x128xf32, #tpu.memory_space<vmem_shared>>
      %dma_start3A_32 = arith.constant 0 : i32
      %dma_start3A_33 = tpu.memref_slice %arg5[%mul3A_11, %dma_start3A_32] : memref<10240x128xf32, #tpu.memory_space<hbm>> -> memref<640x128xf32, #tpu.memory_space<hbm>>
      tpu.enqueue_dma source(%dma_start3A_33 : memref<640x128xf32, #tpu.memory_space<hbm>>) target(%dma_start3A_31 : memref<640x128xf32, #tpu.memory_space<vmem_shared>>) target_semaphore(%run_scoped3A : memref<!tpu.dma_semaphore, #tpu.memory_space<semaphore_mem>>)
      %dma_wait3A = arith.constant 0 : i32
      %dma_wait3A_34 = tpu.memref_slice %arg10[%mul3A_13, %dma_wait3A] : memref<10240x128xf32, #tpu.memory_space<vmem_shared>> -> memref<640x128xf32, #tpu.memory_space<vmem_shared>>
      %dma_wait3A_35 = arith.constant 0 : i32
      %dma_wait3A_36 = tpu.memref_slice %arg5[%mul3A_11, %dma_wait3A_35] : memref<10240x128xf32, #tpu.memory_space<hbm>> -> memref<640x128xf32, #tpu.memory_space<hbm>>
      tpu.wait_dma2 semaphore(%run_scoped3A : memref<!tpu.dma_semaphore, #tpu.memory_space<semaphore_mem>>) src(%dma_wait3A_36 : memref<640x128xf32, #tpu.memory_space<hbm>>) dst(%dma_wait3A_34 : memref<640x128xf32, #tpu.memory_space<vmem_shared>>)
      tpu.yield
    }) : () -> ()
    %barrier3A = arith.constant 0 : index
    tpu.barrier barrier_id(%barrier3A)
    %while3A = arith.constant 0 : i32
    %while3A_14 = arith.constant 0 : i32
    %while3A_15 = arith.subi %select_n3A_2, %while3A_14 : i32
    %while3A_16 = arith.addi %while3A_14, %while3A_15 : i32
    %while3A_17 = arith.constant 1 : i32
    %while3A_18 = arith.divsi %while3A_15, %while3A_17 : i32
    %while3A_19 = arith.muli %while3A_18, %while3A_17 : i32
    %while3A_20 = arith.addi %while3A_14, %while3A_19 : i32
    %while3A_21 = arith.constant 1 : i32
    scf.for %while3A_31 = %while3A_14 to %while3A_20 step %while3A_21  : i32 {
      %add3A_32 = arith.addi %select_n3A_9, %while3A_31 : i32
      %mul3A_33 = arith.constant 128 : i32
      %mul3A_34 = arith.muli %add3A_32, %mul3A_33 : i32
      "tpu.region"() ({
        %run_scoped3A = tpu.sem_alloc : memref<!tpu.dma_semaphore, #tpu.memory_space<semaphore_mem>>
        %dma_start3A_39 = tpu.memref_slice %arg3[%mul3A_34] : memref<321536xi32, #tpu.memory_space<hbm>> -> memref<128xi32, #tpu.memory_space<hbm>>
        %dma_start3A_40 = tpu.memref_slice %arg3[%mul3A_34] : memref<321536xi32, #tpu.memory_space<hbm>> -> memref<128xi32, #tpu.memory_space<hbm>>
        tpu.enqueue_dma source(%dma_start3A_40 : memref<128xi32, #tpu.memory_space<hbm>>) target(%arg7 : memref<128xi32, #tpu.memory_space<vmem>>) target_semaphore(%run_scoped3A : memref<!tpu.dma_semaphore, #tpu.memory_space<semaphore_mem>>)
        %dma_wait3A_41 = tpu.memref_slice %arg3[%mul3A_34] : memref<321536xi32, #tpu.memory_space<hbm>> -> memref<128xi32, #tpu.memory_space<hbm>>
        %dma_wait3A_42 = tpu.memref_slice %arg3[%mul3A_34] : memref<321536xi32, #tpu.memory_space<hbm>> -> memref<128xi32, #tpu.memory_space<hbm>>
        tpu.wait_dma2 semaphore(%run_scoped3A : memref<!tpu.dma_semaphore, #tpu.memory_space<semaphore_mem>>) src(%dma_wait3A_42 : memref<128xi32, #tpu.memory_space<hbm>>) dst(%arg7 : memref<128xi32, #tpu.memory_space<vmem>>)
        tpu.yield
      }) : () -> ()
      "tpu.region"() ({
        %run_scoped3A = tpu.sem_alloc : memref<!tpu.dma_semaphore, #tpu.memory_space<semaphore_mem>>
        %dma_start3A_39 = tpu.memref_slice %arg4[%mul3A_34] : memref<321536xi32, #tpu.memory_space<hbm>> -> memref<128xi32, #tpu.memory_space<hbm>>
        %dma_start3A_40 = tpu.memref_slice %arg4[%mul3A_34] : memref<321536xi32, #tpu.memory_space<hbm>> -> memref<128xi32, #tpu.memory_space<hbm>>
        tpu.enqueue_dma source(%dma_start3A_40 : memref<128xi32, #tpu.memory_space<hbm>>) target(%arg8 : memref<128xi32, #tpu.memory_space<vmem>>) target_semaphore(%run_scoped3A : memref<!tpu.dma_semaphore, #tpu.memory_space<semaphore_mem>>)
        %dma_wait3A_41 = tpu.memref_slice %arg4[%mul3A_34] : memref<321536xi32, #tpu.memory_space<hbm>> -> memref<128xi32, #tpu.memory_space<hbm>>
        %dma_wait3A_42 = tpu.memref_slice %arg4[%mul3A_34] : memref<321536xi32, #tpu.memory_space<hbm>> -> memref<128xi32, #tpu.memory_space<hbm>>
        tpu.wait_dma2 semaphore(%run_scoped3A : memref<!tpu.dma_semaphore, #tpu.memory_space<semaphore_mem>>) src(%dma_wait3A_42 : memref<128xi32, #tpu.memory_space<hbm>>) dst(%arg8 : memref<128xi32, #tpu.memory_space<vmem>>)
        tpu.yield
      }) : () -> ()
      %dma_start3A = arith.constant 0 : i32
      %dma_start3A_35 = arith.constant 0 : i32
      %dma_start3A_36 = tpu.memref_slice %arg2[%dma_start3A, %dma_start3A_35] : memref<10240x128xf32, #tpu.memory_space<hbm>> -> memref<10240x128xf32, #tpu.memory_space<hbm>>
      tpu.enqueue_indirect_dma source(%dma_start3A_36 : memref<10240x128xf32, #tpu.memory_space<hbm>>) target(%arg9 : memref<128x128xf32, #tpu.memory_space<vmem>>) offsets(%arg7 : memref<128xi32, #tpu.memory_space<vmem>>) semaphore(%arg11 : memref<!tpu.dma_semaphore, #tpu.memory_space<semaphore_mem>>)
      %dma_wait3A = arith.constant 0 : i32
      %dma_wait3A_37 = arith.constant 0 : i32
      %dma_wait3A_38 = tpu.memref_slice %arg2[%dma_wait3A, %dma_wait3A_37] : memref<10240x128xf32, #tpu.memory_space<hbm>> -> memref<10240x128xf32, #tpu.memory_space<hbm>>
      tpu.wait_indirect_dma semaphore(%arg11 : memref<!tpu.dma_semaphore, #tpu.memory_space<semaphore_mem>>) src(%dma_wait3A_38 : memref<10240x128xf32, #tpu.memory_space<hbm>>) dst(%arg9 : memref<128x128xf32, #tpu.memory_space<vmem>>)
      "tpu.region"() ({
        %run_scoped3A = tpu.sem_alloc : memref<!tpu.dma_semaphore, #tpu.memory_space<semaphore_mem>>
        %dma_start3A_39 = arith.constant 0 : i32
        %dma_start3A_40 = arith.constant 0 : i32
        %dma_start3A_41 = tpu.memref_slice %arg10[%dma_start3A_39, %dma_start3A_40] : memref<10240x128xf32, #tpu.memory_space<vmem_shared>> -> memref<10240x128xf32, #tpu.memory_space<vmem_shared>>
        tpu.enqueue_indirect_dma source(%arg9 : memref<128x128xf32, #tpu.memory_space<vmem>>) target(%dma_start3A_41 : memref<10240x128xf32, #tpu.memory_space<vmem_shared>>) offsets(%arg8 : memref<128xi32, #tpu.memory_space<vmem>>) semaphore(%run_scoped3A : memref<!tpu.dma_semaphore, #tpu.memory_space<semaphore_mem>>) {add = true}
        %dma_wait3A_42 = arith.constant 0 : i32
        %dma_wait3A_43 = arith.constant 0 : i32
        %dma_wait3A_44 = tpu.memref_slice %arg10[%dma_wait3A_42, %dma_wait3A_43] : memref<10240x128xf32, #tpu.memory_space<vmem_shared>> -> memref<10240x128xf32, #tpu.memory_space<vmem_shared>>
        tpu.wait_indirect_dma semaphore(%run_scoped3A : memref<!tpu.dma_semaphore, #tpu.memory_space<semaphore_mem>>) src(%arg9 : memref<128x128xf32, #tpu.memory_space<vmem>>) dst(%dma_wait3A_44 : memref<10240x128xf32, #tpu.memory_space<vmem_shared>>)
        tpu.yield
      }) : () -> ()
    }
    %while3A_22 = arith.constant 1 : i32
    scf.for %while3A_31 = %while3A_20 to %while3A_16 step %while3A_22  : i32 {
      %add3A_32 = arith.addi %select_n3A_9, %while3A_31 : i32
      %mul3A_33 = arith.constant 128 : i32
      %mul3A_34 = arith.muli %add3A_32, %mul3A_33 : i32
      "tpu.region"() ({
        %run_scoped3A = tpu.sem_alloc : memref<!tpu.dma_semaphore, #tpu.memory_space<semaphore_mem>>
        %dma_start3A_39 = tpu.memref_slice %arg3[%mul3A_34] : memref<321536xi32, #tpu.memory_space<hbm>> -> memref<128xi32, #tpu.memory_space<hbm>>
        %dma_start3A_40 = tpu.memref_slice %arg3[%mul3A_34] : memref<321536xi32, #tpu.memory_space<hbm>> -> memref<128xi32, #tpu.memory_space<hbm>>
        tpu.enqueue_dma source(%dma_start3A_40 : memref<128xi32, #tpu.memory_space<hbm>>) target(%arg7 : memref<128xi32, #tpu.memory_space<vmem>>) target_semaphore(%run_scoped3A : memref<!tpu.dma_semaphore, #tpu.memory_space<semaphore_mem>>)
        %dma_wait3A_41 = tpu.memref_slice %arg3[%mul3A_34] : memref<321536xi32, #tpu.memory_space<hbm>> -> memref<128xi32, #tpu.memory_space<hbm>>
        %dma_wait3A_42 = tpu.memref_slice %arg3[%mul3A_34] : memref<321536xi32, #tpu.memory_space<hbm>> -> memref<128xi32, #tpu.memory_space<hbm>>
        tpu.wait_dma2 semaphore(%run_scoped3A : memref<!tpu.dma_semaphore, #tpu.memory_space<semaphore_mem>>) src(%dma_wait3A_42 : memref<128xi32, #tpu.memory_space<hbm>>) dst(%arg7 : memref<128xi32, #tpu.memory_space<vmem>>)
        tpu.yield
      }) : () -> ()
      "tpu.region"() ({
        %run_scoped3A = tpu.sem_alloc : memref<!tpu.dma_semaphore, #tpu.memory_space<semaphore_mem>>
        %dma_start3A_39 = tpu.memref_slice %arg4[%mul3A_34] : memref<321536xi32, #tpu.memory_space<hbm>> -> memref<128xi32, #tpu.memory_space<hbm>>
        %dma_start3A_40 = tpu.memref_slice %arg4[%mul3A_34] : memref<321536xi32, #tpu.memory_space<hbm>> -> memref<128xi32, #tpu.memory_space<hbm>>
        tpu.enqueue_dma source(%dma_start3A_40 : memref<128xi32, #tpu.memory_space<hbm>>) target(%arg8 : memref<128xi32, #tpu.memory_space<vmem>>) target_semaphore(%run_scoped3A : memref<!tpu.dma_semaphore, #tpu.memory_space<semaphore_mem>>)
        %dma_wait3A_41 = tpu.memref_slice %arg4[%mul3A_34] : memref<321536xi32, #tpu.memory_space<hbm>> -> memref<128xi32, #tpu.memory_space<hbm>>
        %dma_wait3A_42 = tpu.memref_slice %arg4[%mul3A_34] : memref<321536xi32, #tpu.memory_space<hbm>> -> memref<128xi32, #tpu.memory_space<hbm>>
        tpu.wait_dma2 semaphore(%run_scoped3A : memref<!tpu.dma_semaphore, #tpu.memory_space<semaphore_mem>>) src(%dma_wait3A_42 : memref<128xi32, #tpu.memory_space<hbm>>) dst(%arg8 : memref<128xi32, #tpu.memory_space<vmem>>)
        tpu.yield
      }) : () -> ()
      %dma_start3A = arith.constant 0 : i32
      %dma_start3A_35 = arith.constant 0 : i32
      %dma_start3A_36 = tpu.memref_slice %arg2[%dma_start3A, %dma_start3A_35] : memref<10240x128xf32, #tpu.memory_space<hbm>> -> memref<10240x128xf32, #tpu.memory_space<hbm>>
      tpu.enqueue_indirect_dma source(%dma_start3A_36 : memref<10240x128xf32, #tpu.memory_space<hbm>>) target(%arg9 : memref<128x128xf32, #tpu.memory_space<vmem>>) offsets(%arg7 : memref<128xi32, #tpu.memory_space<vmem>>) semaphore(%arg11 : memref<!tpu.dma_semaphore, #tpu.memory_space<semaphore_mem>>)
      %dma_wait3A = arith.constant 0 : i32
      %dma_wait3A_37 = arith.constant 0 : i32
      %dma_wait3A_38 = tpu.memref_slice %arg2[%dma_wait3A, %dma_wait3A_37] : memref<10240x128xf32, #tpu.memory_space<hbm>> -> memref<10240x128xf32, #tpu.memory_space<hbm>>
      tpu.wait_indirect_dma semaphore(%arg11 : memref<!tpu.dma_semaphore, #tpu.memory_space<semaphore_mem>>) src(%dma_wait3A_38 : memref<10240x128xf32, #tpu.memory_space<hbm>>) dst(%arg9 : memref<128x128xf32, #tpu.memory_space<vmem>>)
      "tpu.region"() ({
        %run_scoped3A = tpu.sem_alloc : memref<!tpu.dma_semaphore, #tpu.memory_space<semaphore_mem>>
        %dma_start3A_39 = arith.constant 0 : i32
        %dma_start3A_40 = arith.constant 0 : i32
        %dma_start3A_41 = tpu.memref_slice %arg10[%dma_start3A_39, %dma_start3A_40] : memref<10240x128xf32, #tpu.memory_space<vmem_shared>> -> memref<10240x128xf32, #tpu.memory_space<vmem_shared>>
        tpu.enqueue_indirect_dma source(%arg9 : memref<128x128xf32, #tpu.memory_space<vmem>>) target(%dma_start3A_41 : memref<10240x128xf32, #tpu.memory_space<vmem_shared>>) offsets(%arg8 : memref<128xi32, #tpu.memory_space<vmem>>) semaphore(%run_scoped3A : memref<!tpu.dma_semaphore, #tpu.memory_space<semaphore_mem>>) {add = true}
        %dma_wait3A_42 = arith.constant 0 : i32
        %dma_wait3A_43 = arith.constant 0 : i32
        %dma_wait3A_44 = tpu.memref_slice %arg10[%dma_wait3A_42, %dma_wait3A_43] : memref<10240x128xf32, #tpu.memory_space<vmem_shared>> -> memref<10240x128xf32, #tpu.memory_space<vmem_shared>>
        tpu.wait_indirect_dma semaphore(%run_scoped3A : memref<!tpu.dma_semaphore, #tpu.memory_space<semaphore_mem>>) src(%arg9 : memref<128x128xf32, #tpu.memory_space<vmem>>) dst(%dma_wait3A_44 : memref<10240x128xf32, #tpu.memory_space<vmem_shared>>)
        tpu.yield
      }) : () -> ()
    }
    %barrier3A_23 = arith.constant 0 : index
    tpu.barrier barrier_id(%barrier3A_23)
    %mul3A_24 = arith.constant 640 : i32
    %mul3A_25 = arith.muli %arg1, %mul3A_24 : i32
    %mul3A_26 = arith.constant 10240 : i32
    %mul3A_27 = arith.muli %arg0, %mul3A_26 : i32
    %mul3A_28 = arith.constant 640 : i32
    %mul3A_29 = arith.muli %arg1, %mul3A_28 : i32
    %add3A_30 = arith.addi %mul3A_27, %mul3A_29 : i32
    "tpu.region"() ({
      %run_scoped3A = tpu.sem_alloc : memref<!tpu.dma_semaphore, #tpu.memory_space<semaphore_mem>>
      %dma_start3A = arith.constant 0 : i32
      %dma_start3A_31 = tpu.memref_slice %arg6[%add3A_30, %dma_start3A] : memref<20480x128xf32, #tpu.memory_space<hbm>> -> memref<640x128xf32, #tpu.memory_space<hbm>>
      %dma_start3A_32 = arith.constant 0 : i32
      %dma_start3A_33 = tpu.memref_slice %arg10[%mul3A_25, %dma_start3A_32] : memref<10240x128xf32, #tpu.memory_space<vmem_shared>> -> memref<640x128xf32, #tpu.memory_space<vmem_shared>>
      tpu.enqueue_dma source(%dma_start3A_33 : memref<640x128xf32, #tpu.memory_space<vmem_shared>>) target(%dma_start3A_31 : memref<640x128xf32, #tpu.memory_space<hbm>>) target_semaphore(%run_scoped3A : memref<!tpu.dma_semaphore, #tpu.memory_space<semaphore_mem>>)
      %dma_wait3A = arith.constant 0 : i32
      %dma_wait3A_34 = tpu.memref_slice %arg6[%add3A_30, %dma_wait3A] : memref<20480x128xf32, #tpu.memory_space<hbm>> -> memref<640x128xf32, #tpu.memory_space<hbm>>
      %dma_wait3A_35 = arith.constant 0 : i32
      %dma_wait3A_36 = tpu.memref_slice %arg10[%mul3A_25, %dma_wait3A_35] : memref<10240x128xf32, #tpu.memory_space<vmem_shared>> -> memref<640x128xf32, #tpu.memory_space<vmem_shared>>
      tpu.wait_dma2 semaphore(%run_scoped3A : memref<!tpu.dma_semaphore, #tpu.memory_space<semaphore_mem>>) src(%dma_wait3A_36 : memref<640x128xf32, #tpu.memory_space<vmem_shared>>) dst(%dma_wait3A_34 : memref<640x128xf32, #tpu.memory_space<hbm>>)
      tpu.yield
    }) : () -> ()
    return
  }
}

#map = affine_map<(d0, d1) -> (0, 0)>
#map1 = affine_map<(d0, d1) -> (0)>
module attributes {stable_mosaic.version = 14 : i64} {
  func.func @gat(%arg0: i32, %arg1: i32, %arg2: memref<10240x128xf32, #tpu.memory_space<hbm>>, %arg3: memref<100352xi32, #tpu.memory_space<hbm>>, %arg4: memref<100352x128xf32, #tpu.memory_space<hbm>>, %arg5: memref<128xi32, #tpu.memory_space<vmem>>, %arg6: memref<128x128xf32, #tpu.memory_space<vmem>>, %arg7: memref<!tpu.dma_semaphore, #tpu.memory_space<semaphore_mem>>) attributes {dimension_semantics = [#tpu.dimension_semantics<core_parallel>, #tpu.dimension_semantics<subcore_parallel>], iteration_bounds = array<i64: 2, 16>, scalar_prefetch = 0 : i64, scratch_operands = 3 : i64, tpu.core_type = #tpu.core_type<sc_vector_subcore>, window_params = [{transform_indices = #map}, {transform_indices = #map1}, {transform_indices = #map}]} {
    %eq3A = arith.constant 0 : i32
    %eq3A_0 = arith.cmpi eq, %arg0, %eq3A : i32
    %select_n3A = arith.constant 20 : i32
    %select_n3A_1 = arith.constant 29 : i32
    %select_n3A_2 = arith.select %eq3A_0, %select_n3A_1, %select_n3A : i32
    %eq3A_3 = arith.constant 0 : i32
    %eq3A_4 = arith.cmpi eq, %arg0, %eq3A_3 : i32
    %mul3A = arith.constant 29 : i32
    %mul3A_5 = arith.muli %arg1, %mul3A : i32
    %mul3A_6 = arith.constant 20 : i32
    %mul3A_7 = arith.muli %arg1, %mul3A_6 : i32
    %add3A = arith.constant 464 : i32
    %add3A_8 = arith.addi %add3A, %mul3A_7 : i32
    %select_n3A_9 = arith.select %eq3A_4, %mul3A_5, %add3A_8 : i32
    %while3A = arith.constant 0 : i32
    %while3A_10 = arith.constant 0 : i32
    %while3A_11 = arith.subi %select_n3A_2, %while3A_10 : i32
    %while3A_12 = arith.addi %while3A_10, %while3A_11 : i32
    %while3A_13 = arith.constant 1 : i32
    %while3A_14 = arith.divsi %while3A_11, %while3A_13 : i32
    %while3A_15 = arith.muli %while3A_14, %while3A_13 : i32
    %while3A_16 = arith.addi %while3A_10, %while3A_15 : i32
    %while3A_17 = arith.constant 1 : i32
    scf.for %while3A_19 = %while3A_10 to %while3A_16 step %while3A_17  : i32 {
      %add3A_20 = arith.addi %select_n3A_9, %while3A_19 : i32
      %mul3A_21 = arith.constant 128 : i32
      %mul3A_22 = arith.muli %add3A_20, %mul3A_21 : i32
      "tpu.region"() ({
        %run_scoped3A = tpu.sem_alloc : memref<!tpu.dma_semaphore, #tpu.memory_space<semaphore_mem>>
        %dma_start3A_27 = tpu.memref_slice %arg3[%mul3A_22] : memref<100352xi32, #tpu.memory_space<hbm>> -> memref<128xi32, #tpu.memory_space<hbm>>
        %dma_start3A_28 = tpu.memref_slice %arg3[%mul3A_22] : memref<100352xi32, #tpu.memory_space<hbm>> -> memref<128xi32, #tpu.memory_space<hbm>>
        tpu.enqueue_dma source(%dma_start3A_28 : memref<128xi32, #tpu.memory_space<hbm>>) target(%arg5 : memref<128xi32, #tpu.memory_space<vmem>>) target_semaphore(%run_scoped3A : memref<!tpu.dma_semaphore, #tpu.memory_space<semaphore_mem>>)
        %dma_wait3A_29 = tpu.memref_slice %arg3[%mul3A_22] : memref<100352xi32, #tpu.memory_space<hbm>> -> memref<128xi32, #tpu.memory_space<hbm>>
        %dma_wait3A_30 = tpu.memref_slice %arg3[%mul3A_22] : memref<100352xi32, #tpu.memory_space<hbm>> -> memref<128xi32, #tpu.memory_space<hbm>>
        tpu.wait_dma2 semaphore(%run_scoped3A : memref<!tpu.dma_semaphore, #tpu.memory_space<semaphore_mem>>) src(%dma_wait3A_30 : memref<128xi32, #tpu.memory_space<hbm>>) dst(%arg5 : memref<128xi32, #tpu.memory_space<vmem>>)
        tpu.yield
      }) : () -> ()
      %dma_start3A = arith.constant 0 : i32
      %dma_start3A_23 = arith.constant 0 : i32
      %dma_start3A_24 = tpu.memref_slice %arg2[%dma_start3A, %dma_start3A_23] : memref<10240x128xf32, #tpu.memory_space<hbm>> -> memref<10240x128xf32, #tpu.memory_space<hbm>>
      tpu.enqueue_indirect_dma source(%dma_start3A_24 : memref<10240x128xf32, #tpu.memory_space<hbm>>) target(%arg6 : memref<128x128xf32, #tpu.memory_space<vmem>>) offsets(%arg5 : memref<128xi32, #tpu.memory_space<vmem>>) semaphore(%arg7 : memref<!tpu.dma_semaphore, #tpu.memory_space<semaphore_mem>>)
      %dma_wait3A = arith.constant 0 : i32
      %dma_wait3A_25 = arith.constant 0 : i32
      %dma_wait3A_26 = tpu.memref_slice %arg2[%dma_wait3A, %dma_wait3A_25] : memref<10240x128xf32, #tpu.memory_space<hbm>> -> memref<10240x128xf32, #tpu.memory_space<hbm>>
      tpu.wait_indirect_dma semaphore(%arg7 : memref<!tpu.dma_semaphore, #tpu.memory_space<semaphore_mem>>) src(%dma_wait3A_26 : memref<10240x128xf32, #tpu.memory_space<hbm>>) dst(%arg6 : memref<128x128xf32, #tpu.memory_space<vmem>>)
      "tpu.region"() ({
        %run_scoped3A = tpu.sem_alloc : memref<!tpu.dma_semaphore, #tpu.memory_space<semaphore_mem>>
        %dma_start3A_27 = arith.constant 0 : i32
        %dma_start3A_28 = tpu.memref_slice %arg4[%mul3A_22, %dma_start3A_27] : memref<100352x128xf32, #tpu.memory_space<hbm>> -> memref<128x128xf32, #tpu.memory_space<hbm>>
        %dma_start3A_29 = arith.constant 0 : i32
        %dma_start3A_30 = tpu.memref_slice %arg4[%mul3A_22, %dma_start3A_29] : memref<100352x128xf32, #tpu.memory_space<hbm>> -> memref<128x128xf32, #tpu.memory_space<hbm>>
        tpu.enqueue_dma source(%arg6 : memref<128x128xf32, #tpu.memory_space<vmem>>) target(%dma_start3A_30 : memref<128x128xf32, #tpu.memory_space<hbm>>) target_semaphore(%run_scoped3A : memref<!tpu.dma_semaphore, #tpu.memory_space<semaphore_mem>>)
        %dma_wait3A_31 = arith.constant 0 : i32
        %dma_wait3A_32 = tpu.memref_slice %arg4[%mul3A_22, %dma_wait3A_31] : memref<100352x128xf32, #tpu.memory_space<hbm>> -> memref<128x128xf32, #tpu.memory_space<hbm>>
        %dma_wait3A_33 = arith.constant 0 : i32
        %dma_wait3A_34 = tpu.memref_slice %arg4[%mul3A_22, %dma_wait3A_33] : memref<100352x128xf32, #tpu.memory_space<hbm>> -> memref<128x128xf32, #tpu.memory_space<hbm>>
        tpu.wait_dma2 semaphore(%run_scoped3A : memref<!tpu.dma_semaphore, #tpu.memory_space<semaphore_mem>>) src(%arg6 : memref<128x128xf32, #tpu.memory_space<vmem>>) dst(%dma_wait3A_34 : memref<128x128xf32, #tpu.memory_space<hbm>>)
        tpu.yield
      }) : () -> ()
    }
    %while3A_18 = arith.constant 1 : i32
    scf.for %while3A_19 = %while3A_16 to %while3A_12 step %while3A_18  : i32 {
      %add3A_20 = arith.addi %select_n3A_9, %while3A_19 : i32
      %mul3A_21 = arith.constant 128 : i32
      %mul3A_22 = arith.muli %add3A_20, %mul3A_21 : i32
      "tpu.region"() ({
        %run_scoped3A = tpu.sem_alloc : memref<!tpu.dma_semaphore, #tpu.memory_space<semaphore_mem>>
        %dma_start3A_27 = tpu.memref_slice %arg3[%mul3A_22] : memref<100352xi32, #tpu.memory_space<hbm>> -> memref<128xi32, #tpu.memory_space<hbm>>
        %dma_start3A_28 = tpu.memref_slice %arg3[%mul3A_22] : memref<100352xi32, #tpu.memory_space<hbm>> -> memref<128xi32, #tpu.memory_space<hbm>>
        tpu.enqueue_dma source(%dma_start3A_28 : memref<128xi32, #tpu.memory_space<hbm>>) target(%arg5 : memref<128xi32, #tpu.memory_space<vmem>>) target_semaphore(%run_scoped3A : memref<!tpu.dma_semaphore, #tpu.memory_space<semaphore_mem>>)
        %dma_wait3A_29 = tpu.memref_slice %arg3[%mul3A_22] : memref<100352xi32, #tpu.memory_space<hbm>> -> memref<128xi32, #tpu.memory_space<hbm>>
        %dma_wait3A_30 = tpu.memref_slice %arg3[%mul3A_22] : memref<100352xi32, #tpu.memory_space<hbm>> -> memref<128xi32, #tpu.memory_space<hbm>>
        tpu.wait_dma2 semaphore(%run_scoped3A : memref<!tpu.dma_semaphore, #tpu.memory_space<semaphore_mem>>) src(%dma_wait3A_30 : memref<128xi32, #tpu.memory_space<hbm>>) dst(%arg5 : memref<128xi32, #tpu.memory_space<vmem>>)
        tpu.yield
      }) : () -> ()
      %dma_start3A = arith.constant 0 : i32
      %dma_start3A_23 = arith.constant 0 : i32
      %dma_start3A_24 = tpu.memref_slice %arg2[%dma_start3A, %dma_start3A_23] : memref<10240x128xf32, #tpu.memory_space<hbm>> -> memref<10240x128xf32, #tpu.memory_space<hbm>>
      tpu.enqueue_indirect_dma source(%dma_start3A_24 : memref<10240x128xf32, #tpu.memory_space<hbm>>) target(%arg6 : memref<128x128xf32, #tpu.memory_space<vmem>>) offsets(%arg5 : memref<128xi32, #tpu.memory_space<vmem>>) semaphore(%arg7 : memref<!tpu.dma_semaphore, #tpu.memory_space<semaphore_mem>>)
      %dma_wait3A = arith.constant 0 : i32
      %dma_wait3A_25 = arith.constant 0 : i32
      %dma_wait3A_26 = tpu.memref_slice %arg2[%dma_wait3A, %dma_wait3A_25] : memref<10240x128xf32, #tpu.memory_space<hbm>> -> memref<10240x128xf32, #tpu.memory_space<hbm>>
      tpu.wait_indirect_dma semaphore(%arg7 : memref<!tpu.dma_semaphore, #tpu.memory_space<semaphore_mem>>) src(%dma_wait3A_26 : memref<10240x128xf32, #tpu.memory_space<hbm>>) dst(%arg6 : memref<128x128xf32, #tpu.memory_space<vmem>>)
      "tpu.region"() ({
        %run_scoped3A = tpu.sem_alloc : memref<!tpu.dma_semaphore, #tpu.memory_space<semaphore_mem>>
        %dma_start3A_27 = arith.constant 0 : i32
        %dma_start3A_28 = tpu.memref_slice %arg4[%mul3A_22, %dma_start3A_27] : memref<100352x128xf32, #tpu.memory_space<hbm>> -> memref<128x128xf32, #tpu.memory_space<hbm>>
        %dma_start3A_29 = arith.constant 0 : i32
        %dma_start3A_30 = tpu.memref_slice %arg4[%mul3A_22, %dma_start3A_29] : memref<100352x128xf32, #tpu.memory_space<hbm>> -> memref<128x128xf32, #tpu.memory_space<hbm>>
        tpu.enqueue_dma source(%arg6 : memref<128x128xf32, #tpu.memory_space<vmem>>) target(%dma_start3A_30 : memref<128x128xf32, #tpu.memory_space<hbm>>) target_semaphore(%run_scoped3A : memref<!tpu.dma_semaphore, #tpu.memory_space<semaphore_mem>>)
        %dma_wait3A_31 = arith.constant 0 : i32
        %dma_wait3A_32 = tpu.memref_slice %arg4[%mul3A_22, %dma_wait3A_31] : memref<100352x128xf32, #tpu.memory_space<hbm>> -> memref<128x128xf32, #tpu.memory_space<hbm>>
        %dma_wait3A_33 = arith.constant 0 : i32
        %dma_wait3A_34 = tpu.memref_slice %arg4[%mul3A_22, %dma_wait3A_33] : memref<100352x128xf32, #tpu.memory_space<hbm>> -> memref<128x128xf32, #tpu.memory_space<hbm>>
        tpu.wait_dma2 semaphore(%run_scoped3A : memref<!tpu.dma_semaphore, #tpu.memory_space<semaphore_mem>>) src(%arg6 : memref<128x128xf32, #tpu.memory_space<vmem>>) dst(%dma_wait3A_34 : memref<128x128xf32, #tpu.memory_space<hbm>>)
        tpu.yield
      }) : () -> ()
    }
    return
  }
}

#map = affine_map<(d0, d1) -> (0, 0)>
#map1 = affine_map<(d0, d1) -> (0)>
module attributes {stable_mosaic.version = 14 : i64} {
  func.func @seg(%arg0: i32, %arg1: i32, %arg2: memref<10240x128xf32, #tpu.memory_space<hbm>>, %arg3: memref<321536xi32, #tpu.memory_space<hbm>>, %arg4: memref<321536xi32, #tpu.memory_space<hbm>>, %arg5: memref<10240x128xf32, #tpu.memory_space<hbm>>, %arg6: memref<20480x128xf32, #tpu.memory_space<hbm>>, %arg7: memref<128xi32, #tpu.memory_space<vmem>>, %arg8: memref<128xi32, #tpu.memory_space<vmem>>, %arg9: memref<128x128xf32, #tpu.memory_space<vmem>>, %arg10: memref<10240x128xf32, #tpu.memory_space<vmem_shared>>, %arg11: memref<!tpu.dma_semaphore, #tpu.memory_space<semaphore_mem>>) attributes {dimension_semantics = [#tpu.dimension_semantics<core_parallel>, #tpu.dimension_semantics<subcore_parallel>], iteration_bounds = array<i64: 2, 16>, scalar_prefetch = 0 : i64, scratch_operands = 5 : i64, tpu.core_type = #tpu.core_type<sc_vector_subcore>, window_params = [{transform_indices = #map}, {transform_indices = #map1}, {transform_indices = #map1}, {transform_indices = #map}, {transform_indices = #map}]} {
    %eq3A = arith.constant 0 : i32
    %eq3A_0 = arith.cmpi eq, %arg0, %eq3A : i32
    %select_n3A = arith.constant 66 : i32
    %select_n3A_1 = arith.constant 91 : i32
    %select_n3A_2 = arith.select %eq3A_0, %select_n3A_1, %select_n3A : i32
    %eq3A_3 = arith.constant 0 : i32
    %eq3A_4 = arith.cmpi eq, %arg0, %eq3A_3 : i32
    %mul3A = arith.constant 91 : i32
    %mul3A_5 = arith.muli %arg1, %mul3A : i32
    %mul3A_6 = arith.constant 66 : i32
    %mul3A_7 = arith.muli %arg1, %mul3A_6 : i32
    %add3A = arith.constant 1456 : i32
    %add3A_8 = arith.addi %add3A, %mul3A_7 : i32
    %select_n3A_9 = arith.select %eq3A_4, %mul3A_5, %add3A_8 : i32
    %mul3A_10 = arith.constant 640 : i32
    %mul3A_11 = arith.muli %arg1, %mul3A_10 : i32
    %mul3A_12 = arith.constant 640 : i32
    %mul3A_13 = arith.muli %arg1, %mul3A_12 : i32
    "tpu.region"() ({
      %run_scoped3A = tpu.sem_alloc : memref<!tpu.dma_semaphore, #tpu.memory_space<semaphore_mem>>
      %dma_start3A = arith.constant 0 : i32
      %dma_start3A_31 = tpu.memref_slice %arg10[%mul3A_13, %dma_start3A] : memref<10240x128xf32, #tpu.memory_space<vmem_shared>> -> memref<640x128xf32, #tpu.memory_space<vmem_shared>>
      %dma_start3A_32 = arith.constant 0 : i32
      %dma_start3A_33 = tpu.memref_slice %arg5[%mul3A_11, %dma_start3A_32] : memref<10240x128xf32, #tpu.memory_space<hbm>> -> memref<640x128xf32, #tpu.memory_space<hbm>>
      tpu.enqueue_dma source(%dma_start3A_33 : memref<640x128xf32, #tpu.memory_space<hbm>>) target(%dma_start3A_31 : memref<640x128xf32, #tpu.memory_space<vmem_shared>>) target_semaphore(%run_scoped3A : memref<!tpu.dma_semaphore, #tpu.memory_space<semaphore_mem>>)
      %dma_wait3A = arith.constant 0 : i32
      %dma_wait3A_34 = tpu.memref_slice %arg10[%mul3A_13, %dma_wait3A] : memref<10240x128xf32, #tpu.memory_space<vmem_shared>> -> memref<640x128xf32, #tpu.memory_space<vmem_shared>>
      %dma_wait3A_35 = arith.constant 0 : i32
      %dma_wait3A_36 = tpu.memref_slice %arg5[%mul3A_11, %dma_wait3A_35] : memref<10240x128xf32, #tpu.memory_space<hbm>> -> memref<640x128xf32, #tpu.memory_space<hbm>>
      tpu.wait_dma2 semaphore(%run_scoped3A : memref<!tpu.dma_semaphore, #tpu.memory_space<semaphore_mem>>) src(%dma_wait3A_36 : memref<640x128xf32, #tpu.memory_space<hbm>>) dst(%dma_wait3A_34 : memref<640x128xf32, #tpu.memory_space<vmem_shared>>)
      tpu.yield
    }) : () -> ()
    %barrier3A = arith.constant 0 : index
    tpu.barrier barrier_id(%barrier3A)
    %while3A = arith.constant 0 : i32
    %while3A_14 = arith.constant 0 : i32
    %while3A_15 = arith.subi %select_n3A_2, %while3A_14 : i32
    %while3A_16 = arith.addi %while3A_14, %while3A_15 : i32
    %while3A_17 = arith.constant 1 : i32
    %while3A_18 = arith.divsi %while3A_15, %while3A_17 : i32
    %while3A_19 = arith.muli %while3A_18, %while3A_17 : i32
    %while3A_20 = arith.addi %while3A_14, %while3A_19 : i32
    %while3A_21 = arith.constant 1 : i32
    scf.for %while3A_31 = %while3A_14 to %while3A_20 step %while3A_21  : i32 {
      %add3A_32 = arith.addi %select_n3A_9, %while3A_31 : i32
      %mul3A_33 = arith.constant 128 : i32
      %mul3A_34 = arith.muli %add3A_32, %mul3A_33 : i32
      "tpu.region"() ({
        %run_scoped3A = tpu.sem_alloc : memref<!tpu.dma_semaphore, #tpu.memory_space<semaphore_mem>>
        %dma_start3A_39 = tpu.memref_slice %arg3[%mul3A_34] : memref<321536xi32, #tpu.memory_space<hbm>> -> memref<128xi32, #tpu.memory_space<hbm>>
        %dma_start3A_40 = tpu.memref_slice %arg3[%mul3A_34] : memref<321536xi32, #tpu.memory_space<hbm>> -> memref<128xi32, #tpu.memory_space<hbm>>
        tpu.enqueue_dma source(%dma_start3A_40 : memref<128xi32, #tpu.memory_space<hbm>>) target(%arg7 : memref<128xi32, #tpu.memory_space<vmem>>) target_semaphore(%run_scoped3A : memref<!tpu.dma_semaphore, #tpu.memory_space<semaphore_mem>>)
        %dma_wait3A_41 = tpu.memref_slice %arg3[%mul3A_34] : memref<321536xi32, #tpu.memory_space<hbm>> -> memref<128xi32, #tpu.memory_space<hbm>>
        %dma_wait3A_42 = tpu.memref_slice %arg3[%mul3A_34] : memref<321536xi32, #tpu.memory_space<hbm>> -> memref<128xi32, #tpu.memory_space<hbm>>
        tpu.wait_dma2 semaphore(%run_scoped3A : memref<!tpu.dma_semaphore, #tpu.memory_space<semaphore_mem>>) src(%dma_wait3A_42 : memref<128xi32, #tpu.memory_space<hbm>>) dst(%arg7 : memref<128xi32, #tpu.memory_space<vmem>>)
        tpu.yield
      }) : () -> ()
      "tpu.region"() ({
        %run_scoped3A = tpu.sem_alloc : memref<!tpu.dma_semaphore, #tpu.memory_space<semaphore_mem>>
        %dma_start3A_39 = tpu.memref_slice %arg4[%mul3A_34] : memref<321536xi32, #tpu.memory_space<hbm>> -> memref<128xi32, #tpu.memory_space<hbm>>
        %dma_start3A_40 = tpu.memref_slice %arg4[%mul3A_34] : memref<321536xi32, #tpu.memory_space<hbm>> -> memref<128xi32, #tpu.memory_space<hbm>>
        tpu.enqueue_dma source(%dma_start3A_40 : memref<128xi32, #tpu.memory_space<hbm>>) target(%arg8 : memref<128xi32, #tpu.memory_space<vmem>>) target_semaphore(%run_scoped3A : memref<!tpu.dma_semaphore, #tpu.memory_space<semaphore_mem>>)
        %dma_wait3A_41 = tpu.memref_slice %arg4[%mul3A_34] : memref<321536xi32, #tpu.memory_space<hbm>> -> memref<128xi32, #tpu.memory_space<hbm>>
        %dma_wait3A_42 = tpu.memref_slice %arg4[%mul3A_34] : memref<321536xi32, #tpu.memory_space<hbm>> -> memref<128xi32, #tpu.memory_space<hbm>>
        tpu.wait_dma2 semaphore(%run_scoped3A : memref<!tpu.dma_semaphore, #tpu.memory_space<semaphore_mem>>) src(%dma_wait3A_42 : memref<128xi32, #tpu.memory_space<hbm>>) dst(%arg8 : memref<128xi32, #tpu.memory_space<vmem>>)
        tpu.yield
      }) : () -> ()
      %dma_start3A = arith.constant 0 : i32
      %dma_start3A_35 = arith.constant 0 : i32
      %dma_start3A_36 = tpu.memref_slice %arg2[%dma_start3A, %dma_start3A_35] : memref<10240x128xf32, #tpu.memory_space<hbm>> -> memref<10240x128xf32, #tpu.memory_space<hbm>>
      tpu.enqueue_indirect_dma source(%dma_start3A_36 : memref<10240x128xf32, #tpu.memory_space<hbm>>) target(%arg9 : memref<128x128xf32, #tpu.memory_space<vmem>>) offsets(%arg7 : memref<128xi32, #tpu.memory_space<vmem>>) semaphore(%arg11 : memref<!tpu.dma_semaphore, #tpu.memory_space<semaphore_mem>>)
      %dma_wait3A = arith.constant 0 : i32
      %dma_wait3A_37 = arith.constant 0 : i32
      %dma_wait3A_38 = tpu.memref_slice %arg2[%dma_wait3A, %dma_wait3A_37] : memref<10240x128xf32, #tpu.memory_space<hbm>> -> memref<10240x128xf32, #tpu.memory_space<hbm>>
      tpu.wait_indirect_dma semaphore(%arg11 : memref<!tpu.dma_semaphore, #tpu.memory_space<semaphore_mem>>) src(%dma_wait3A_38 : memref<10240x128xf32, #tpu.memory_space<hbm>>) dst(%arg9 : memref<128x128xf32, #tpu.memory_space<vmem>>)
      "tpu.region"() ({
        %run_scoped3A = tpu.sem_alloc : memref<!tpu.dma_semaphore, #tpu.memory_space<semaphore_mem>>
        %dma_start3A_39 = arith.constant 0 : i32
        %dma_start3A_40 = arith.constant 0 : i32
        %dma_start3A_41 = tpu.memref_slice %arg10[%dma_start3A_39, %dma_start3A_40] : memref<10240x128xf32, #tpu.memory_space<vmem_shared>> -> memref<10240x128xf32, #tpu.memory_space<vmem_shared>>
        tpu.enqueue_indirect_dma source(%arg9 : memref<128x128xf32, #tpu.memory_space<vmem>>) target(%dma_start3A_41 : memref<10240x128xf32, #tpu.memory_space<vmem_shared>>) offsets(%arg8 : memref<128xi32, #tpu.memory_space<vmem>>) semaphore(%run_scoped3A : memref<!tpu.dma_semaphore, #tpu.memory_space<semaphore_mem>>) {add = true}
        %dma_wait3A_42 = arith.constant 0 : i32
        %dma_wait3A_43 = arith.constant 0 : i32
        %dma_wait3A_44 = tpu.memref_slice %arg10[%dma_wait3A_42, %dma_wait3A_43] : memref<10240x128xf32, #tpu.memory_space<vmem_shared>> -> memref<10240x128xf32, #tpu.memory_space<vmem_shared>>
        tpu.wait_indirect_dma semaphore(%run_scoped3A : memref<!tpu.dma_semaphore, #tpu.memory_space<semaphore_mem>>) src(%arg9 : memref<128x128xf32, #tpu.memory_space<vmem>>) dst(%dma_wait3A_44 : memref<10240x128xf32, #tpu.memory_space<vmem_shared>>)
        tpu.yield
      }) : () -> ()
    }
    %while3A_22 = arith.constant 1 : i32
    scf.for %while3A_31 = %while3A_20 to %while3A_16 step %while3A_22  : i32 {
      %add3A_32 = arith.addi %select_n3A_9, %while3A_31 : i32
      %mul3A_33 = arith.constant 128 : i32
      %mul3A_34 = arith.muli %add3A_32, %mul3A_33 : i32
      "tpu.region"() ({
        %run_scoped3A = tpu.sem_alloc : memref<!tpu.dma_semaphore, #tpu.memory_space<semaphore_mem>>
        %dma_start3A_39 = tpu.memref_slice %arg3[%mul3A_34] : memref<321536xi32, #tpu.memory_space<hbm>> -> memref<128xi32, #tpu.memory_space<hbm>>
        %dma_start3A_40 = tpu.memref_slice %arg3[%mul3A_34] : memref<321536xi32, #tpu.memory_space<hbm>> -> memref<128xi32, #tpu.memory_space<hbm>>
        tpu.enqueue_dma source(%dma_start3A_40 : memref<128xi32, #tpu.memory_space<hbm>>) target(%arg7 : memref<128xi32, #tpu.memory_space<vmem>>) target_semaphore(%run_scoped3A : memref<!tpu.dma_semaphore, #tpu.memory_space<semaphore_mem>>)
        %dma_wait3A_41 = tpu.memref_slice %arg3[%mul3A_34] : memref<321536xi32, #tpu.memory_space<hbm>> -> memref<128xi32, #tpu.memory_space<hbm>>
        %dma_wait3A_42 = tpu.memref_slice %arg3[%mul3A_34] : memref<321536xi32, #tpu.memory_space<hbm>> -> memref<128xi32, #tpu.memory_space<hbm>>
        tpu.wait_dma2 semaphore(%run_scoped3A : memref<!tpu.dma_semaphore, #tpu.memory_space<semaphore_mem>>) src(%dma_wait3A_42 : memref<128xi32, #tpu.memory_space<hbm>>) dst(%arg7 : memref<128xi32, #tpu.memory_space<vmem>>)
        tpu.yield
      }) : () -> ()
      "tpu.region"() ({
        %run_scoped3A = tpu.sem_alloc : memref<!tpu.dma_semaphore, #tpu.memory_space<semaphore_mem>>
        %dma_start3A_39 = tpu.memref_slice %arg4[%mul3A_34] : memref<321536xi32, #tpu.memory_space<hbm>> -> memref<128xi32, #tpu.memory_space<hbm>>
        %dma_start3A_40 = tpu.memref_slice %arg4[%mul3A_34] : memref<321536xi32, #tpu.memory_space<hbm>> -> memref<128xi32, #tpu.memory_space<hbm>>
        tpu.enqueue_dma source(%dma_start3A_40 : memref<128xi32, #tpu.memory_space<hbm>>) target(%arg8 : memref<128xi32, #tpu.memory_space<vmem>>) target_semaphore(%run_scoped3A : memref<!tpu.dma_semaphore, #tpu.memory_space<semaphore_mem>>)
        %dma_wait3A_41 = tpu.memref_slice %arg4[%mul3A_34] : memref<321536xi32, #tpu.memory_space<hbm>> -> memref<128xi32, #tpu.memory_space<hbm>>
        %dma_wait3A_42 = tpu.memref_slice %arg4[%mul3A_34] : memref<321536xi32, #tpu.memory_space<hbm>> -> memref<128xi32, #tpu.memory_space<hbm>>
        tpu.wait_dma2 semaphore(%run_scoped3A : memref<!tpu.dma_semaphore, #tpu.memory_space<semaphore_mem>>) src(%dma_wait3A_42 : memref<128xi32, #tpu.memory_space<hbm>>) dst(%arg8 : memref<128xi32, #tpu.memory_space<vmem>>)
        tpu.yield
      }) : () -> ()
      %dma_start3A = arith.constant 0 : i32
      %dma_start3A_35 = arith.constant 0 : i32
      %dma_start3A_36 = tpu.memref_slice %arg2[%dma_start3A, %dma_start3A_35] : memref<10240x128xf32, #tpu.memory_space<hbm>> -> memref<10240x128xf32, #tpu.memory_space<hbm>>
      tpu.enqueue_indirect_dma source(%dma_start3A_36 : memref<10240x128xf32, #tpu.memory_space<hbm>>) target(%arg9 : memref<128x128xf32, #tpu.memory_space<vmem>>) offsets(%arg7 : memref<128xi32, #tpu.memory_space<vmem>>) semaphore(%arg11 : memref<!tpu.dma_semaphore, #tpu.memory_space<semaphore_mem>>)
      %dma_wait3A = arith.constant 0 : i32
      %dma_wait3A_37 = arith.constant 0 : i32
      %dma_wait3A_38 = tpu.memref_slice %arg2[%dma_wait3A, %dma_wait3A_37] : memref<10240x128xf32, #tpu.memory_space<hbm>> -> memref<10240x128xf32, #tpu.memory_space<hbm>>
      tpu.wait_indirect_dma semaphore(%arg11 : memref<!tpu.dma_semaphore, #tpu.memory_space<semaphore_mem>>) src(%dma_wait3A_38 : memref<10240x128xf32, #tpu.memory_space<hbm>>) dst(%arg9 : memref<128x128xf32, #tpu.memory_space<vmem>>)
      "tpu.region"() ({
        %run_scoped3A = tpu.sem_alloc : memref<!tpu.dma_semaphore, #tpu.memory_space<semaphore_mem>>
        %dma_start3A_39 = arith.constant 0 : i32
        %dma_start3A_40 = arith.constant 0 : i32
        %dma_start3A_41 = tpu.memref_slice %arg10[%dma_start3A_39, %dma_start3A_40] : memref<10240x128xf32, #tpu.memory_space<vmem_shared>> -> memref<10240x128xf32, #tpu.memory_space<vmem_shared>>
        tpu.enqueue_indirect_dma source(%arg9 : memref<128x128xf32, #tpu.memory_space<vmem>>) target(%dma_start3A_41 : memref<10240x128xf32, #tpu.memory_space<vmem_shared>>) offsets(%arg8 : memref<128xi32, #tpu.memory_space<vmem>>) semaphore(%run_scoped3A : memref<!tpu.dma_semaphore, #tpu.memory_space<semaphore_mem>>) {add = true}
        %dma_wait3A_42 = arith.constant 0 : i32
        %dma_wait3A_43 = arith.constant 0 : i32
        %dma_wait3A_44 = tpu.memref_slice %arg10[%dma_wait3A_42, %dma_wait3A_43] : memref<10240x128xf32, #tpu.memory_space<vmem_shared>> -> memref<10240x128xf32, #tpu.memory_space<vmem_shared>>
        tpu.wait_indirect_dma semaphore(%run_scoped3A : memref<!tpu.dma_semaphore, #tpu.memory_space<semaphore_mem>>) src(%arg9 : memref<128x128xf32, #tpu.memory_space<vmem>>) dst(%dma_wait3A_44 : memref<10240x128xf32, #tpu.memory_space<vmem_shared>>)
        tpu.yield
      }) : () -> ()
    }
    %barrier3A_23 = arith.constant 0 : index
    tpu.barrier barrier_id(%barrier3A_23)
    %mul3A_24 = arith.constant 640 : i32
    %mul3A_25 = arith.muli %arg1, %mul3A_24 : i32
    %mul3A_26 = arith.constant 10240 : i32
    %mul3A_27 = arith.muli %arg0, %mul3A_26 : i32
    %mul3A_28 = arith.constant 640 : i32
    %mul3A_29 = arith.muli %arg1, %mul3A_28 : i32
    %add3A_30 = arith.addi %mul3A_27, %mul3A_29 : i32
    "tpu.region"() ({
      %run_scoped3A = tpu.sem_alloc : memref<!tpu.dma_semaphore, #tpu.memory_space<semaphore_mem>>
      %dma_start3A = arith.constant 0 : i32
      %dma_start3A_31 = tpu.memref_slice %arg6[%add3A_30, %dma_start3A] : memref<20480x128xf32, #tpu.memory_space<hbm>> -> memref<640x128xf32, #tpu.memory_space<hbm>>
      %dma_start3A_32 = arith.constant 0 : i32
      %dma_start3A_33 = tpu.memref_slice %arg10[%mul3A_25, %dma_start3A_32] : memref<10240x128xf32, #tpu.memory_space<vmem_shared>> -> memref<640x128xf32, #tpu.memory_space<vmem_shared>>
      tpu.enqueue_dma source(%dma_start3A_33 : memref<640x128xf32, #tpu.memory_space<vmem_shared>>) target(%dma_start3A_31 : memref<640x128xf32, #tpu.memory_space<hbm>>) target_semaphore(%run_scoped3A : memref<!tpu.dma_semaphore, #tpu.memory_space<semaphore_mem>>)
      %dma_wait3A = arith.constant 0 : i32
      %dma_wait3A_34 = tpu.memref_slice %arg6[%add3A_30, %dma_wait3A] : memref<20480x128xf32, #tpu.memory_space<hbm>> -> memref<640x128xf32, #tpu.memory_space<hbm>>
      %dma_wait3A_35 = arith.constant 0 : i32
      %dma_wait3A_36 = tpu.memref_slice %arg10[%mul3A_25, %dma_wait3A_35] : memref<10240x128xf32, #tpu.memory_space<vmem_shared>> -> memref<640x128xf32, #tpu.memory_space<vmem_shared>>
      tpu.wait_dma2 semaphore(%run_scoped3A : memref<!tpu.dma_semaphore, #tpu.memory_space<semaphore_mem>>) src(%dma_wait3A_36 : memref<640x128xf32, #tpu.memory_space<vmem_shared>>) dst(%dma_wait3A_34 : memref<640x128xf32, #tpu.memory_space<hbm>>)
      tpu.yield
    }) : () -> ()
    return
  }
}

#map = affine_map<(d0, d1) -> (0, 0)>
#map1 = affine_map<(d0, d1) -> (0)>
module attributes {stable_mosaic.version = 14 : i64} {
  func.func @seg(%arg0: i32, %arg1: i32, %arg2: memref<10240x128xf32, #tpu.memory_space<hbm>>, %arg3: memref<321536xi32, #tpu.memory_space<hbm>>, %arg4: memref<321536xi32, #tpu.memory_space<hbm>>, %arg5: memref<10240x128xf32, #tpu.memory_space<hbm>>, %arg6: memref<20480x128xf32, #tpu.memory_space<hbm>>, %arg7: memref<128xi32, #tpu.memory_space<vmem>>, %arg8: memref<128xi32, #tpu.memory_space<vmem>>, %arg9: memref<128x128xf32, #tpu.memory_space<vmem>>, %arg10: memref<10240x128xf32, #tpu.memory_space<vmem_shared>>, %arg11: memref<!tpu.dma_semaphore, #tpu.memory_space<semaphore_mem>>) attributes {dimension_semantics = [#tpu.dimension_semantics<core_parallel>, #tpu.dimension_semantics<subcore_parallel>], iteration_bounds = array<i64: 2, 16>, scalar_prefetch = 0 : i64, scratch_operands = 5 : i64, tpu.core_type = #tpu.core_type<sc_vector_subcore>, window_params = [{transform_indices = #map}, {transform_indices = #map1}, {transform_indices = #map1}, {transform_indices = #map}, {transform_indices = #map}]} {
    %eq3A = arith.constant 0 : i32
    %eq3A_0 = arith.cmpi eq, %arg0, %eq3A : i32
    %select_n3A = arith.constant 66 : i32
    %select_n3A_1 = arith.constant 91 : i32
    %select_n3A_2 = arith.select %eq3A_0, %select_n3A_1, %select_n3A : i32
    %eq3A_3 = arith.constant 0 : i32
    %eq3A_4 = arith.cmpi eq, %arg0, %eq3A_3 : i32
    %mul3A = arith.constant 91 : i32
    %mul3A_5 = arith.muli %arg1, %mul3A : i32
    %mul3A_6 = arith.constant 66 : i32
    %mul3A_7 = arith.muli %arg1, %mul3A_6 : i32
    %add3A = arith.constant 1456 : i32
    %add3A_8 = arith.addi %add3A, %mul3A_7 : i32
    %select_n3A_9 = arith.select %eq3A_4, %mul3A_5, %add3A_8 : i32
    %mul3A_10 = arith.constant 640 : i32
    %mul3A_11 = arith.muli %arg1, %mul3A_10 : i32
    %mul3A_12 = arith.constant 640 : i32
    %mul3A_13 = arith.muli %arg1, %mul3A_12 : i32
    "tpu.region"() ({
      %run_scoped3A = tpu.sem_alloc : memref<!tpu.dma_semaphore, #tpu.memory_space<semaphore_mem>>
      %dma_start3A = arith.constant 0 : i32
      %dma_start3A_31 = tpu.memref_slice %arg10[%mul3A_13, %dma_start3A] : memref<10240x128xf32, #tpu.memory_space<vmem_shared>> -> memref<640x128xf32, #tpu.memory_space<vmem_shared>>
      %dma_start3A_32 = arith.constant 0 : i32
      %dma_start3A_33 = tpu.memref_slice %arg5[%mul3A_11, %dma_start3A_32] : memref<10240x128xf32, #tpu.memory_space<hbm>> -> memref<640x128xf32, #tpu.memory_space<hbm>>
      tpu.enqueue_dma source(%dma_start3A_33 : memref<640x128xf32, #tpu.memory_space<hbm>>) target(%dma_start3A_31 : memref<640x128xf32, #tpu.memory_space<vmem_shared>>) target_semaphore(%run_scoped3A : memref<!tpu.dma_semaphore, #tpu.memory_space<semaphore_mem>>)
      %dma_wait3A = arith.constant 0 : i32
      %dma_wait3A_34 = tpu.memref_slice %arg10[%mul3A_13, %dma_wait3A] : memref<10240x128xf32, #tpu.memory_space<vmem_shared>> -> memref<640x128xf32, #tpu.memory_space<vmem_shared>>
      %dma_wait3A_35 = arith.constant 0 : i32
      %dma_wait3A_36 = tpu.memref_slice %arg5[%mul3A_11, %dma_wait3A_35] : memref<10240x128xf32, #tpu.memory_space<hbm>> -> memref<640x128xf32, #tpu.memory_space<hbm>>
      tpu.wait_dma2 semaphore(%run_scoped3A : memref<!tpu.dma_semaphore, #tpu.memory_space<semaphore_mem>>) src(%dma_wait3A_36 : memref<640x128xf32, #tpu.memory_space<hbm>>) dst(%dma_wait3A_34 : memref<640x128xf32, #tpu.memory_space<vmem_shared>>)
      tpu.yield
    }) : () -> ()
    %barrier3A = arith.constant 0 : index
    tpu.barrier barrier_id(%barrier3A)
    %while3A = arith.constant 0 : i32
    %while3A_14 = arith.constant 0 : i32
    %while3A_15 = arith.subi %select_n3A_2, %while3A_14 : i32
    %while3A_16 = arith.addi %while3A_14, %while3A_15 : i32
    %while3A_17 = arith.constant 1 : i32
    %while3A_18 = arith.divsi %while3A_15, %while3A_17 : i32
    %while3A_19 = arith.muli %while3A_18, %while3A_17 : i32
    %while3A_20 = arith.addi %while3A_14, %while3A_19 : i32
    %while3A_21 = arith.constant 1 : i32
    scf.for %while3A_31 = %while3A_14 to %while3A_20 step %while3A_21  : i32 {
      %add3A_32 = arith.addi %select_n3A_9, %while3A_31 : i32
      %mul3A_33 = arith.constant 128 : i32
      %mul3A_34 = arith.muli %add3A_32, %mul3A_33 : i32
      "tpu.region"() ({
        %run_scoped3A = tpu.sem_alloc : memref<!tpu.dma_semaphore, #tpu.memory_space<semaphore_mem>>
        %dma_start3A_39 = tpu.memref_slice %arg3[%mul3A_34] : memref<321536xi32, #tpu.memory_space<hbm>> -> memref<128xi32, #tpu.memory_space<hbm>>
        %dma_start3A_40 = tpu.memref_slice %arg3[%mul3A_34] : memref<321536xi32, #tpu.memory_space<hbm>> -> memref<128xi32, #tpu.memory_space<hbm>>
        tpu.enqueue_dma source(%dma_start3A_40 : memref<128xi32, #tpu.memory_space<hbm>>) target(%arg7 : memref<128xi32, #tpu.memory_space<vmem>>) target_semaphore(%run_scoped3A : memref<!tpu.dma_semaphore, #tpu.memory_space<semaphore_mem>>)
        %dma_wait3A_41 = tpu.memref_slice %arg3[%mul3A_34] : memref<321536xi32, #tpu.memory_space<hbm>> -> memref<128xi32, #tpu.memory_space<hbm>>
        %dma_wait3A_42 = tpu.memref_slice %arg3[%mul3A_34] : memref<321536xi32, #tpu.memory_space<hbm>> -> memref<128xi32, #tpu.memory_space<hbm>>
        tpu.wait_dma2 semaphore(%run_scoped3A : memref<!tpu.dma_semaphore, #tpu.memory_space<semaphore_mem>>) src(%dma_wait3A_42 : memref<128xi32, #tpu.memory_space<hbm>>) dst(%arg7 : memref<128xi32, #tpu.memory_space<vmem>>)
        tpu.yield
      }) : () -> ()
      "tpu.region"() ({
        %run_scoped3A = tpu.sem_alloc : memref<!tpu.dma_semaphore, #tpu.memory_space<semaphore_mem>>
        %dma_start3A_39 = tpu.memref_slice %arg4[%mul3A_34] : memref<321536xi32, #tpu.memory_space<hbm>> -> memref<128xi32, #tpu.memory_space<hbm>>
        %dma_start3A_40 = tpu.memref_slice %arg4[%mul3A_34] : memref<321536xi32, #tpu.memory_space<hbm>> -> memref<128xi32, #tpu.memory_space<hbm>>
        tpu.enqueue_dma source(%dma_start3A_40 : memref<128xi32, #tpu.memory_space<hbm>>) target(%arg8 : memref<128xi32, #tpu.memory_space<vmem>>) target_semaphore(%run_scoped3A : memref<!tpu.dma_semaphore, #tpu.memory_space<semaphore_mem>>)
        %dma_wait3A_41 = tpu.memref_slice %arg4[%mul3A_34] : memref<321536xi32, #tpu.memory_space<hbm>> -> memref<128xi32, #tpu.memory_space<hbm>>
        %dma_wait3A_42 = tpu.memref_slice %arg4[%mul3A_34] : memref<321536xi32, #tpu.memory_space<hbm>> -> memref<128xi32, #tpu.memory_space<hbm>>
        tpu.wait_dma2 semaphore(%run_scoped3A : memref<!tpu.dma_semaphore, #tpu.memory_space<semaphore_mem>>) src(%dma_wait3A_42 : memref<128xi32, #tpu.memory_space<hbm>>) dst(%arg8 : memref<128xi32, #tpu.memory_space<vmem>>)
        tpu.yield
      }) : () -> ()
      %dma_start3A = arith.constant 0 : i32
      %dma_start3A_35 = arith.constant 0 : i32
      %dma_start3A_36 = tpu.memref_slice %arg2[%dma_start3A, %dma_start3A_35] : memref<10240x128xf32, #tpu.memory_space<hbm>> -> memref<10240x128xf32, #tpu.memory_space<hbm>>
      tpu.enqueue_indirect_dma source(%dma_start3A_36 : memref<10240x128xf32, #tpu.memory_space<hbm>>) target(%arg9 : memref<128x128xf32, #tpu.memory_space<vmem>>) offsets(%arg7 : memref<128xi32, #tpu.memory_space<vmem>>) semaphore(%arg11 : memref<!tpu.dma_semaphore, #tpu.memory_space<semaphore_mem>>)
      %dma_wait3A = arith.constant 0 : i32
      %dma_wait3A_37 = arith.constant 0 : i32
      %dma_wait3A_38 = tpu.memref_slice %arg2[%dma_wait3A, %dma_wait3A_37] : memref<10240x128xf32, #tpu.memory_space<hbm>> -> memref<10240x128xf32, #tpu.memory_space<hbm>>
      tpu.wait_indirect_dma semaphore(%arg11 : memref<!tpu.dma_semaphore, #tpu.memory_space<semaphore_mem>>) src(%dma_wait3A_38 : memref<10240x128xf32, #tpu.memory_space<hbm>>) dst(%arg9 : memref<128x128xf32, #tpu.memory_space<vmem>>)
      "tpu.region"() ({
        %run_scoped3A = tpu.sem_alloc : memref<!tpu.dma_semaphore, #tpu.memory_space<semaphore_mem>>
        %dma_start3A_39 = arith.constant 0 : i32
        %dma_start3A_40 = arith.constant 0 : i32
        %dma_start3A_41 = tpu.memref_slice %arg10[%dma_start3A_39, %dma_start3A_40] : memref<10240x128xf32, #tpu.memory_space<vmem_shared>> -> memref<10240x128xf32, #tpu.memory_space<vmem_shared>>
        tpu.enqueue_indirect_dma source(%arg9 : memref<128x128xf32, #tpu.memory_space<vmem>>) target(%dma_start3A_41 : memref<10240x128xf32, #tpu.memory_space<vmem_shared>>) offsets(%arg8 : memref<128xi32, #tpu.memory_space<vmem>>) semaphore(%run_scoped3A : memref<!tpu.dma_semaphore, #tpu.memory_space<semaphore_mem>>) {add = true}
        %dma_wait3A_42 = arith.constant 0 : i32
        %dma_wait3A_43 = arith.constant 0 : i32
        %dma_wait3A_44 = tpu.memref_slice %arg10[%dma_wait3A_42, %dma_wait3A_43] : memref<10240x128xf32, #tpu.memory_space<vmem_shared>> -> memref<10240x128xf32, #tpu.memory_space<vmem_shared>>
        tpu.wait_indirect_dma semaphore(%run_scoped3A : memref<!tpu.dma_semaphore, #tpu.memory_space<semaphore_mem>>) src(%arg9 : memref<128x128xf32, #tpu.memory_space<vmem>>) dst(%dma_wait3A_44 : memref<10240x128xf32, #tpu.memory_space<vmem_shared>>)
        tpu.yield
      }) : () -> ()
    }
    %while3A_22 = arith.constant 1 : i32
    scf.for %while3A_31 = %while3A_20 to %while3A_16 step %while3A_22  : i32 {
      %add3A_32 = arith.addi %select_n3A_9, %while3A_31 : i32
      %mul3A_33 = arith.constant 128 : i32
      %mul3A_34 = arith.muli %add3A_32, %mul3A_33 : i32
      "tpu.region"() ({
        %run_scoped3A = tpu.sem_alloc : memref<!tpu.dma_semaphore, #tpu.memory_space<semaphore_mem>>
        %dma_start3A_39 = tpu.memref_slice %arg3[%mul3A_34] : memref<321536xi32, #tpu.memory_space<hbm>> -> memref<128xi32, #tpu.memory_space<hbm>>
        %dma_start3A_40 = tpu.memref_slice %arg3[%mul3A_34] : memref<321536xi32, #tpu.memory_space<hbm>> -> memref<128xi32, #tpu.memory_space<hbm>>
        tpu.enqueue_dma source(%dma_start3A_40 : memref<128xi32, #tpu.memory_space<hbm>>) target(%arg7 : memref<128xi32, #tpu.memory_space<vmem>>) target_semaphore(%run_scoped3A : memref<!tpu.dma_semaphore, #tpu.memory_space<semaphore_mem>>)
        %dma_wait3A_41 = tpu.memref_slice %arg3[%mul3A_34] : memref<321536xi32, #tpu.memory_space<hbm>> -> memref<128xi32, #tpu.memory_space<hbm>>
        %dma_wait3A_42 = tpu.memref_slice %arg3[%mul3A_34] : memref<321536xi32, #tpu.memory_space<hbm>> -> memref<128xi32, #tpu.memory_space<hbm>>
        tpu.wait_dma2 semaphore(%run_scoped3A : memref<!tpu.dma_semaphore, #tpu.memory_space<semaphore_mem>>) src(%dma_wait3A_42 : memref<128xi32, #tpu.memory_space<hbm>>) dst(%arg7 : memref<128xi32, #tpu.memory_space<vmem>>)
        tpu.yield
      }) : () -> ()
      "tpu.region"() ({
        %run_scoped3A = tpu.sem_alloc : memref<!tpu.dma_semaphore, #tpu.memory_space<semaphore_mem>>
        %dma_start3A_39 = tpu.memref_slice %arg4[%mul3A_34] : memref<321536xi32, #tpu.memory_space<hbm>> -> memref<128xi32, #tpu.memory_space<hbm>>
        %dma_start3A_40 = tpu.memref_slice %arg4[%mul3A_34] : memref<321536xi32, #tpu.memory_space<hbm>> -> memref<128xi32, #tpu.memory_space<hbm>>
        tpu.enqueue_dma source(%dma_start3A_40 : memref<128xi32, #tpu.memory_space<hbm>>) target(%arg8 : memref<128xi32, #tpu.memory_space<vmem>>) target_semaphore(%run_scoped3A : memref<!tpu.dma_semaphore, #tpu.memory_space<semaphore_mem>>)
        %dma_wait3A_41 = tpu.memref_slice %arg4[%mul3A_34] : memref<321536xi32, #tpu.memory_space<hbm>> -> memref<128xi32, #tpu.memory_space<hbm>>
        %dma_wait3A_42 = tpu.memref_slice %arg4[%mul3A_34] : memref<321536xi32, #tpu.memory_space<hbm>> -> memref<128xi32, #tpu.memory_space<hbm>>
        tpu.wait_dma2 semaphore(%run_scoped3A : memref<!tpu.dma_semaphore, #tpu.memory_space<semaphore_mem>>) src(%dma_wait3A_42 : memref<128xi32, #tpu.memory_space<hbm>>) dst(%arg8 : memref<128xi32, #tpu.memory_space<vmem>>)
        tpu.yield
      }) : () -> ()
      %dma_start3A = arith.constant 0 : i32
      %dma_start3A_35 = arith.constant 0 : i32
      %dma_start3A_36 = tpu.memref_slice %arg2[%dma_start3A, %dma_start3A_35] : memref<10240x128xf32, #tpu.memory_space<hbm>> -> memref<10240x128xf32, #tpu.memory_space<hbm>>
      tpu.enqueue_indirect_dma source(%dma_start3A_36 : memref<10240x128xf32, #tpu.memory_space<hbm>>) target(%arg9 : memref<128x128xf32, #tpu.memory_space<vmem>>) offsets(%arg7 : memref<128xi32, #tpu.memory_space<vmem>>) semaphore(%arg11 : memref<!tpu.dma_semaphore, #tpu.memory_space<semaphore_mem>>)
      %dma_wait3A = arith.constant 0 : i32
      %dma_wait3A_37 = arith.constant 0 : i32
      %dma_wait3A_38 = tpu.memref_slice %arg2[%dma_wait3A, %dma_wait3A_37] : memref<10240x128xf32, #tpu.memory_space<hbm>> -> memref<10240x128xf32, #tpu.memory_space<hbm>>
      tpu.wait_indirect_dma semaphore(%arg11 : memref<!tpu.dma_semaphore, #tpu.memory_space<semaphore_mem>>) src(%dma_wait3A_38 : memref<10240x128xf32, #tpu.memory_space<hbm>>) dst(%arg9 : memref<128x128xf32, #tpu.memory_space<vmem>>)
      "tpu.region"() ({
        %run_scoped3A = tpu.sem_alloc : memref<!tpu.dma_semaphore, #tpu.memory_space<semaphore_mem>>
        %dma_start3A_39 = arith.constant 0 : i32
        %dma_start3A_40 = arith.constant 0 : i32
        %dma_start3A_41 = tpu.memref_slice %arg10[%dma_start3A_39, %dma_start3A_40] : memref<10240x128xf32, #tpu.memory_space<vmem_shared>> -> memref<10240x128xf32, #tpu.memory_space<vmem_shared>>
        tpu.enqueue_indirect_dma source(%arg9 : memref<128x128xf32, #tpu.memory_space<vmem>>) target(%dma_start3A_41 : memref<10240x128xf32, #tpu.memory_space<vmem_shared>>) offsets(%arg8 : memref<128xi32, #tpu.memory_space<vmem>>) semaphore(%run_scoped3A : memref<!tpu.dma_semaphore, #tpu.memory_space<semaphore_mem>>) {add = true}
        %dma_wait3A_42 = arith.constant 0 : i32
        %dma_wait3A_43 = arith.constant 0 : i32
        %dma_wait3A_44 = tpu.memref_slice %arg10[%dma_wait3A_42, %dma_wait3A_43] : memref<10240x128xf32, #tpu.memory_space<vmem_shared>> -> memref<10240x128xf32, #tpu.memory_space<vmem_shared>>
        tpu.wait_indirect_dma semaphore(%run_scoped3A : memref<!tpu.dma_semaphore, #tpu.memory_space<semaphore_mem>>) src(%arg9 : memref<128x128xf32, #tpu.memory_space<vmem>>) dst(%dma_wait3A_44 : memref<10240x128xf32, #tpu.memory_space<vmem_shared>>)
        tpu.yield
      }) : () -> ()
    }
    %barrier3A_23 = arith.constant 0 : index
    tpu.barrier barrier_id(%barrier3A_23)
    %mul3A_24 = arith.constant 640 : i32
    %mul3A_25 = arith.muli %arg1, %mul3A_24 : i32
    %mul3A_26 = arith.constant 10240 : i32
    %mul3A_27 = arith.muli %arg0, %mul3A_26 : i32
    %mul3A_28 = arith.constant 640 : i32
    %mul3A_29 = arith.muli %arg1, %mul3A_28 : i32
    %add3A_30 = arith.addi %mul3A_27, %mul3A_29 : i32
    "tpu.region"() ({
      %run_scoped3A = tpu.sem_alloc : memref<!tpu.dma_semaphore, #tpu.memory_space<semaphore_mem>>
      %dma_start3A = arith.constant 0 : i32
      %dma_start3A_31 = tpu.memref_slice %arg6[%add3A_30, %dma_start3A] : memref<20480x128xf32, #tpu.memory_space<hbm>> -> memref<640x128xf32, #tpu.memory_space<hbm>>
      %dma_start3A_32 = arith.constant 0 : i32
      %dma_start3A_33 = tpu.memref_slice %arg10[%mul3A_25, %dma_start3A_32] : memref<10240x128xf32, #tpu.memory_space<vmem_shared>> -> memref<640x128xf32, #tpu.memory_space<vmem_shared>>
      tpu.enqueue_dma source(%dma_start3A_33 : memref<640x128xf32, #tpu.memory_space<vmem_shared>>) target(%dma_start3A_31 : memref<640x128xf32, #tpu.memory_space<hbm>>) target_semaphore(%run_scoped3A : memref<!tpu.dma_semaphore, #tpu.memory_space<semaphore_mem>>)
      %dma_wait3A = arith.constant 0 : i32
      %dma_wait3A_34 = tpu.memref_slice %arg6[%add3A_30, %dma_wait3A] : memref<20480x128xf32, #tpu.memory_space<hbm>> -> memref<640x128xf32, #tpu.memory_space<hbm>>
      %dma_wait3A_35 = arith.constant 0 : i32
      %dma_wait3A_36 = tpu.memref_slice %arg10[%mul3A_25, %dma_wait3A_35] : memref<10240x128xf32, #tpu.memory_space<vmem_shared>> -> memref<640x128xf32, #tpu.memory_space<vmem_shared>>
      tpu.wait_dma2 semaphore(%run_scoped3A : memref<!tpu.dma_semaphore, #tpu.memory_space<semaphore_mem>>) src(%dma_wait3A_36 : memref<640x128xf32, #tpu.memory_space<vmem_shared>>) dst(%dma_wait3A_34 : memref<640x128xf32, #tpu.memory_space<hbm>>)
      tpu.yield
    }) : () -> ()
    return
  }
}

module attributes {stable_mosaic.version = 14 : i64} {
  func.func @_mm_body(%arg0: i32, %arg1: memref<1024x128xf32, #tpu.memory_space<vmem>>, %arg2: memref<128x128xf32, #tpu.memory_space<vmem>>, %arg3: memref<1024x128xf32, #tpu.memory_space<vmem>>) attributes {dimension_semantics = [#tpu.dimension_semantics<arbitrary>], iteration_bounds = array<i64: 10>, scalar_prefetch = 0 : i64, scratch_operands = 0 : i64, tpu.core_type = #tpu.core_type<tc>, window_params = [{transform_indices = @transform_0, window_bounds = array<i64: 1024, 128>}, {pipeline_mode = #tpu.pipeline_mode<synchronous>, transform_indices = @transform_1, window_bounds = array<i64: 128, 128>}, {transform_indices = @transform_2, window_bounds = array<i64: 1024, 128>}]} {
    %get3A = arith.constant 0 : index
    %get3A_0 = arith.constant 0 : index
    %get3A_1 = vector.load %arg1[%get3A, %get3A_0] : memref<1024x128xf32, #tpu.memory_space<vmem>>, vector<1024x128xf32>
    %get3A_2 = arith.constant 0 : index
    %get3A_3 = arith.constant 0 : index
    %get3A_4 = vector.load %arg2[%get3A_2, %get3A_3] : memref<128x128xf32, #tpu.memory_space<vmem>>, vector<128x128xf32>
    %dot_general3A = arith.constant dense<0.000000e+00> : vector<1024x128xf32>
    %dot_general3A_5 = tpu.matmul %get3A_1, %get3A_4, %dot_general3A {dimension_numbers = #tpu.dot_dimension_numbers<[1], [0], [0], [1], [0, 0, 1, 1], [], []>, transpose_lhs_hint = false} : vector<1024x128xf32>, vector<128x128xf32>, vector<1024x128xf32> -> vector<1024x128xf32>
    %swap3A = arith.constant 0 : index
    %swap3A_6 = arith.constant 0 : index
    %swap3A_7 = vector.load %arg3[%swap3A, %swap3A_6] : memref<1024x128xf32, #tpu.memory_space<vmem>>, vector<1024x128xf32>
    tpu.vector_store %arg3[%swap3A, %swap3A_6], %dot_general3A_5 {strides = array<i32>} : memref<1024x128xf32, #tpu.memory_space<vmem>>, vector<1024x128xf32>,
    return
  }
  func.func @transform_0(%arg0: i32) -> (i32, i32) {
    %c0_i32 = arith.constant 0 : i32
    %c0_i32_0 = arith.constant 0 : i32
    return %arg0, %c0_i32 : i32, i32
  }
  func.func @transform_1(%arg0: i32) -> (i32, i32) {
    %c0_i32 = arith.constant 0 : i32
    %c0_i32_0 = arith.constant 0 : i32
    %c0_i32_1 = arith.constant 0 : i32
    return %c0_i32, %c0_i32_0 : i32, i32
  }
  func.func @transform_2(%arg0: i32) -> (i32, i32) {
    %c0_i32 = arith.constant 0 : i32
    %c0_i32_0 = arith.constant 0 : i32
    return %arg0, %c0_i32 : i32, i32
  }
}

module attributes {stable_mosaic.version = 14 : i64} {
  func.func @_relu_mm_body(%arg0: i32, %arg1: memref<1024x128xf32, #tpu.memory_space<vmem>>, %arg2: memref<1024x128xf32, #tpu.memory_space<vmem>>, %arg3: memref<128x128xf32, #tpu.memory_space<vmem>>, %arg4: memref<1024x128xf32, #tpu.memory_space<vmem>>) attributes {dimension_semantics = [#tpu.dimension_semantics<arbitrary>], iteration_bounds = array<i64: 10>, scalar_prefetch = 0 : i64, scratch_operands = 0 : i64, tpu.core_type = #tpu.core_type<tc>, window_params = [{transform_indices = @transform_0, window_bounds = array<i64: 1024, 128>}, {transform_indices = @transform_1, window_bounds = array<i64: 1024, 128>}, {pipeline_mode = #tpu.pipeline_mode<synchronous>, transform_indices = @transform_2, window_bounds = array<i64: 128, 128>}, {transform_indices = @transform_3, window_bounds = array<i64: 1024, 128>}]} {
    %mul3A = arith.constant 1024 : i32
    %mul3A_0 = arith.muli %arg0, %mul3A : i32
    %iota3A = tpu.iota {dimensions = array<i32: 0>} : vector<1024x1xi32>
    %add3A = vector.broadcast %mul3A_0 : i32 to vector<1024x1xi32>
    %add3A_1 = arith.addi %add3A, %iota3A : vector<1024x1xi32>
    %lt3A = arith.constant 10000 : i32
    %lt3A_2 = vector.broadcast %lt3A : i32 to vector<1024x1xi32>
    %lt3A_3 = arith.cmpi slt, %add3A_1, %lt3A_2 : vector<1024x1xi32>
    %get3A = arith.constant 0 : index
    %get3A_4 = arith.constant 0 : index
    %get3A_5 = vector.load %arg1[%get3A, %get3A_4] : memref<1024x128xf32, #tpu.memory_space<vmem>>, vector<1024x128xf32>
    %get3A_6 = arith.constant 0 : index
    %get3A_7 = arith.constant 0 : index
    %get3A_8 = vector.load %arg2[%get3A_6, %get3A_7] : memref<1024x128xf32, #tpu.memory_space<vmem>>, vector<1024x128xf32>
    %add3A_9 = arith.addf %get3A_5, %get3A_8 : vector<1024x128xf32>
    %max3A = arith.constant 0.000000e+00 : f32
    %max3A_10 = vector.broadcast %max3A : f32 to vector<1024x128xf32>
    %max3A_11 = arith.maximumf %add3A_9, %max3A_10 : vector<1024x128xf32>
    %jit3A = arith.constant 0.000000e+00 : f32
    %broadcast_in_dim3A = vector.shape_cast %lt3A_3 : vector<1024x1xi1> to vector<1024x1xi1>
    %broadcast_in_dim3A_12 = vector.broadcast %broadcast_in_dim3A : vector<1024x1xi1> to vector<1024x128xi1>
    %broadcast_in_dim3A_13 = vector.broadcast %jit3A : f32 to vector<1024x128xf32>
    %select_n3A = arith.select %broadcast_in_dim3A_12, %max3A_11, %broadcast_in_dim3A_13 : vector<1024x128xi1>, vector<1024x128xf32>
    %get3A_14 = arith.constant 0 : index
    %get3A_15 = arith.constant 0 : index
    %get3A_16 = vector.load %arg3[%get3A_14, %get3A_15] : memref<128x128xf32, #tpu.memory_space<vmem>>, vector<128x128xf32>
    %dot_general3A = arith.constant dense<0.000000e+00> : vector<1024x128xf32>
    %dot_general3A_17 = tpu.matmul %select_n3A, %get3A_16, %dot_general3A {dimension_numbers = #tpu.dot_dimension_numbers<[1], [0], [0], [1], [0, 0, 1, 1], [], []>, transpose_lhs_hint = false} : vector<1024x128xf32>, vector<128x128xf32>, vector<1024x128xf32> -> vector<1024x128xf32>
    %swap3A = arith.constant 0 : index
    %swap3A_18 = arith.constant 0 : index
    %swap3A_19 = vector.load %arg4[%swap3A, %swap3A_18] : memref<1024x128xf32, #tpu.memory_space<vmem>>, vector<1024x128xf32>
    tpu.vector_store %arg4[%swap3A, %swap3A_18], %dot_general3A_17 {strides = array<i32>} : memref<1024x128xf32, #tpu.memory_space<vmem>>, vector<1024x128xf32>,
    return
  }
  func.func @transform_0(%arg0: i32) -> (i32, i32) {
    %c0_i32 = arith.constant 0 : i32
    %c0_i32_0 = arith.constant 0 : i32
    return %arg0, %c0_i32 : i32, i32
  }
  func.func @transform_1(%arg0: i32) -> (i32, i32) {
    %add3A = arith.constant 10 : i32
    %add3A_0 = arith.addi %arg0, %add3A : i32
    %c0_i32 = arith.constant 0 : i32
    %c0_i32_1 = arith.constant 0 : i32
    return %add3A_0, %c0_i32 : i32, i32
  }
  func.func @transform_2(%arg0: i32) -> (i32, i32) {
    %c0_i32 = arith.constant 0 : i32
    %c0_i32_0 = arith.constant 0 : i32
    %c0_i32_1 = arith.constant 0 : i32
    return %c0_i32, %c0_i32_0 : i32, i32
  }
  func.func @transform_3(%arg0: i32) -> (i32, i32) {
    %c0_i32 = arith.constant 0 : i32
    %c0_i32_0 = arith.constant 0 : i32
    return %arg0, %c0_i32 : i32, i32
  }
}

module attributes {stable_mosaic.version = 14 : i64} {
  func.func @_relu_body(%arg0: i32, %arg1: memref<1024x128xf32, #tpu.memory_space<vmem>>, %arg2: memref<1024x128xf32, #tpu.memory_space<vmem>>, %arg3: memref<1024x128xf32, #tpu.memory_space<vmem>>) attributes {dimension_semantics = [#tpu.dimension_semantics<arbitrary>], iteration_bounds = array<i64: 10>, scalar_prefetch = 0 : i64, scratch_operands = 0 : i64, tpu.core_type = #tpu.core_type<tc>, window_params = [{transform_indices = @transform_0, window_bounds = array<i64: 1024, 128>}, {transform_indices = @transform_1, window_bounds = array<i64: 1024, 128>}, {transform_indices = @transform_2, window_bounds = array<i64: 1024, 128>}]} {
    %mul3A = arith.constant 1024 : i32
    %mul3A_0 = arith.muli %arg0, %mul3A : i32
    %iota3A = tpu.iota {dimensions = array<i32: 0>} : vector<1024x1xi32>
    %add3A = vector.broadcast %mul3A_0 : i32 to vector<1024x1xi32>
    %add3A_1 = arith.addi %add3A, %iota3A : vector<1024x1xi32>
    %lt3A = arith.constant 10000 : i32
    %lt3A_2 = vector.broadcast %lt3A : i32 to vector<1024x1xi32>
    %lt3A_3 = arith.cmpi slt, %add3A_1, %lt3A_2 : vector<1024x1xi32>
    %get3A = arith.constant 0 : index
    %get3A_4 = arith.constant 0 : index
    %get3A_5 = vector.load %arg1[%get3A, %get3A_4] : memref<1024x128xf32, #tpu.memory_space<vmem>>, vector<1024x128xf32>
    %get3A_6 = arith.constant 0 : index
    %get3A_7 = arith.constant 0 : index
    %get3A_8 = vector.load %arg2[%get3A_6, %get3A_7] : memref<1024x128xf32, #tpu.memory_space<vmem>>, vector<1024x128xf32>
    %add3A_9 = arith.addf %get3A_5, %get3A_8 : vector<1024x128xf32>
    %max3A = arith.constant 0.000000e+00 : f32
    %max3A_10 = vector.broadcast %max3A : f32 to vector<1024x128xf32>
    %max3A_11 = arith.maximumf %add3A_9, %max3A_10 : vector<1024x128xf32>
    %jit3A = arith.constant 0.000000e+00 : f32
    %broadcast_in_dim3A = vector.shape_cast %lt3A_3 : vector<1024x1xi1> to vector<1024x1xi1>
    %broadcast_in_dim3A_12 = vector.broadcast %broadcast_in_dim3A : vector<1024x1xi1> to vector<1024x128xi1>
    %broadcast_in_dim3A_13 = vector.broadcast %jit3A : f32 to vector<1024x128xf32>
    %select_n3A = arith.select %broadcast_in_dim3A_12, %max3A_11, %broadcast_in_dim3A_13 : vector<1024x128xi1>, vector<1024x128xf32>
    %swap3A = arith.constant 0 : index
    %swap3A_14 = arith.constant 0 : index
    %swap3A_15 = vector.load %arg3[%swap3A, %swap3A_14] : memref<1024x128xf32, #tpu.memory_space<vmem>>, vector<1024x128xf32>
    tpu.vector_store %arg3[%swap3A, %swap3A_14], %select_n3A {strides = array<i32>} : memref<1024x128xf32, #tpu.memory_space<vmem>>, vector<1024x128xf32>,
    return
  }
  func.func @transform_0(%arg0: i32) -> (i32, i32) {
    %c0_i32 = arith.constant 0 : i32
    %c0_i32_0 = arith.constant 0 : i32
    return %arg0, %c0_i32 : i32, i32
  }
  func.func @transform_1(%arg0: i32) -> (i32, i32) {
    %add3A = arith.constant 10 : i32
    %add3A_0 = arith.addi %arg0, %add3A : i32
    %c0_i32 = arith.constant 0 : i32
    %c0_i32_1 = arith.constant 0 : i32
    return %add3A_0, %c0_i32 : i32, i32
  }
  func.func @transform_2(%arg0: i32) -> (i32, i32) {
    %c0_i32 = arith.constant 0 : i32
    %c0_i32_0 = arith.constant 0 : i32
    return %arg0, %c0_i32 : i32, i32
  }
}

module attributes {stable_mosaic.version = 14 : i64} {
  func.func @_pass1_body(%arg0: i32, %arg1: i32, %arg2: memref<1024x128xf32, #tpu.memory_space<vmem>>, %arg3: memref<1024x128xf32, #tpu.memory_space<vmem>>, %arg4: memref<1024x1xf32, #tpu.memory_space<vmem>>, %arg5: memref<1024x1xf32, #tpu.memory_space<vmem>>, %arg6: memref<1024x1xf32, #tpu.memory_space<vmem>>, %arg7: memref<1x1xf32, #tpu.memory_space<vmem>>, %arg8: memref<1x1xf32, #tpu.memory_space<vmem>>) attributes {dimension_semantics = [#tpu.dimension_semantics<arbitrary>, #tpu.dimension_semantics<arbitrary>], iteration_bounds = array<i64: 10, 10>, scalar_prefetch = 0 : i64, scratch_operands = 0 : i64, tpu.core_type = #tpu.core_type<tc>, window_params = [{transform_indices = @transform_0, window_bounds = array<i64: 1024, 128>}, {transform_indices = @transform_1, window_bounds = array<i64: 1024, 128>}, {transform_indices = @transform_2, window_bounds = array<i64: 1024, 1>}, {transform_indices = @transform_3, window_bounds = array<i64: 1024, 1>}, {transform_indices = @transform_4, window_bounds = array<i64: 1024, 1>}, {pipeline_mode = #tpu.pipeline_mode<synchronous>, transform_indices = @transform_5, window_bounds = array<i64: 1, 1>}, {pipeline_mode = #tpu.pipeline_mode<synchronous>, transform_indices = @transform_6, window_bounds = array<i64: 1, 1>}]} {
    %get3A = arith.constant 0 : index
    %get3A_0 = arith.constant 0 : index
    %get3A_1 = vector.load %arg2[%get3A, %get3A_0] : memref<1024x128xf32, #tpu.memory_space<vmem>>, vector<1024x128xf32>
    %get3A_2 = arith.constant 0 : index
    %get3A_3 = arith.constant 0 : index
    %get3A_4 = vector.load %arg3[%get3A_2, %get3A_3] : memref<1024x128xf32, #tpu.memory_space<vmem>>, vector<1024x128xf32>
    %dot_general3A = arith.constant dense<0.000000e+00> : vector<1024x1024xf32>
    %dot_general3A_5 = tpu.matmul %get3A_1, %get3A_4, %dot_general3A {dimension_numbers = #tpu.dot_dimension_numbers<[1], [1], [0], [0], [0, 0, 1, 0], [], []>, transpose_lhs_hint = false} : vector<1024x128xf32>, vector<1024x128xf32>, vector<1024x1024xf32> -> vector<1024x1024xf32>
    %mul3A = arith.constant 1024 : i32
    %mul3A_6 = arith.muli %arg0, %mul3A : i32
    %iota3A = tpu.iota {dimensions = array<i32: 0>} : vector<1024x1xi32>
    %add3A = vector.broadcast %mul3A_6 : i32 to vector<1024x1xi32>
    %add3A_7 = arith.addi %add3A, %iota3A : vector<1024x1xi32>
    %lt3A = arith.constant 10000 : i32
    %lt3A_8 = vector.broadcast %lt3A : i32 to vector<1024x1xi32>
    %lt3A_9 = arith.cmpi slt, %add3A_7, %lt3A_8 : vector<1024x1xi32>
    %mul3A_10 = arith.constant 1024 : i32
    %mul3A_11 = arith.muli %arg1, %mul3A_10 : i32
    %iota3A_12 = tpu.iota {dimensions = array<i32: 1>} : vector<1x1024xi32>
    %add3A_13 = vector.broadcast %mul3A_11 : i32 to vector<1x1024xi32>
    %add3A_14 = arith.addi %add3A_13, %iota3A_12 : vector<1x1024xi32>
    %lt3A_15 = arith.constant 10000 : i32
    %lt3A_16 = vector.broadcast %lt3A_15 : i32 to vector<1x1024xi32>
    %lt3A_17 = arith.cmpi slt, %add3A_14, %lt3A_16 : vector<1x1024xi32>
    %and3A = vector.broadcast %lt3A_9 : vector<1024x1xi1> to vector<1024x1024xi1>
    %and3A_18 = vector.broadcast %lt3A_17 : vector<1x1024xi1> to vector<1024x1024xi1>
    %and3A_19 = arith.andi %and3A, %and3A_18 : vector<1024x1024xi1>
    %abs3A = math.absf %dot_general3A_5 : vector<1024x1024xf32>
    %neg3A = arith.constant 0.000000e+00 : f32
    %neg3A_20 = vector.broadcast %neg3A : f32 to vector<1024x1024xf32>
    %neg3A_21 = arith.subf %neg3A_20, %abs3A : vector<1024x1024xf32>
    %exp3A = math.exp %neg3A_21 : vector<1024x1024xf32>
    %log1p3A = math.log1p %exp3A : vector<1024x1024xf32>
    %neg3A_22 = arith.constant 0.000000e+00 : f32
    %neg3A_23 = vector.broadcast %neg3A_22 : f32 to vector<1024x1024xf32>
    %neg3A_24 = arith.subf %neg3A_23, %dot_general3A_5 : vector<1024x1024xf32>
    %max3A = arith.constant 0.000000e+00 : f32
    %max3A_25 = vector.broadcast %max3A : f32 to vector<1024x1024xf32>
    %max3A_26 = arith.maximumf %neg3A_24, %max3A_25 : vector<1024x1024xf32>
    %add3A_27 = arith.addf %log1p3A, %max3A_26 : vector<1024x1024xf32>
    %jit3A = arith.constant 0.000000e+00 : f32
    %broadcast_in_dim3A = vector.broadcast %jit3A : f32 to vector<1024x1024xf32>
    %select_n3A = arith.select %and3A_19, %add3A_27, %broadcast_in_dim3A : vector<1024x1024xi1>, vector<1024x1024xf32>
    %reduce_sum3A = vector.shape_cast %select_n3A : vector<1024x1024xf32> to vector<1x1024x1024xf32>
    %reduce_sum3A_28 = arith.constant dense<0.000000e+00> : vector<1xf32>
    %reduce_sum3A_29 = vector.multi_reduction <add>, %reduce_sum3A, %reduce_sum3A_28 [1, 2] : vector<1x1024x1024xf32> to vector<1xf32>
    %reduce_sum3A_30 = vector.shape_cast %reduce_sum3A_29 : vector<1xf32> to vector<1x1x1xf32>
    %reduce_sum3A_31 = vector.extract %reduce_sum3A_30[0, 0, 0] : f32 from vector<1x1x1xf32>
    %jit3A_32 = arith.constant 0.000000e+00 : f32
    %broadcast_in_dim3A_33 = vector.broadcast %jit3A_32 : f32 to vector<1024x1024xf32>
    %select_n3A_34 = arith.select %and3A_19, %dot_general3A_5, %broadcast_in_dim3A_33 : vector<1024x1024xi1>, vector<1024x1024xf32>
    %reduce_sum3A_35 = vector.shape_cast %select_n3A_34 : vector<1024x1024xf32> to vector<1x1024x1024xf32>
    %reduce_sum3A_36 = arith.constant dense<0.000000e+00> : vector<1xf32>
    %reduce_sum3A_37 = vector.multi_reduction <add>, %reduce_sum3A_35, %reduce_sum3A_36 [1, 2] : vector<1x1024x1024xf32> to vector<1xf32>
    %reduce_sum3A_38 = vector.shape_cast %reduce_sum3A_37 : vector<1xf32> to vector<1x1x1xf32>
    %reduce_sum3A_39 = vector.extract %reduce_sum3A_38[0, 0, 0] : f32 from vector<1x1x1xf32>
    %logistic3A = arith.negf %dot_general3A_5 : vector<1024x1024xf32>
    %logistic3A_40 = math.exp %logistic3A : vector<1024x1024xf32>
    %logistic3A_41 = arith.constant 1.000000e+00 : f32
    %logistic3A_42 = vector.broadcast %logistic3A_41 : f32 to vector<1024x1024xf32>
    %logistic3A_43 = arith.addf %logistic3A_42, %logistic3A_40 : vector<1024x1024xf32>
    %logistic3A_44 = arith.divf %logistic3A_42, %logistic3A_43 : vector<1024x1024xf32>
    %exp3A_45 = math.exp %logistic3A_44 : vector<1024x1024xf32>
    %jit3A_46 = arith.constant 0.000000e+00 : f32
    %broadcast_in_dim3A_47 = vector.shape_cast %lt3A_17 : vector<1x1024xi1> to vector<1x1024xi1>
    %broadcast_in_dim3A_48 = vector.broadcast %broadcast_in_dim3A_47 : vector<1x1024xi1> to vector<1024x1024xi1>
    %broadcast_in_dim3A_49 = vector.broadcast %jit3A_46 : f32 to vector<1024x1024xf32>
    %select_n3A_50 = arith.select %broadcast_in_dim3A_48, %exp3A_45, %broadcast_in_dim3A_49 : vector<1024x1024xi1>, vector<1024x1024xf32>
    %reduce_sum3A_51 = arith.constant dense<0.000000e+00> : vector<1024xf32>
    %reduce_sum3A_52 = vector.multi_reduction <add>, %select_n3A_50, %reduce_sum3A_51 [1] : vector<1024x1024xf32> to vector<1024xf32>
    %broadcast_in_dim3A_53 = vector.shape_cast %reduce_sum3A_52 : vector<1024xf32> to vector<1024x1xf32>
    %jit3A_54 = arith.constant 0xFF800000 : f32
    %broadcast_in_dim3A_55 = vector.shape_cast %lt3A_17 : vector<1x1024xi1> to vector<1x1024xi1>
    %broadcast_in_dim3A_56 = vector.broadcast %broadcast_in_dim3A_55 : vector<1x1024xi1> to vector<1024x1024xi1>
    %broadcast_in_dim3A_57 = vector.broadcast %jit3A_54 : f32 to vector<1024x1024xf32>
    %select_n3A_58 = arith.select %broadcast_in_dim3A_56, %dot_general3A_5, %broadcast_in_dim3A_57 : vector<1024x1024xi1>, vector<1024x1024xf32>
    %reduce_max3A = arith.constant dense<0xFF800000> : vector<1024xf32>
    %reduce_max3A_59 = vector.multi_reduction <maximumf>, %select_n3A_58, %reduce_max3A [1] : vector<1024x1024xf32> to vector<1024xf32>
    %broadcast_in_dim3A_60 = vector.shape_cast %reduce_max3A_59 : vector<1024xf32> to vector<1024x1xf32>
    %eq3A = arith.constant 0 : i32
    %eq3A_61 = arith.cmpi eq, %arg0, %eq3A : i32
    %eq3A_62 = arith.constant 0 : i32
    %eq3A_63 = arith.cmpi eq, %arg1, %eq3A_62 : i32
    %and3A_64 = arith.andi %eq3A_61, %eq3A_63 : i1
    %convert_element_type3A = arith.extui %and3A_64 : i1 to i32
    %cond3A = arith.constant 0 : i32
    %cond3A_65 = arith.cmpi ne, %convert_element_type3A, %cond3A : i32
    scf.if %cond3A_65 {
      %broadcast_in_dim3A_105 = arith.constant 0.000000e+00 : f32
      %broadcast_in_dim3A_106 = vector.broadcast %broadcast_in_dim3A_105 : f32 to vector<1x1xf32>
      %swap3A_107 = arith.constant 0 : index
      %swap3A_108 = arith.constant 0 : index
      %swap3A_109 = vector.load %arg7[%swap3A_107, %swap3A_108] : memref<1x1xf32, #tpu.memory_space<vmem>>, vector<1x1xf32>
      tpu.vector_store %arg7[%swap3A_107, %swap3A_108], %broadcast_in_dim3A_106 {strides = array<i32>} : memref<1x1xf32, #tpu.memory_space<vmem>>, vector<1x1xf32>,
      %broadcast_in_dim3A_110 = arith.constant 0.000000e+00 : f32
      %broadcast_in_dim3A_111 = vector.broadcast %broadcast_in_dim3A_110 : f32 to vector<1x1xf32>
      %swap3A_112 = arith.constant 0 : index
      %swap3A_113 = arith.constant 0 : index
      %swap3A_114 = vector.load %arg8[%swap3A_112, %swap3A_113] : memref<1x1xf32, #tpu.memory_space<vmem>>, vector<1x1xf32>
      tpu.vector_store %arg8[%swap3A_112, %swap3A_113], %broadcast_in_dim3A_111 {strides = array<i32>} : memref<1x1xf32, #tpu.memory_space<vmem>>, vector<1x1xf32>,
    } else {
    }
    %eq3A_66 = arith.constant 0 : i32
    %eq3A_67 = arith.cmpi eq, %arg1, %eq3A_66 : i32
    %convert_element_type3A_68 = arith.extui %eq3A_67 : i1 to i32
    %cond3A_69 = arith.constant 0 : i32
    %cond3A_70 = arith.cmpi ne, %convert_element_type3A_68, %cond3A_69 : i32
    scf.if %cond3A_70 {
      %broadcast_in_dim3A_105 = arith.constant 0xFF800000 : f32
      %broadcast_in_dim3A_106 = vector.broadcast %broadcast_in_dim3A_105 : f32 to vector<1024x1xf32>
      %swap3A_107 = arith.constant 0 : index
      %swap3A_108 = arith.constant 0 : index
      %swap3A_109 = vector.load %arg4[%swap3A_107, %swap3A_108] : memref<1024x1xf32, #tpu.memory_space<vmem>>, vector<1024x1xf32>
      tpu.vector_store %arg4[%swap3A_107, %swap3A_108], %broadcast_in_dim3A_106 {strides = array<i32>} : memref<1024x1xf32, #tpu.memory_space<vmem>>, vector<1024x1xf32>,
      %broadcast_in_dim3A_110 = arith.constant 0.000000e+00 : f32
      %broadcast_in_dim3A_111 = vector.broadcast %broadcast_in_dim3A_110 : f32 to vector<1024x1xf32>
      %swap3A_112 = arith.constant 0 : index
      %swap3A_113 = arith.constant 0 : index
      %swap3A_114 = vector.load %arg5[%swap3A_112, %swap3A_113] : memref<1024x1xf32, #tpu.memory_space<vmem>>, vector<1024x1xf32>
      tpu.vector_store %arg5[%swap3A_112, %swap3A_113], %broadcast_in_dim3A_111 {strides = array<i32>} : memref<1024x1xf32, #tpu.memory_space<vmem>>, vector<1024x1xf32>,
    } else {
    }
    %get3A_71 = arith.constant 0 : index
    %get3A_72 = arith.constant 0 : index
    %get3A_73 = vector.load %arg4[%get3A_71, %get3A_72] : memref<1024x1xf32, #tpu.memory_space<vmem>>, vector<1024x1xf32>
    %max3A_74 = arith.maximumf %get3A_73, %broadcast_in_dim3A_60 : vector<1024x1xf32>
    %get3A_75 = arith.constant 0 : index
    %get3A_76 = arith.constant 0 : index
    %get3A_77 = vector.load %arg5[%get3A_75, %get3A_76] : memref<1024x1xf32, #tpu.memory_space<vmem>>, vector<1024x1xf32>
    %add3A_78 = arith.addf %get3A_77, %broadcast_in_dim3A_53 : vector<1024x1xf32>
    %swap3A = arith.constant 0 : index
    %swap3A_79 = arith.constant 0 : index
    %swap3A_80 = vector.load %arg4[%swap3A, %swap3A_79] : memref<1024x1xf32, #tpu.memory_space<vmem>>, vector<1024x1xf32>
    tpu.vector_store %arg4[%swap3A, %swap3A_79], %max3A_74 {strides = array<i32>} : memref<1024x1xf32, #tpu.memory_space<vmem>>, vector<1024x1xf32>,
    %swap3A_81 = arith.constant 0 : index
    %swap3A_82 = arith.constant 0 : index
    %swap3A_83 = vector.load %arg5[%swap3A_81, %swap3A_82] : memref<1024x1xf32, #tpu.memory_space<vmem>>, vector<1024x1xf32>
    tpu.vector_store %arg5[%swap3A_81, %swap3A_82], %add3A_78 {strides = array<i32>} : memref<1024x1xf32, #tpu.memory_space<vmem>>, vector<1024x1xf32>,
    %get3A_84 = arith.constant 0 : index
    %get3A_85 = arith.constant 0 : index
    %get3A_86 = vector.load %arg7[%get3A_84, %get3A_85] : memref<1x1xf32, #tpu.memory_space<vmem>>, vector<1x1xf32>
    %add3A_87 = vector.broadcast %reduce_sum3A_31 : f32 to vector<1x1xf32>
    %add3A_88 = arith.addf %get3A_86, %add3A_87 : vector<1x1xf32>
    %swap3A_89 = arith.constant 0 : index
    %swap3A_90 = arith.constant 0 : index
    %swap3A_91 = vector.load %arg7[%swap3A_89, %swap3A_90] : memref<1x1xf32, #tpu.memory_space<vmem>>, vector<1x1xf32>
    tpu.vector_store %arg7[%swap3A_89, %swap3A_90], %add3A_88 {strides = array<i32>} : memref<1x1xf32, #tpu.memory_space<vmem>>, vector<1x1xf32>,
    %get3A_92 = arith.constant 0 : index
    %get3A_93 = arith.constant 0 : index
    %get3A_94 = vector.load %arg8[%get3A_92, %get3A_93] : memref<1x1xf32, #tpu.memory_space<vmem>>, vector<1x1xf32>
    %add3A_95 = vector.broadcast %reduce_sum3A_39 : f32 to vector<1x1xf32>
    %add3A_96 = arith.addf %get3A_94, %add3A_95 : vector<1x1xf32>
    %swap3A_97 = arith.constant 0 : index
    %swap3A_98 = arith.constant 0 : index
    %swap3A_99 = vector.load %arg8[%swap3A_97, %swap3A_98] : memref<1x1xf32, #tpu.memory_space<vmem>>, vector<1x1xf32>
    tpu.vector_store %arg8[%swap3A_97, %swap3A_98], %add3A_96 {strides = array<i32>} : memref<1x1xf32, #tpu.memory_space<vmem>>, vector<1x1xf32>,
    %eq3A_100 = arith.constant 9 : i32
    %eq3A_101 = arith.cmpi eq, %arg1, %eq3A_100 : i32
    %convert_element_type3A_102 = arith.extui %eq3A_101 : i1 to i32
    %cond3A_103 = arith.constant 0 : i32
    %cond3A_104 = arith.cmpi ne, %convert_element_type3A_102, %cond3A_103 : i32
    scf.if %cond3A_104 {
      %logistic3A_105 = arith.negf %max3A_74 : vector<1024x1xf32>
      %logistic3A_106 = math.exp %logistic3A_105 : vector<1024x1xf32>
      %logistic3A_107 = arith.constant 1.000000e+00 : f32
      %logistic3A_108 = vector.broadcast %logistic3A_107 : f32 to vector<1024x1xf32>
      %logistic3A_109 = arith.addf %logistic3A_108, %logistic3A_106 : vector<1024x1xf32>
      %logistic3A_110 = arith.divf %logistic3A_108, %logistic3A_109 : vector<1024x1xf32>
      %log3A = math.log %add3A_78 : vector<1024x1xf32>
      %sub3A = arith.subf %logistic3A_110, %log3A : vector<1024x1xf32>
      %add3A_111 = arith.constant 9.21034049 : f32
      %add3A_112 = vector.broadcast %add3A_111 : f32 to vector<1024x1xf32>
      %add3A_113 = arith.addf %sub3A, %add3A_112 : vector<1024x1xf32>
      %max3A_114 = arith.constant 0.000000e+00 : f32
      %max3A_115 = vector.broadcast %max3A_114 : f32 to vector<1024x1xf32>
      %max3A_116 = arith.maximumf %add3A_113, %max3A_115 : vector<1024x1xf32>
      %swap3A_117 = arith.constant 0 : index
      %swap3A_118 = arith.constant 0 : index
      %swap3A_119 = vector.load %arg6[%swap3A_117, %swap3A_118] : memref<1024x1xf32, #tpu.memory_space<vmem>>, vector<1024x1xf32>
      tpu.vector_store %arg6[%swap3A_117, %swap3A_118], %max3A_116 {strides = array<i32>} : memref<1024x1xf32, #tpu.memory_space<vmem>>, vector<1024x1xf32>,
    } else {
    }
    return
  }
  func.func @transform_0(%arg0: i32, %arg1: i32) -> (i32, i32) {
    %c0_i32 = arith.constant 0 : i32
    %c0_i32_0 = arith.constant 0 : i32
    return %arg0, %c0_i32 : i32, i32
  }
  func.func @transform_1(%arg0: i32, %arg1: i32) -> (i32, i32) {
    %c0_i32 = arith.constant 0 : i32
    %c0_i32_0 = arith.constant 0 : i32
    return %arg1, %c0_i32 : i32, i32
  }
  func.func @transform_2(%arg0: i32, %arg1: i32) -> (i32, i32) {
    %c0_i32 = arith.constant 0 : i32
    %c0_i32_0 = arith.constant 0 : i32
    return %arg0, %c0_i32 : i32, i32
  }
  func.func @transform_3(%arg0: i32, %arg1: i32) -> (i32, i32) {
    %c0_i32 = arith.constant 0 : i32
    %c0_i32_0 = arith.constant 0 : i32
    return %arg0, %c0_i32 : i32, i32
  }
  func.func @transform_4(%arg0: i32, %arg1: i32) -> (i32, i32) {
    %c0_i32 = arith.constant 0 : i32
    %c0_i32_0 = arith.constant 0 : i32
    return %arg0, %c0_i32 : i32, i32
  }
  func.func @transform_5(%arg0: i32, %arg1: i32) -> (i32, i32) {
    %c0_i32 = arith.constant 0 : i32
    %c0_i32_0 = arith.constant 0 : i32
    %c0_i32_1 = arith.constant 0 : i32
    return %c0_i32, %c0_i32_0 : i32, i32
  }
  func.func @transform_6(%arg0: i32, %arg1: i32) -> (i32, i32) {
    %c0_i32 = arith.constant 0 : i32
    %c0_i32_0 = arith.constant 0 : i32
    %c0_i32_1 = arith.constant 0 : i32
    return %c0_i32, %c0_i32_0 : i32, i32
  }
}

module attributes {stable_mosaic.version = 14 : i64} {
  func.func @_pass2_body(%arg0: i32, %arg1: i32, %arg2: memref<1024x128xf32, #tpu.memory_space<vmem>>, %arg3: memref<1024x128xf32, #tpu.memory_space<vmem>>, %arg4: memref<1024x128xf32, #tpu.memory_space<vmem>>, %arg5: memref<1024x1xf32, #tpu.memory_space<vmem>>, %arg6: memref<1024x128xf32, #tpu.memory_space<vmem>>, %arg7: memref<1024x128xf32, #tpu.memory_space<vmem>>, %arg8: memref<1024x1280xf32, #tpu.memory_space<vmem>>, %arg9: memref<1x1xf32, #tpu.memory_space<vmem>>, %arg10: memref<1x1xf32, #tpu.memory_space<vmem>>, %arg11: memref<1x1xf32, #tpu.memory_space<vmem>>, %arg12: memref<1x1xf32, #tpu.memory_space<vmem>>, %arg13: memref<1x1xf32, #tpu.memory_space<vmem>>, %arg14: memref<1x1xf32, #tpu.memory_space<vmem>>) attributes {dimension_semantics = [#tpu.dimension_semantics<arbitrary>, #tpu.dimension_semantics<arbitrary>], iteration_bounds = array<i64: 10, 10>, scalar_prefetch = 0 : i64, scratch_operands = 0 : i64, tpu.core_type = #tpu.core_type<tc>, window_params = [{transform_indices = @transform_0, window_bounds = array<i64: 1024, 128>}, {transform_indices = @transform_1, window_bounds = array<i64: 1024, 128>}, {transform_indices = @transform_2, window_bounds = array<i64: 1024, 128>}, {transform_indices = @transform_3, window_bounds = array<i64: 1024, 1>}, {transform_indices = @transform_4, window_bounds = array<i64: 1024, 128>}, {transform_indices = @transform_5, window_bounds = array<i64: 1024, 128>}, {transform_indices = @transform_6, window_bounds = array<i64: 1024, 1280>}, {pipeline_mode = #tpu.pipeline_mode<synchronous>, transform_indices = @transform_7, window_bounds = array<i64: 1, 1>}, {pipeline_mode = #tpu.pipeline_mode<synchronous>, transform_indices = @transform_8, window_bounds = array<i64: 1, 1>}, {pipeline_mode = #tpu.pipeline_mode<synchronous>, transform_indices = @transform_9, window_bounds = array<i64: 1, 1>}, {pipeline_mode = #tpu.pipeline_mode<synchronous>, transform_indices = @transform_10, window_bounds = array<i64: 1, 1>}, {pipeline_mode = #tpu.pipeline_mode<synchronous>, transform_indices = @transform_11, window_bounds = array<i64: 1, 1>}, {pipeline_mode = #tpu.pipeline_mode<synchronous>, transform_indices = @transform_12, window_bounds = array<i64: 1, 1>}]} {
    %get3A = arith.constant 0 : index
    %get3A_0 = arith.constant 0 : index
    %get3A_1 = vector.load %arg2[%get3A, %get3A_0] : memref<1024x128xf32, #tpu.memory_space<vmem>>, vector<1024x128xf32>
    %get3A_2 = arith.constant 0 : index
    %get3A_3 = arith.constant 0 : index
    %get3A_4 = vector.load %arg4[%get3A_2, %get3A_3] : memref<1024x128xf32, #tpu.memory_space<vmem>>, vector<1024x128xf32>
    %mul3A = arith.mulf %get3A_4, %get3A_4 : vector<1024x128xf32>
    %reduce_sum3A = arith.constant dense<0.000000e+00> : vector<1024xf32>
    %reduce_sum3A_5 = vector.multi_reduction <add>, %mul3A, %reduce_sum3A [1] : vector<1024x128xf32> to vector<1024xf32>
    %broadcast_in_dim3A = vector.shape_cast %reduce_sum3A_5 : vector<1024xf32> to vector<1024x1xf32>
    %sqrt3A = math.sqrt %broadcast_in_dim3A : vector<1024x1xf32>
    %max3A = arith.constant 9.99999996E-13 : f32
    %max3A_6 = vector.broadcast %max3A : f32 to vector<1024x1xf32>
    %max3A_7 = arith.maximumf %sqrt3A, %max3A_6 : vector<1024x1xf32>
    %div3A = vector.broadcast %max3A_7 : vector<1024x1xf32> to vector<1024x128xf32>
    %div3A_8 = arith.divf %get3A_4, %div3A : vector<1024x128xf32>
    %get3A_9 = arith.constant 0 : index
    %get3A_10 = arith.constant 0 : index
    %get3A_11 = vector.load %arg5[%get3A_9, %get3A_10] : memref<1024x1xf32, #tpu.memory_space<vmem>>, vector<1024x1xf32>
    %mul3A_12 = vector.broadcast %get3A_11 : vector<1024x1xf32> to vector<1024x128xf32>
    %mul3A_13 = arith.mulf %div3A_8, %mul3A_12 : vector<1024x128xf32>
    %add3A = arith.addf %get3A_1, %mul3A_13 : vector<1024x128xf32>
    %get3A_14 = arith.constant 0 : index
    %get3A_15 = arith.constant 0 : index
    %get3A_16 = vector.load %arg3[%get3A_14, %get3A_15] : memref<1024x128xf32, #tpu.memory_space<vmem>>, vector<1024x128xf32>
    %dot_general3A = arith.constant dense<0.000000e+00> : vector<1024x1024xf32>
    %dot_general3A_17 = tpu.matmul %add3A, %get3A_16, %dot_general3A {dimension_numbers = #tpu.dot_dimension_numbers<[1], [1], [0], [0], [0, 0, 1, 0], [], []>, transpose_lhs_hint = false} : vector<1024x128xf32>, vector<1024x128xf32>, vector<1024x1024xf32> -> vector<1024x1024xf32>
    %mul3A_18 = arith.constant 1024 : i32
    %mul3A_19 = arith.muli %arg0, %mul3A_18 : i32
    %iota3A = tpu.iota {dimensions = array<i32: 0>} : vector<1024x1xi32>
    %add3A_20 = vector.broadcast %mul3A_19 : i32 to vector<1024x1xi32>
    %add3A_21 = arith.addi %add3A_20, %iota3A : vector<1024x1xi32>
    %lt3A = arith.constant 10000 : i32
    %lt3A_22 = vector.broadcast %lt3A : i32 to vector<1024x1xi32>
    %lt3A_23 = arith.cmpi slt, %add3A_21, %lt3A_22 : vector<1024x1xi32>
    %mul3A_24 = arith.constant 1024 : i32
    %mul3A_25 = arith.muli %arg1, %mul3A_24 : i32
    %iota3A_26 = tpu.iota {dimensions = array<i32: 1>} : vector<1x1024xi32>
    %add3A_27 = vector.broadcast %mul3A_25 : i32 to vector<1x1024xi32>
    %add3A_28 = arith.addi %add3A_27, %iota3A_26 : vector<1x1024xi32>
    %lt3A_29 = arith.constant 10000 : i32
    %lt3A_30 = vector.broadcast %lt3A_29 : i32 to vector<1x1024xi32>
    %lt3A_31 = arith.cmpi slt, %add3A_28, %lt3A_30 : vector<1x1024xi32>
    %and3A = vector.broadcast %lt3A_23 : vector<1024x1xi1> to vector<1024x1024xi1>
    %and3A_32 = vector.broadcast %lt3A_31 : vector<1x1024xi1> to vector<1024x1024xi1>
    %and3A_33 = arith.andi %and3A, %and3A_32 : vector<1024x1024xi1>
    %abs3A = math.absf %dot_general3A_17 : vector<1024x1024xf32>
    %neg3A = arith.constant 0.000000e+00 : f32
    %neg3A_34 = vector.broadcast %neg3A : f32 to vector<1024x1024xf32>
    %neg3A_35 = arith.subf %neg3A_34, %abs3A : vector<1024x1024xf32>
    %exp3A = math.exp %neg3A_35 : vector<1024x1024xf32>
    %log1p3A = math.log1p %exp3A : vector<1024x1024xf32>
    %neg3A_36 = arith.constant 0.000000e+00 : f32
    %neg3A_37 = vector.broadcast %neg3A_36 : f32 to vector<1024x1024xf32>
    %neg3A_38 = arith.subf %neg3A_37, %dot_general3A_17 : vector<1024x1024xf32>
    %max3A_39 = arith.constant 0.000000e+00 : f32
    %max3A_40 = vector.broadcast %max3A_39 : f32 to vector<1024x1024xf32>
    %max3A_41 = arith.maximumf %neg3A_38, %max3A_40 : vector<1024x1024xf32>
    %add3A_42 = arith.addf %log1p3A, %max3A_41 : vector<1024x1024xf32>
    %jit3A = arith.constant 0.000000e+00 : f32
    %broadcast_in_dim3A_43 = vector.broadcast %jit3A : f32 to vector<1024x1024xf32>
    %select_n3A = arith.select %and3A_33, %add3A_42, %broadcast_in_dim3A_43 : vector<1024x1024xi1>, vector<1024x1024xf32>
    %reduce_sum3A_44 = vector.shape_cast %select_n3A : vector<1024x1024xf32> to vector<1x1024x1024xf32>
    %reduce_sum3A_45 = arith.constant dense<0.000000e+00> : vector<1xf32>
    %reduce_sum3A_46 = vector.multi_reduction <add>, %reduce_sum3A_44, %reduce_sum3A_45 [1, 2] : vector<1x1024x1024xf32> to vector<1xf32>
    %reduce_sum3A_47 = vector.shape_cast %reduce_sum3A_46 : vector<1xf32> to vector<1x1x1xf32>
    %reduce_sum3A_48 = vector.extract %reduce_sum3A_47[0, 0, 0] : f32 from vector<1x1x1xf32>
    %jit3A_49 = arith.constant 0.000000e+00 : f32
    %broadcast_in_dim3A_50 = vector.broadcast %jit3A_49 : f32 to vector<1024x1024xf32>
    %select_n3A_51 = arith.select %and3A_33, %dot_general3A_17, %broadcast_in_dim3A_50 : vector<1024x1024xi1>, vector<1024x1024xf32>
    %reduce_sum3A_52 = vector.shape_cast %select_n3A_51 : vector<1024x1024xf32> to vector<1x1024x1024xf32>
    %reduce_sum3A_53 = arith.constant dense<0.000000e+00> : vector<1xf32>
    %reduce_sum3A_54 = vector.multi_reduction <add>, %reduce_sum3A_52, %reduce_sum3A_53 [1, 2] : vector<1x1024x1024xf32> to vector<1xf32>
    %reduce_sum3A_55 = vector.shape_cast %reduce_sum3A_54 : vector<1xf32> to vector<1x1x1xf32>
    %reduce_sum3A_56 = vector.extract %reduce_sum3A_55[0, 0, 0] : f32 from vector<1x1x1xf32>
    %eq3A = arith.constant 0 : i32
    %eq3A_57 = arith.cmpi eq, %arg0, %eq3A : i32
    %eq3A_58 = arith.constant 0 : i32
    %eq3A_59 = arith.cmpi eq, %arg1, %eq3A_58 : i32
    %and3A_60 = arith.andi %eq3A_57, %eq3A_59 : i1
    %convert_element_type3A = arith.extui %and3A_60 : i1 to i32
    %cond3A = arith.constant 0 : i32
    %cond3A_61 = arith.cmpi ne, %convert_element_type3A, %cond3A : i32
    scf.if %cond3A_61 {
      %broadcast_in_dim3A_82 = arith.constant 0.000000e+00 : f32
      %broadcast_in_dim3A_83 = vector.broadcast %broadcast_in_dim3A_82 : f32 to vector<1x1xf32>
      %swap3A_84 = arith.constant 0 : index
      %swap3A_85 = arith.constant 0 : index
      %swap3A_86 = vector.load %arg9[%swap3A_84, %swap3A_85] : memref<1x1xf32, #tpu.memory_space<vmem>>, vector<1x1xf32>
      tpu.vector_store %arg9[%swap3A_84, %swap3A_85], %broadcast_in_dim3A_83 {strides = array<i32>} : memref<1x1xf32, #tpu.memory_space<vmem>>, vector<1x1xf32>,
      %broadcast_in_dim3A_87 = arith.constant 0.000000e+00 : f32
      %broadcast_in_dim3A_88 = vector.broadcast %broadcast_in_dim3A_87 : f32 to vector<1x1xf32>
      %swap3A_89 = arith.constant 0 : index
      %swap3A_90 = arith.constant 0 : index
      %swap3A_91 = vector.load %arg10[%swap3A_89, %swap3A_90] : memref<1x1xf32, #tpu.memory_space<vmem>>, vector<1x1xf32>
      tpu.vector_store %arg10[%swap3A_89, %swap3A_90], %broadcast_in_dim3A_88 {strides = array<i32>} : memref<1x1xf32, #tpu.memory_space<vmem>>, vector<1x1xf32>,
      %broadcast_in_dim3A_92 = arith.constant 0.000000e+00 : f32
      %broadcast_in_dim3A_93 = vector.broadcast %broadcast_in_dim3A_92 : f32 to vector<1x1xf32>
      %swap3A_94 = arith.constant 0 : index
      %swap3A_95 = arith.constant 0 : index
      %swap3A_96 = vector.load %arg11[%swap3A_94, %swap3A_95] : memref<1x1xf32, #tpu.memory_space<vmem>>, vector<1x1xf32>
      tpu.vector_store %arg11[%swap3A_94, %swap3A_95], %broadcast_in_dim3A_93 {strides = array<i32>} : memref<1x1xf32, #tpu.memory_space<vmem>>, vector<1x1xf32>,
      %broadcast_in_dim3A_97 = arith.constant 0.000000e+00 : f32
      %broadcast_in_dim3A_98 = vector.broadcast %broadcast_in_dim3A_97 : f32 to vector<1x1xf32>
      %swap3A_99 = arith.constant 0 : index
      %swap3A_100 = arith.constant 0 : index
      %swap3A_101 = vector.load %arg12[%swap3A_99, %swap3A_100] : memref<1x1xf32, #tpu.memory_space<vmem>>, vector<1x1xf32>
      tpu.vector_store %arg12[%swap3A_99, %swap3A_100], %broadcast_in_dim3A_98 {strides = array<i32>} : memref<1x1xf32, #tpu.memory_space<vmem>>, vector<1x1xf32>,
      %broadcast_in_dim3A_102 = arith.constant 0.000000e+00 : f32
      %broadcast_in_dim3A_103 = vector.broadcast %broadcast_in_dim3A_102 : f32 to vector<1x1xf32>
      %swap3A_104 = arith.constant 0 : index
      %swap3A_105 = arith.constant 0 : index
      %swap3A_106 = vector.load %arg13[%swap3A_104, %swap3A_105] : memref<1x1xf32, #tpu.memory_space<vmem>>, vector<1x1xf32>
      tpu.vector_store %arg13[%swap3A_104, %swap3A_105], %broadcast_in_dim3A_103 {strides = array<i32>} : memref<1x1xf32, #tpu.memory_space<vmem>>, vector<1x1xf32>,
      %broadcast_in_dim3A_107 = arith.constant 0.000000e+00 : f32
      %broadcast_in_dim3A_108 = vector.broadcast %broadcast_in_dim3A_107 : f32 to vector<1x1xf32>
      %swap3A_109 = arith.constant 0 : index
      %swap3A_110 = arith.constant 0 : index
      %swap3A_111 = vector.load %arg14[%swap3A_109, %swap3A_110] : memref<1x1xf32, #tpu.memory_space<vmem>>, vector<1x1xf32>
      tpu.vector_store %arg14[%swap3A_109, %swap3A_110], %broadcast_in_dim3A_108 {strides = array<i32>} : memref<1x1xf32, #tpu.memory_space<vmem>>, vector<1x1xf32>,
    } else {
    }
    %get3A_62 = arith.constant 0 : index
    %get3A_63 = arith.constant 0 : index
    %get3A_64 = vector.load %arg9[%get3A_62, %get3A_63] : memref<1x1xf32, #tpu.memory_space<vmem>>, vector<1x1xf32>
    %add3A_65 = vector.broadcast %reduce_sum3A_48 : f32 to vector<1x1xf32>
    %add3A_66 = arith.addf %get3A_64, %add3A_65 : vector<1x1xf32>
    %swap3A = arith.constant 0 : index
    %swap3A_67 = arith.constant 0 : index
    %swap3A_68 = vector.load %arg9[%swap3A, %swap3A_67] : memref<1x1xf32, #tpu.memory_space<vmem>>, vector<1x1xf32>
    tpu.vector_store %arg9[%swap3A, %swap3A_67], %add3A_66 {strides = array<i32>} : memref<1x1xf32, #tpu.memory_space<vmem>>, vector<1x1xf32>,
    %get3A_69 = arith.constant 0 : index
    %get3A_70 = arith.constant 0 : index
    %get3A_71 = vector.load %arg10[%get3A_69, %get3A_70] : memref<1x1xf32, #tpu.memory_space<vmem>>, vector<1x1xf32>
    %add3A_72 = vector.broadcast %reduce_sum3A_56 : f32 to vector<1x1xf32>
    %add3A_73 = arith.addf %get3A_71, %add3A_72 : vector<1x1xf32>
    %swap3A_74 = arith.constant 0 : index
    %swap3A_75 = arith.constant 0 : index
    %swap3A_76 = vector.load %arg10[%swap3A_74, %swap3A_75] : memref<1x1xf32, #tpu.memory_space<vmem>>, vector<1x1xf32>
    tpu.vector_store %arg10[%swap3A_74, %swap3A_75], %add3A_73 {strides = array<i32>} : memref<1x1xf32, #tpu.memory_space<vmem>>, vector<1x1xf32>,
    %eq3A_77 = arith.constant 0 : i32
    %eq3A_78 = arith.cmpi eq, %arg1, %eq3A_77 : i32
    %convert_element_type3A_79 = arith.extui %eq3A_78 : i1 to i32
    %cond3A_80 = arith.constant 0 : i32
    %cond3A_81 = arith.cmpi ne, %convert_element_type3A_79, %cond3A_80 : i32
    scf.if %cond3A_81 {
      %get3A_82 = arith.constant 0 : index
      %get3A_83 = arith.constant 0 : index
      %get3A_84 = vector.load %arg6[%get3A_82, %get3A_83] : memref<1024x128xf32, #tpu.memory_space<vmem>>, vector<1024x128xf32>
      %get3A_85 = arith.constant 0 : index
      %get3A_86 = arith.constant 0 : index
      %get3A_87 = vector.load %arg7[%get3A_85, %get3A_86] : memref<1024x128xf32, #tpu.memory_space<vmem>>, vector<1024x128xf32>
      %add3A_88 = arith.addf %get3A_84, %get3A_87 : vector<1024x128xf32>
      %get3A_89 = arith.constant 0 : index
      %get3A_90 = arith.constant 0 : index
      %get3A_91 = vector.load %arg11[%get3A_89, %get3A_90] : memref<1x1xf32, #tpu.memory_space<vmem>>, vector<1x1xf32>
      %mul3A_92 = arith.mulf %get3A_1, %add3A_88 : vector<1024x128xf32>
      %reduce_sum3A_93 = vector.shape_cast %mul3A_92 : vector<1024x128xf32> to vector<1x1024x128xf32>
      %reduce_sum3A_94 = arith.constant dense<0.000000e+00> : vector<1xf32>
      %reduce_sum3A_95 = vector.multi_reduction <add>, %reduce_sum3A_93, %reduce_sum3A_94 [1, 2] : vector<1x1024x128xf32> to vector<1xf32>
      %reduce_sum3A_96 = vector.shape_cast %reduce_sum3A_95 : vector<1xf32> to vector<1x1x1xf32>
      %reduce_sum3A_97 = vector.extract %reduce_sum3A_96[0, 0, 0] : f32 from vector<1x1x1xf32>
      %add3A_98 = vector.broadcast %reduce_sum3A_97 : f32 to vector<1x1xf32>
      %add3A_99 = arith.addf %get3A_91, %add3A_98 : vector<1x1xf32>
      %swap3A_100 = arith.constant 0 : index
      %swap3A_101 = arith.constant 0 : index
      %swap3A_102 = vector.load %arg11[%swap3A_100, %swap3A_101] : memref<1x1xf32, #tpu.memory_space<vmem>>, vector<1x1xf32>
      tpu.vector_store %arg11[%swap3A_100, %swap3A_101], %add3A_99 {strides = array<i32>} : memref<1x1xf32, #tpu.memory_space<vmem>>, vector<1x1xf32>,
      %get3A_103 = arith.constant 0 : index
      %get3A_104 = arith.constant 0 : index
      %get3A_105 = vector.load %arg12[%get3A_103, %get3A_104] : memref<1x1xf32, #tpu.memory_space<vmem>>, vector<1x1xf32>
      %mul3A_106 = arith.mulf %add3A, %add3A_88 : vector<1024x128xf32>
      %reduce_sum3A_107 = vector.shape_cast %mul3A_106 : vector<1024x128xf32> to vector<1x1024x128xf32>
      %reduce_sum3A_108 = arith.constant dense<0.000000e+00> : vector<1xf32>
      %reduce_sum3A_109 = vector.multi_reduction <add>, %reduce_sum3A_107, %reduce_sum3A_108 [1, 2] : vector<1x1024x128xf32> to vector<1xf32>
      %reduce_sum3A_110 = vector.shape_cast %reduce_sum3A_109 : vector<1xf32> to vector<1x1x1xf32>
      %reduce_sum3A_111 = vector.extract %reduce_sum3A_110[0, 0, 0] : f32 from vector<1x1x1xf32>
      %add3A_112 = vector.broadcast %reduce_sum3A_111 : f32 to vector<1x1xf32>
      %add3A_113 = arith.addf %get3A_105, %add3A_112 : vector<1x1xf32>
      %swap3A_114 = arith.constant 0 : index
      %swap3A_115 = arith.constant 0 : index
      %swap3A_116 = vector.load %arg12[%swap3A_114, %swap3A_115] : memref<1x1xf32, #tpu.memory_space<vmem>>, vector<1x1xf32>
      tpu.vector_store %arg12[%swap3A_114, %swap3A_115], %add3A_113 {strides = array<i32>} : memref<1x1xf32, #tpu.memory_space<vmem>>, vector<1x1xf32>,
      %mul3A_117 = arith.mulf %add3A, %get3A_1 : vector<1024x128xf32>
      %reduce_sum3A_118 = arith.constant dense<0.000000e+00> : vector<1024xf32>
      %reduce_sum3A_119 = vector.multi_reduction <add>, %mul3A_117, %reduce_sum3A_118 [1] : vector<1024x128xf32> to vector<1024xf32>
      %broadcast_in_dim3A_120 = vector.shape_cast %reduce_sum3A_119 : vector<1024xf32> to vector<1024x1xf32>
      %div3A_121 = arith.constant 7.000000e-02 : f32
      %div3A_122 = vector.broadcast %div3A_121 : f32 to vector<1024x1xf32>
      %div3A_123 = arith.divf %broadcast_in_dim3A_120, %div3A_122 : vector<1024x1xf32>
      %get3A_124 = arith.constant 0 : index
      %get3A_125 = arith.constant 0 : index
      %get3A_126 = vector.load %arg13[%get3A_124, %get3A_125] : memref<1x1xf32, #tpu.memory_space<vmem>>, vector<1x1xf32>
      %abs3A_127 = math.absf %div3A_123 : vector<1024x1xf32>
      %neg3A_128 = arith.constant 0.000000e+00 : f32
      %neg3A_129 = vector.broadcast %neg3A_128 : f32 to vector<1024x1xf32>
      %neg3A_130 = arith.subf %neg3A_129, %abs3A_127 : vector<1024x1xf32>
      %exp3A_131 = math.exp %neg3A_130 : vector<1024x1xf32>
      %log1p3A_132 = math.log1p %exp3A_131 : vector<1024x1xf32>
      %neg3A_133 = arith.constant 0.000000e+00 : f32
      %neg3A_134 = vector.broadcast %neg3A_133 : f32 to vector<1024x1xf32>
      %neg3A_135 = arith.subf %neg3A_134, %div3A_123 : vector<1024x1xf32>
      %max3A_136 = arith.constant 0.000000e+00 : f32
      %max3A_137 = vector.broadcast %max3A_136 : f32 to vector<1024x1xf32>
      %max3A_138 = arith.maximumf %neg3A_135, %max3A_137 : vector<1024x1xf32>
      %add3A_139 = arith.addf %log1p3A_132, %max3A_138 : vector<1024x1xf32>
      %jit3A_140 = arith.constant 0.000000e+00 : f32
      %broadcast_in_dim3A_141 = vector.broadcast %jit3A_140 : f32 to vector<1024x1xf32>
      %select_n3A_142 = arith.select %lt3A_23, %add3A_139, %broadcast_in_dim3A_141 : vector<1024x1xi1>, vector<1024x1xf32>
      %reduce_sum3A_143 = vector.shape_cast %select_n3A_142 : vector<1024x1xf32> to vector<1x1024x1xf32>
      %reduce_sum3A_144 = arith.constant dense<0.000000e+00> : vector<1xf32>
      %reduce_sum3A_145 = vector.multi_reduction <add>, %reduce_sum3A_143, %reduce_sum3A_144 [1, 2] : vector<1x1024x1xf32> to vector<1xf32>
      %reduce_sum3A_146 = vector.shape_cast %reduce_sum3A_145 : vector<1xf32> to vector<1x1x1xf32>
      %reduce_sum3A_147 = vector.extract %reduce_sum3A_146[0, 0, 0] : f32 from vector<1x1x1xf32>
      %add3A_148 = vector.broadcast %reduce_sum3A_147 : f32 to vector<1x1xf32>
      %add3A_149 = arith.addf %get3A_126, %add3A_148 : vector<1x1xf32>
      %swap3A_150 = arith.constant 0 : index
      %swap3A_151 = arith.constant 0 : index
      %swap3A_152 = vector.load %arg13[%swap3A_150, %swap3A_151] : memref<1x1xf32, #tpu.memory_space<vmem>>, vector<1x1xf32>
      tpu.vector_store %arg13[%swap3A_150, %swap3A_151], %add3A_149 {strides = array<i32>} : memref<1x1xf32, #tpu.memory_space<vmem>>, vector<1x1xf32>,
      %get3A_153 = arith.constant 0 : index
      %get3A_154 = arith.constant 0 : index
      %get3A_155 = vector.load %arg8[%get3A_153, %get3A_154] : memref<1024x1280xf32, #tpu.memory_space<vmem>>, vector<1024x1280xf32>
      %slice3A = vector.extract_strided_slice %get3A_155 {offsets = [0, 0], sizes = [1024, 128], strides = [1, 1]} : vector<1024x1280xf32> to vector<1024x128xf32>
      %mul3A_156 = arith.mulf %add3A, %slice3A : vector<1024x128xf32>
      %reduce_sum3A_157 = arith.constant dense<0.000000e+00> : vector<1024xf32>
      %reduce_sum3A_158 = vector.multi_reduction <add>, %mul3A_156, %reduce_sum3A_157 [1] : vector<1024x128xf32> to vector<1024xf32>
      %broadcast_in_dim3A_159 = vector.shape_cast %reduce_sum3A_158 : vector<1024xf32> to vector<1024x1xf32>
      %div3A_160 = arith.constant 7.000000e-02 : f32
      %div3A_161 = vector.broadcast %div3A_160 : f32 to vector<1024x1xf32>
      %div3A_162 = arith.divf %broadcast_in_dim3A_159, %div3A_161 : vector<1024x1xf32>
      %neg3A_163 = arith.constant 0.000000e+00 : f32
      %neg3A_164 = vector.broadcast %neg3A_163 : f32 to vector<1024x1xf32>
      %neg3A_165 = arith.subf %neg3A_164, %div3A_162 : vector<1024x1xf32>
      %abs3A_166 = math.absf %neg3A_165 : vector<1024x1xf32>
      %neg3A_167 = arith.constant 0.000000e+00 : f32
      %neg3A_168 = vector.broadcast %neg3A_167 : f32 to vector<1024x1xf32>
      %neg3A_169 = arith.subf %neg3A_168, %abs3A_166 : vector<1024x1xf32>
      %exp3A_170 = math.exp %neg3A_169 : vector<1024x1xf32>
      %log1p3A_171 = math.log1p %exp3A_170 : vector<1024x1xf32>
      %neg3A_172 = arith.constant 0.000000e+00 : f32
      %neg3A_173 = vector.broadcast %neg3A_172 : f32 to vector<1024x1xf32>
      %neg3A_174 = arith.subf %neg3A_173, %neg3A_165 : vector<1024x1xf32>
      %max3A_175 = arith.constant 0.000000e+00 : f32
      %max3A_176 = vector.broadcast %max3A_175 : f32 to vector<1024x1xf32>
      %max3A_177 = arith.maximumf %neg3A_174, %max3A_176 : vector<1024x1xf32>
      %add3A_178 = arith.addf %log1p3A_171, %max3A_177 : vector<1024x1xf32>
      %jit3A_179 = arith.constant 0.000000e+00 : f32
      %broadcast_in_dim3A_180 = vector.broadcast %jit3A_179 : f32 to vector<1024x1xf32>
      %select_n3A_181 = arith.select %lt3A_23, %add3A_178, %broadcast_in_dim3A_180 : vector<1024x1xi1>, vector<1024x1xf32>
      %reduce_sum3A_182 = vector.shape_cast %select_n3A_181 : vector<1024x1xf32> to vector<1x1024x1xf32>
      %reduce_sum3A_183 = arith.constant dense<0.000000e+00> : vector<1xf32>
      %reduce_sum3A_184 = vector.multi_reduction <add>, %reduce_sum3A_182, %reduce_sum3A_183 [1, 2] : vector<1x1024x1xf32> to vector<1xf32>
      %reduce_sum3A_185 = vector.shape_cast %reduce_sum3A_184 : vector<1xf32> to vector<1x1x1xf32>
      %reduce_sum3A_186 = vector.extract %reduce_sum3A_185[0, 0, 0] : f32 from vector<1x1x1xf32>
      %add3A_187 = arith.constant 0.000000e+00 : f32
      %add3A_188 = arith.addf %add3A_187, %reduce_sum3A_186 : f32
      %slice3A_189 = vector.extract_strided_slice %get3A_155 {offsets = [0, 128], sizes = [1024, 128], strides = [1, 1]} : vector<1024x1280xf32> to vector<1024x128xf32>
      %mul3A_190 = arith.mulf %add3A, %slice3A_189 : vector<1024x128xf32>
      %reduce_sum3A_191 = arith.constant dense<0.000000e+00> : vector<1024xf32>
      %reduce_sum3A_192 = vector.multi_reduction <add>, %mul3A_190, %reduce_sum3A_191 [1] : vector<1024x128xf32> to vector<1024xf32>
      %broadcast_in_dim3A_193 = vector.shape_cast %reduce_sum3A_192 : vector<1024xf32> to vector<1024x1xf32>
      %div3A_194 = arith.constant 7.000000e-02 : f32
      %div3A_195 = vector.broadcast %div3A_194 : f32 to vector<1024x1xf32>
      %div3A_196 = arith.divf %broadcast_in_dim3A_193, %div3A_195 : vector<1024x1xf32>
      %neg3A_197 = arith.constant 0.000000e+00 : f32
      %neg3A_198 = vector.broadcast %neg3A_197 : f32 to vector<1024x1xf32>
      %neg3A_199 = arith.subf %neg3A_198, %div3A_196 : vector<1024x1xf32>
      %abs3A_200 = math.absf %neg3A_199 : vector<1024x1xf32>
      %neg3A_201 = arith.constant 0.000000e+00 : f32
      %neg3A_202 = vector.broadcast %neg3A_201 : f32 to vector<1024x1xf32>
      %neg3A_203 = arith.subf %neg3A_202, %abs3A_200 : vector<1024x1xf32>
      %exp3A_204 = math.exp %neg3A_203 : vector<1024x1xf32>
      %log1p3A_205 = math.log1p %exp3A_204 : vector<1024x1xf32>
      %neg3A_206 = arith.constant 0.000000e+00 : f32
      %neg3A_207 = vector.broadcast %neg3A_206 : f32 to vector<1024x1xf32>
      %neg3A_208 = arith.subf %neg3A_207, %neg3A_199 : vector<1024x1xf32>
      %max3A_209 = arith.constant 0.000000e+00 : f32
      %max3A_210 = vector.broadcast %max3A_209 : f32 to vector<1024x1xf32>
      %max3A_211 = arith.maximumf %neg3A_208, %max3A_210 : vector<1024x1xf32>
      %add3A_212 = arith.addf %log1p3A_205, %max3A_211 : vector<1024x1xf32>
      %jit3A_213 = arith.constant 0.000000e+00 : f32
      %broadcast_in_dim3A_214 = vector.broadcast %jit3A_213 : f32 to vector<1024x1xf32>
      %select_n3A_215 = arith.select %lt3A_23, %add3A_212, %broadcast_in_dim3A_214 : vector<1024x1xi1>, vector<1024x1xf32>
      %reduce_sum3A_216 = vector.shape_cast %select_n3A_215 : vector<1024x1xf32> to vector<1x1024x1xf32>
      %reduce_sum3A_217 = arith.constant dense<0.000000e+00> : vector<1xf32>
      %reduce_sum3A_218 = vector.multi_reduction <add>, %reduce_sum3A_216, %reduce_sum3A_217 [1, 2] : vector<1x1024x1xf32> to vector<1xf32>
      %reduce_sum3A_219 = vector.shape_cast %reduce_sum3A_218 : vector<1xf32> to vector<1x1x1xf32>
      %reduce_sum3A_220 = vector.extract %reduce_sum3A_219[0, 0, 0] : f32 from vector<1x1x1xf32>
      %add3A_221 = arith.addf %add3A_188, %reduce_sum3A_220 : f32
      %slice3A_222 = vector.extract_strided_slice %get3A_155 {offsets = [0, 256], sizes = [1024, 128], strides = [1, 1]} : vector<1024x1280xf32> to vector<1024x128xf32>
      %mul3A_223 = arith.mulf %add3A, %slice3A_222 : vector<1024x128xf32>
      %reduce_sum3A_224 = arith.constant dense<0.000000e+00> : vector<1024xf32>
      %reduce_sum3A_225 = vector.multi_reduction <add>, %mul3A_223, %reduce_sum3A_224 [1] : vector<1024x128xf32> to vector<1024xf32>
      %broadcast_in_dim3A_226 = vector.shape_cast %reduce_sum3A_225 : vector<1024xf32> to vector<1024x1xf32>
      %div3A_227 = arith.constant 7.000000e-02 : f32
      %div3A_228 = vector.broadcast %div3A_227 : f32 to vector<1024x1xf32>
      %div3A_229 = arith.divf %broadcast_in_dim3A_226, %div3A_228 : vector<1024x1xf32>
      %neg3A_230 = arith.constant 0.000000e+00 : f32
      %neg3A_231 = vector.broadcast %neg3A_230 : f32 to vector<1024x1xf32>
      %neg3A_232 = arith.subf %neg3A_231, %div3A_229 : vector<1024x1xf32>
      %abs3A_233 = math.absf %neg3A_232 : vector<1024x1xf32>
      %neg3A_234 = arith.constant 0.000000e+00 : f32
      %neg3A_235 = vector.broadcast %neg3A_234 : f32 to vector<1024x1xf32>
      %neg3A_236 = arith.subf %neg3A_235, %abs3A_233 : vector<1024x1xf32>
      %exp3A_237 = math.exp %neg3A_236 : vector<1024x1xf32>
      %log1p3A_238 = math.log1p %exp3A_237 : vector<1024x1xf32>
      %neg3A_239 = arith.constant 0.000000e+00 : f32
      %neg3A_240 = vector.broadcast %neg3A_239 : f32 to vector<1024x1xf32>
      %neg3A_241 = arith.subf %neg3A_240, %neg3A_232 : vector<1024x1xf32>
      %max3A_242 = arith.constant 0.000000e+00 : f32
      %max3A_243 = vector.broadcast %max3A_242 : f32 to vector<1024x1xf32>
      %max3A_244 = arith.maximumf %neg3A_241, %max3A_243 : vector<1024x1xf32>
      %add3A_245 = arith.addf %log1p3A_238, %max3A_244 : vector<1024x1xf32>
      %jit3A_246 = arith.constant 0.000000e+00 : f32
      %broadcast_in_dim3A_247 = vector.broadcast %jit3A_246 : f32 to vector<1024x1xf32>
      %select_n3A_248 = arith.select %lt3A_23, %add3A_245, %broadcast_in_dim3A_247 : vector<1024x1xi1>, vector<1024x1xf32>
      %reduce_sum3A_249 = vector.shape_cast %select_n3A_248 : vector<1024x1xf32> to vector<1x1024x1xf32>
      %reduce_sum3A_250 = arith.constant dense<0.000000e+00> : vector<1xf32>
      %reduce_sum3A_251 = vector.multi_reduction <add>, %reduce_sum3A_249, %reduce_sum3A_250 [1, 2] : vector<1x1024x1xf32> to vector<1xf32>
      %reduce_sum3A_252 = vector.shape_cast %reduce_sum3A_251 : vector<1xf32> to vector<1x1x1xf32>
      %reduce_sum3A_253 = vector.extract %reduce_sum3A_252[0, 0, 0] : f32 from vector<1x1x1xf32>
      %add3A_254 = arith.addf %add3A_221, %reduce_sum3A_253 : f32
      %slice3A_255 = vector.extract_strided_slice %get3A_155 {offsets = [0, 384], sizes = [1024, 128], strides = [1, 1]} : vector<1024x1280xf32> to vector<1024x128xf32>
      %mul3A_256 = arith.mulf %add3A, %slice3A_255 : vector<1024x128xf32>
      %reduce_sum3A_257 = arith.constant dense<0.000000e+00> : vector<1024xf32>
      %reduce_sum3A_258 = vector.multi_reduction <add>, %mul3A_256, %reduce_sum3A_257 [1] : vector<1024x128xf32> to vector<1024xf32>
      %broadcast_in_dim3A_259 = vector.shape_cast %reduce_sum3A_258 : vector<1024xf32> to vector<1024x1xf32>
      %div3A_260 = arith.constant 7.000000e-02 : f32
      %div3A_261 = vector.broadcast %div3A_260 : f32 to vector<1024x1xf32>
      %div3A_262 = arith.divf %broadcast_in_dim3A_259, %div3A_261 : vector<1024x1xf32>
      %neg3A_263 = arith.constant 0.000000e+00 : f32
      %neg3A_264 = vector.broadcast %neg3A_263 : f32 to vector<1024x1xf32>
      %neg3A_265 = arith.subf %neg3A_264, %div3A_262 : vector<1024x1xf32>
      %abs3A_266 = math.absf %neg3A_265 : vector<1024x1xf32>
      %neg3A_267 = arith.constant 0.000000e+00 : f32
      %neg3A_268 = vector.broadcast %neg3A_267 : f32 to vector<1024x1xf32>
      %neg3A_269 = arith.subf %neg3A_268, %abs3A_266 : vector<1024x1xf32>
      %exp3A_270 = math.exp %neg3A_269 : vector<1024x1xf32>
      %log1p3A_271 = math.log1p %exp3A_270 : vector<1024x1xf32>
      %neg3A_272 = arith.constant 0.000000e+00 : f32
      %neg3A_273 = vector.broadcast %neg3A_272 : f32 to vector<1024x1xf32>
      %neg3A_274 = arith.subf %neg3A_273, %neg3A_265 : vector<1024x1xf32>
      %max3A_275 = arith.constant 0.000000e+00 : f32
      %max3A_276 = vector.broadcast %max3A_275 : f32 to vector<1024x1xf32>
      %max3A_277 = arith.maximumf %neg3A_274, %max3A_276 : vector<1024x1xf32>
      %add3A_278 = arith.addf %log1p3A_271, %max3A_277 : vector<1024x1xf32>
      %jit3A_279 = arith.constant 0.000000e+00 : f32
      %broadcast_in_dim3A_280 = vector.broadcast %jit3A_279 : f32 to vector<1024x1xf32>
      %select_n3A_281 = arith.select %lt3A_23, %add3A_278, %broadcast_in_dim3A_280 : vector<1024x1xi1>, vector<1024x1xf32>
      %reduce_sum3A_282 = vector.shape_cast %select_n3A_281 : vector<1024x1xf32> to vector<1x1024x1xf32>
      %reduce_sum3A_283 = arith.constant dense<0.000000e+00> : vector<1xf32>
      %reduce_sum3A_284 = vector.multi_reduction <add>, %reduce_sum3A_282, %reduce_sum3A_283 [1, 2] : vector<1x1024x1xf32> to vector<1xf32>
      %reduce_sum3A_285 = vector.shape_cast %reduce_sum3A_284 : vector<1xf32> to vector<1x1x1xf32>
      %reduce_sum3A_286 = vector.extract %reduce_sum3A_285[0, 0, 0] : f32 from vector<1x1x1xf32>
      %add3A_287 = arith.addf %add3A_254, %reduce_sum3A_286 : f32
      %slice3A_288 = vector.extract_strided_slice %get3A_155 {offsets = [0, 512], sizes = [1024, 128], strides = [1, 1]} : vector<1024x1280xf32> to vector<1024x128xf32>
      %mul3A_289 = arith.mulf %add3A, %slice3A_288 : vector<1024x128xf32>
      %reduce_sum3A_290 = arith.constant dense<0.000000e+00> : vector<1024xf32>
      %reduce_sum3A_291 = vector.multi_reduction <add>, %mul3A_289, %reduce_sum3A_290 [1] : vector<1024x128xf32> to vector<1024xf32>
      %broadcast_in_dim3A_292 = vector.shape_cast %reduce_sum3A_291 : vector<1024xf32> to vector<1024x1xf32>
      %div3A_293 = arith.constant 7.000000e-02 : f32
      %div3A_294 = vector.broadcast %div3A_293 : f32 to vector<1024x1xf32>
      %div3A_295 = arith.divf %broadcast_in_dim3A_292, %div3A_294 : vector<1024x1xf32>
      %neg3A_296 = arith.constant 0.000000e+00 : f32
      %neg3A_297 = vector.broadcast %neg3A_296 : f32 to vector<1024x1xf32>
      %neg3A_298 = arith.subf %neg3A_297, %div3A_295 : vector<1024x1xf32>
      %abs3A_299 = math.absf %neg3A_298 : vector<1024x1xf32>
      %neg3A_300 = arith.constant 0.000000e+00 : f32
      %neg3A_301 = vector.broadcast %neg3A_300 : f32 to vector<1024x1xf32>
      %neg3A_302 = arith.subf %neg3A_301, %abs3A_299 : vector<1024x1xf32>
      %exp3A_303 = math.exp %neg3A_302 : vector<1024x1xf32>
      %log1p3A_304 = math.log1p %exp3A_303 : vector<1024x1xf32>
      %neg3A_305 = arith.constant 0.000000e+00 : f32
      %neg3A_306 = vector.broadcast %neg3A_305 : f32 to vector<1024x1xf32>
      %neg3A_307 = arith.subf %neg3A_306, %neg3A_298 : vector<1024x1xf32>
      %max3A_308 = arith.constant 0.000000e+00 : f32
      %max3A_309 = vector.broadcast %max3A_308 : f32 to vector<1024x1xf32>
      %max3A_310 = arith.maximumf %neg3A_307, %max3A_309 : vector<1024x1xf32>
      %add3A_311 = arith.addf %log1p3A_304, %max3A_310 : vector<1024x1xf32>
      %jit3A_312 = arith.constant 0.000000e+00 : f32
      %broadcast_in_dim3A_313 = vector.broadcast %jit3A_312 : f32 to vector<1024x1xf32>
      %select_n3A_314 = arith.select %lt3A_23, %add3A_311, %broadcast_in_dim3A_313 : vector<1024x1xi1>, vector<1024x1xf32>
      %reduce_sum3A_315 = vector.shape_cast %select_n3A_314 : vector<1024x1xf32> to vector<1x1024x1xf32>
      %reduce_sum3A_316 = arith.constant dense<0.000000e+00> : vector<1xf32>
      %reduce_sum3A_317 = vector.multi_reduction <add>, %reduce_sum3A_315, %reduce_sum3A_316 [1, 2] : vector<1x1024x1xf32> to vector<1xf32>
      %reduce_sum3A_318 = vector.shape_cast %reduce_sum3A_317 : vector<1xf32> to vector<1x1x1xf32>
      %reduce_sum3A_319 = vector.extract %reduce_sum3A_318[0, 0, 0] : f32 from vector<1x1x1xf32>
      %add3A_320 = arith.addf %add3A_287, %reduce_sum3A_319 : f32
      %slice3A_321 = vector.extract_strided_slice %get3A_155 {offsets = [0, 640], sizes = [1024, 128], strides = [1, 1]} : vector<1024x1280xf32> to vector<1024x128xf32>
      %mul3A_322 = arith.mulf %add3A, %slice3A_321 : vector<1024x128xf32>
      %reduce_sum3A_323 = arith.constant dense<0.000000e+00> : vector<1024xf32>
      %reduce_sum3A_324 = vector.multi_reduction <add>, %mul3A_322, %reduce_sum3A_323 [1] : vector<1024x128xf32> to vector<1024xf32>
      %broadcast_in_dim3A_325 = vector.shape_cast %reduce_sum3A_324 : vector<1024xf32> to vector<1024x1xf32>
      %div3A_326 = arith.constant 7.000000e-02 : f32
      %div3A_327 = vector.broadcast %div3A_326 : f32 to vector<1024x1xf32>
      %div3A_328 = arith.divf %broadcast_in_dim3A_325, %div3A_327 : vector<1024x1xf32>
      %neg3A_329 = arith.constant 0.000000e+00 : f32
      %neg3A_330 = vector.broadcast %neg3A_329 : f32 to vector<1024x1xf32>
      %neg3A_331 = arith.subf %neg3A_330, %div3A_328 : vector<1024x1xf32>
      %abs3A_332 = math.absf %neg3A_331 : vector<1024x1xf32>
      %neg3A_333 = arith.constant 0.000000e+00 : f32
      %neg3A_334 = vector.broadcast %neg3A_333 : f32 to vector<1024x1xf32>
      %neg3A_335 = arith.subf %neg3A_334, %abs3A_332 : vector<1024x1xf32>
      %exp3A_336 = math.exp %neg3A_335 : vector<1024x1xf32>
      %log1p3A_337 = math.log1p %exp3A_336 : vector<1024x1xf32>
      %neg3A_338 = arith.constant 0.000000e+00 : f32
      %neg3A_339 = vector.broadcast %neg3A_338 : f32 to vector<1024x1xf32>
      %neg3A_340 = arith.subf %neg3A_339, %neg3A_331 : vector<1024x1xf32>
      %max3A_341 = arith.constant 0.000000e+00 : f32
      %max3A_342 = vector.broadcast %max3A_341 : f32 to vector<1024x1xf32>
      %max3A_343 = arith.maximumf %neg3A_340, %max3A_342 : vector<1024x1xf32>
      %add3A_344 = arith.addf %log1p3A_337, %max3A_343 : vector<1024x1xf32>
      %jit3A_345 = arith.constant 0.000000e+00 : f32
      %broadcast_in_dim3A_346 = vector.broadcast %jit3A_345 : f32 to vector<1024x1xf32>
      %select_n3A_347 = arith.select %lt3A_23, %add3A_344, %broadcast_in_dim3A_346 : vector<1024x1xi1>, vector<1024x1xf32>
      %reduce_sum3A_348 = vector.shape_cast %select_n3A_347 : vector<1024x1xf32> to vector<1x1024x1xf32>
      %reduce_sum3A_349 = arith.constant dense<0.000000e+00> : vector<1xf32>
      %reduce_sum3A_350 = vector.multi_reduction <add>, %reduce_sum3A_348, %reduce_sum3A_349 [1, 2] : vector<1x1024x1xf32> to vector<1xf32>
      %reduce_sum3A_351 = vector.shape_cast %reduce_sum3A_350 : vector<1xf32> to vector<1x1x1xf32>
      %reduce_sum3A_352 = vector.extract %reduce_sum3A_351[0, 0, 0] : f32 from vector<1x1x1xf32>
      %add3A_353 = arith.addf %add3A_320, %reduce_sum3A_352 : f32
      %slice3A_354 = vector.extract_strided_slice %get3A_155 {offsets = [0, 768], sizes = [1024, 128], strides = [1, 1]} : vector<1024x1280xf32> to vector<1024x128xf32>
      %mul3A_355 = arith.mulf %add3A, %slice3A_354 : vector<1024x128xf32>
      %reduce_sum3A_356 = arith.constant dense<0.000000e+00> : vector<1024xf32>
      %reduce_sum3A_357 = vector.multi_reduction <add>, %mul3A_355, %reduce_sum3A_356 [1] : vector<1024x128xf32> to vector<1024xf32>
      %broadcast_in_dim3A_358 = vector.shape_cast %reduce_sum3A_357 : vector<1024xf32> to vector<1024x1xf32>
      %div3A_359 = arith.constant 7.000000e-02 : f32
      %div3A_360 = vector.broadcast %div3A_359 : f32 to vector<1024x1xf32>
      %div3A_361 = arith.divf %broadcast_in_dim3A_358, %div3A_360 : vector<1024x1xf32>
      %neg3A_362 = arith.constant 0.000000e+00 : f32
      %neg3A_363 = vector.broadcast %neg3A_362 : f32 to vector<1024x1xf32>
      %neg3A_364 = arith.subf %neg3A_363, %div3A_361 : vector<1024x1xf32>
      %abs3A_365 = math.absf %neg3A_364 : vector<1024x1xf32>
      %neg3A_366 = arith.constant 0.000000e+00 : f32
      %neg3A_367 = vector.broadcast %neg3A_366 : f32 to vector<1024x1xf32>
      %neg3A_368 = arith.subf %neg3A_367, %abs3A_365 : vector<1024x1xf32>
      %exp3A_369 = math.exp %neg3A_368 : vector<1024x1xf32>
      %log1p3A_370 = math.log1p %exp3A_369 : vector<1024x1xf32>
      %neg3A_371 = arith.constant 0.000000e+00 : f32
      %neg3A_372 = vector.broadcast %neg3A_371 : f32 to vector<1024x1xf32>
      %neg3A_373 = arith.subf %neg3A_372, %neg3A_364 : vector<1024x1xf32>
      %max3A_374 = arith.constant 0.000000e+00 : f32
      %max3A_375 = vector.broadcast %max3A_374 : f32 to vector<1024x1xf32>
      %max3A_376 = arith.maximumf %neg3A_373, %max3A_375 : vector<1024x1xf32>
      %add3A_377 = arith.addf %log1p3A_370, %max3A_376 : vector<1024x1xf32>
      %jit3A_378 = arith.constant 0.000000e+00 : f32
      %broadcast_in_dim3A_379 = vector.broadcast %jit3A_378 : f32 to vector<1024x1xf32>
      %select_n3A_380 = arith.select %lt3A_23, %add3A_377, %broadcast_in_dim3A_379 : vector<1024x1xi1>, vector<1024x1xf32>
      %reduce_sum3A_381 = vector.shape_cast %select_n3A_380 : vector<1024x1xf32> to vector<1x1024x1xf32>
      %reduce_sum3A_382 = arith.constant dense<0.000000e+00> : vector<1xf32>
      %reduce_sum3A_383 = vector.multi_reduction <add>, %reduce_sum3A_381, %reduce_sum3A_382 [1, 2] : vector<1x1024x1xf32> to vector<1xf32>
      %reduce_sum3A_384 = vector.shape_cast %reduce_sum3A_383 : vector<1xf32> to vector<1x1x1xf32>
      %reduce_sum3A_385 = vector.extract %reduce_sum3A_384[0, 0, 0] : f32 from vector<1x1x1xf32>
      %add3A_386 = arith.addf %add3A_353, %reduce_sum3A_385 : f32
      %slice3A_387 = vector.extract_strided_slice %get3A_155 {offsets = [0, 896], sizes = [1024, 128], strides = [1, 1]} : vector<1024x1280xf32> to vector<1024x128xf32>
      %mul3A_388 = arith.mulf %add3A, %slice3A_387 : vector<1024x128xf32>
      %reduce_sum3A_389 = arith.constant dense<0.000000e+00> : vector<1024xf32>
      %reduce_sum3A_390 = vector.multi_reduction <add>, %mul3A_388, %reduce_sum3A_389 [1] : vector<1024x128xf32> to vector<1024xf32>
      %broadcast_in_dim3A_391 = vector.shape_cast %reduce_sum3A_390 : vector<1024xf32> to vector<1024x1xf32>
      %div3A_392 = arith.constant 7.000000e-02 : f32
      %div3A_393 = vector.broadcast %div3A_392 : f32 to vector<1024x1xf32>
      %div3A_394 = arith.divf %broadcast_in_dim3A_391, %div3A_393 : vector<1024x1xf32>
      %neg3A_395 = arith.constant 0.000000e+00 : f32
      %neg3A_396 = vector.broadcast %neg3A_395 : f32 to vector<1024x1xf32>
      %neg3A_397 = arith.subf %neg3A_396, %div3A_394 : vector<1024x1xf32>
      %abs3A_398 = math.absf %neg3A_397 : vector<1024x1xf32>
      %neg3A_399 = arith.constant 0.000000e+00 : f32
      %neg3A_400 = vector.broadcast %neg3A_399 : f32 to vector<1024x1xf32>
      %neg3A_401 = arith.subf %neg3A_400, %abs3A_398 : vector<1024x1xf32>
      %exp3A_402 = math.exp %neg3A_401 : vector<1024x1xf32>
      %log1p3A_403 = math.log1p %exp3A_402 : vector<1024x1xf32>
      %neg3A_404 = arith.constant 0.000000e+00 : f32
      %neg3A_405 = vector.broadcast %neg3A_404 : f32 to vector<1024x1xf32>
      %neg3A_406 = arith.subf %neg3A_405, %neg3A_397 : vector<1024x1xf32>
      %max3A_407 = arith.constant 0.000000e+00 : f32
      %max3A_408 = vector.broadcast %max3A_407 : f32 to vector<1024x1xf32>
      %max3A_409 = arith.maximumf %neg3A_406, %max3A_408 : vector<1024x1xf32>
      %add3A_410 = arith.addf %log1p3A_403, %max3A_409 : vector<1024x1xf32>
      %jit3A_411 = arith.constant 0.000000e+00 : f32
      %broadcast_in_dim3A_412 = vector.broadcast %jit3A_411 : f32 to vector<1024x1xf32>
      %select_n3A_413 = arith.select %lt3A_23, %add3A_410, %broadcast_in_dim3A_412 : vector<1024x1xi1>, vector<1024x1xf32>
      %reduce_sum3A_414 = vector.shape_cast %select_n3A_413 : vector<1024x1xf32> to vector<1x1024x1xf32>
      %reduce_sum3A_415 = arith.constant dense<0.000000e+00> : vector<1xf32>
      %reduce_sum3A_416 = vector.multi_reduction <add>, %reduce_sum3A_414, %reduce_sum3A_415 [1, 2] : vector<1x1024x1xf32> to vector<1xf32>
      %reduce_sum3A_417 = vector.shape_cast %reduce_sum3A_416 : vector<1xf32> to vector<1x1x1xf32>
      %reduce_sum3A_418 = vector.extract %reduce_sum3A_417[0, 0, 0] : f32 from vector<1x1x1xf32>
      %add3A_419 = arith.addf %add3A_386, %reduce_sum3A_418 : f32
      %slice3A_420 = vector.extract_strided_slice %get3A_155 {offsets = [0, 1024], sizes = [1024, 128], strides = [1, 1]} : vector<1024x1280xf32> to vector<1024x128xf32>
      %mul3A_421 = arith.mulf %add3A, %slice3A_420 : vector<1024x128xf32>
      %reduce_sum3A_422 = arith.constant dense<0.000000e+00> : vector<1024xf32>
      %reduce_sum3A_423 = vector.multi_reduction <add>, %mul3A_421, %reduce_sum3A_422 [1] : vector<1024x128xf32> to vector<1024xf32>
      %broadcast_in_dim3A_424 = vector.shape_cast %reduce_sum3A_423 : vector<1024xf32> to vector<1024x1xf32>
      %div3A_425 = arith.constant 7.000000e-02 : f32
      %div3A_426 = vector.broadcast %div3A_425 : f32 to vector<1024x1xf32>
      %div3A_427 = arith.divf %broadcast_in_dim3A_424, %div3A_426 : vector<1024x1xf32>
      %neg3A_428 = arith.constant 0.000000e+00 : f32
      %neg3A_429 = vector.broadcast %neg3A_428 : f32 to vector<1024x1xf32>
      %neg3A_430 = arith.subf %neg3A_429, %div3A_427 : vector<1024x1xf32>
      %abs3A_431 = math.absf %neg3A_430 : vector<1024x1xf32>
      %neg3A_432 = arith.constant 0.000000e+00 : f32
      %neg3A_433 = vector.broadcast %neg3A_432 : f32 to vector<1024x1xf32>
      %neg3A_434 = arith.subf %neg3A_433, %abs3A_431 : vector<1024x1xf32>
      %exp3A_435 = math.exp %neg3A_434 : vector<1024x1xf32>
      %log1p3A_436 = math.log1p %exp3A_435 : vector<1024x1xf32>
      %neg3A_437 = arith.constant 0.000000e+00 : f32
      %neg3A_438 = vector.broadcast %neg3A_437 : f32 to vector<1024x1xf32>
      %neg3A_439 = arith.subf %neg3A_438, %neg3A_430 : vector<1024x1xf32>
      %max3A_440 = arith.constant 0.000000e+00 : f32
      %max3A_441 = vector.broadcast %max3A_440 : f32 to vector<1024x1xf32>
      %max3A_442 = arith.maximumf %neg3A_439, %max3A_441 : vector<1024x1xf32>
      %add3A_443 = arith.addf %log1p3A_436, %max3A_442 : vector<1024x1xf32>
      %jit3A_444 = arith.constant 0.000000e+00 : f32
      %broadcast_in_dim3A_445 = vector.broadcast %jit3A_444 : f32 to vector<1024x1xf32>
      %select_n3A_446 = arith.select %lt3A_23, %add3A_443, %broadcast_in_dim3A_445 : vector<1024x1xi1>, vector<1024x1xf32>
      %reduce_sum3A_447 = vector.shape_cast %select_n3A_446 : vector<1024x1xf32> to vector<1x1024x1xf32>
      %reduce_sum3A_448 = arith.constant dense<0.000000e+00> : vector<1xf32>
      %reduce_sum3A_449 = vector.multi_reduction <add>, %reduce_sum3A_447, %reduce_sum3A_448 [1, 2] : vector<1x1024x1xf32> to vector<1xf32>
      %reduce_sum3A_450 = vector.shape_cast %reduce_sum3A_449 : vector<1xf32> to vector<1x1x1xf32>
      %reduce_sum3A_451 = vector.extract %reduce_sum3A_450[0, 0, 0] : f32 from vector<1x1x1xf32>
      %add3A_452 = arith.addf %add3A_419, %reduce_sum3A_451 : f32
      %slice3A_453 = vector.extract_strided_slice %get3A_155 {offsets = [0, 1152], sizes = [1024, 128], strides = [1, 1]} : vector<1024x1280xf32> to vector<1024x128xf32>
      %mul3A_454 = arith.mulf %add3A, %slice3A_453 : vector<1024x128xf32>
      %reduce_sum3A_455 = arith.constant dense<0.000000e+00> : vector<1024xf32>
      %reduce_sum3A_456 = vector.multi_reduction <add>, %mul3A_454, %reduce_sum3A_455 [1] : vector<1024x128xf32> to vector<1024xf32>
      %broadcast_in_dim3A_457 = vector.shape_cast %reduce_sum3A_456 : vector<1024xf32> to vector<1024x1xf32>
      %div3A_458 = arith.constant 7.000000e-02 : f32
      %div3A_459 = vector.broadcast %div3A_458 : f32 to vector<1024x1xf32>
      %div3A_460 = arith.divf %broadcast_in_dim3A_457, %div3A_459 : vector<1024x1xf32>
      %neg3A_461 = arith.constant 0.000000e+00 : f32
      %neg3A_462 = vector.broadcast %neg3A_461 : f32 to vector<1024x1xf32>
      %neg3A_463 = arith.subf %neg3A_462, %div3A_460 : vector<1024x1xf32>
      %abs3A_464 = math.absf %neg3A_463 : vector<1024x1xf32>
      %neg3A_465 = arith.constant 0.000000e+00 : f32
      %neg3A_466 = vector.broadcast %neg3A_465 : f32 to vector<1024x1xf32>
      %neg3A_467 = arith.subf %neg3A_466, %abs3A_464 : vector<1024x1xf32>
      %exp3A_468 = math.exp %neg3A_467 : vector<1024x1xf32>
      %log1p3A_469 = math.log1p %exp3A_468 : vector<1024x1xf32>
      %neg3A_470 = arith.constant 0.000000e+00 : f32
      %neg3A_471 = vector.broadcast %neg3A_470 : f32 to vector<1024x1xf32>
      %neg3A_472 = arith.subf %neg3A_471, %neg3A_463 : vector<1024x1xf32>
      %max3A_473 = arith.constant 0.000000e+00 : f32
      %max3A_474 = vector.broadcast %max3A_473 : f32 to vector<1024x1xf32>
      %max3A_475 = arith.maximumf %neg3A_472, %max3A_474 : vector<1024x1xf32>
      %add3A_476 = arith.addf %log1p3A_469, %max3A_475 : vector<1024x1xf32>
      %jit3A_477 = arith.constant 0.000000e+00 : f32
      %broadcast_in_dim3A_478 = vector.broadcast %jit3A_477 : f32 to vector<1024x1xf32>
      %select_n3A_479 = arith.select %lt3A_23, %add3A_476, %broadcast_in_dim3A_478 : vector<1024x1xi1>, vector<1024x1xf32>
      %reduce_sum3A_480 = vector.shape_cast %select_n3A_479 : vector<1024x1xf32> to vector<1x1024x1xf32>
      %reduce_sum3A_481 = arith.constant dense<0.000000e+00> : vector<1xf32>
      %reduce_sum3A_482 = vector.multi_reduction <add>, %reduce_sum3A_480, %reduce_sum3A_481 [1, 2] : vector<1x1024x1xf32> to vector<1xf32>
      %reduce_sum3A_483 = vector.shape_cast %reduce_sum3A_482 : vector<1xf32> to vector<1x1x1xf32>
      %reduce_sum3A_484 = vector.extract %reduce_sum3A_483[0, 0, 0] : f32 from vector<1x1x1xf32>
      %add3A_485 = arith.addf %add3A_452, %reduce_sum3A_484 : f32
      %get3A_486 = arith.constant 0 : index
      %get3A_487 = arith.constant 0 : index
      %get3A_488 = vector.load %arg14[%get3A_486, %get3A_487] : memref<1x1xf32, #tpu.memory_space<vmem>>, vector<1x1xf32>
      %add3A_489 = vector.broadcast %add3A_485 : f32 to vector<1x1xf32>
      %add3A_490 = arith.addf %get3A_488, %add3A_489 : vector<1x1xf32>
      %swap3A_491 = arith.constant 0 : index
      %swap3A_492 = arith.constant 0 : index
      %swap3A_493 = vector.load %arg14[%swap3A_491, %swap3A_492] : memref<1x1xf32, #tpu.memory_space<vmem>>, vector<1x1xf32>
      tpu.vector_store %arg14[%swap3A_491, %swap3A_492], %add3A_490 {strides = array<i32>} : memref<1x1xf32, #tpu.memory_space<vmem>>, vector<1x1xf32>,
    } else {
    }
    return
  }
  func.func @transform_0(%arg0: i32, %arg1: i32) -> (i32, i32) {
    %c0_i32 = arith.constant 0 : i32
    %c0_i32_0 = arith.constant 0 : i32
    return %arg0, %c0_i32 : i32, i32
  }
  func.func @transform_1(%arg0: i32, %arg1: i32) -> (i32, i32) {
    %c0_i32 = arith.constant 0 : i32
    %c0_i32_0 = arith.constant 0 : i32
    return %arg1, %c0_i32 : i32, i32
  }
  func.func @transform_2(%arg0: i32, %arg1: i32) -> (i32, i32) {
    %c0_i32 = arith.constant 0 : i32
    %c0_i32_0 = arith.constant 0 : i32
    return %arg0, %c0_i32 : i32, i32
  }
  func.func @transform_3(%arg0: i32, %arg1: i32) -> (i32, i32) {
    %c0_i32 = arith.constant 0 : i32
    %c0_i32_0 = arith.constant 0 : i32
    return %arg0, %c0_i32 : i32, i32
  }
  func.func @transform_4(%arg0: i32, %arg1: i32) -> (i32, i32) {
    %c0_i32 = arith.constant 0 : i32
    %c0_i32_0 = arith.constant 0 : i32
    return %arg0, %c0_i32 : i32, i32
  }
  func.func @transform_5(%arg0: i32, %arg1: i32) -> (i32, i32) {
    %add3A = arith.constant 10 : i32
    %add3A_0 = arith.addi %arg0, %add3A : i32
    %c0_i32 = arith.constant 0 : i32
    %c0_i32_1 = arith.constant 0 : i32
    return %add3A_0, %c0_i32 : i32, i32
  }
  func.func @transform_6(%arg0: i32, %arg1: i32) -> (i32, i32) {
    %c0_i32 = arith.constant 0 : i32
    %c0_i32_0 = arith.constant 0 : i32
    return %arg0, %c0_i32 : i32, i32
  }
  func.func @transform_7(%arg0: i32, %arg1: i32) -> (i32, i32) {
    %c0_i32 = arith.constant 0 : i32
    %c0_i32_0 = arith.constant 0 : i32
    %c0_i32_1 = arith.constant 0 : i32
    return %c0_i32, %c0_i32_0 : i32, i32
  }
  func.func @transform_8(%arg0: i32, %arg1: i32) -> (i32, i32) {
    %c0_i32 = arith.constant 0 : i32
    %c0_i32_0 = arith.constant 0 : i32
    %c0_i32_1 = arith.constant 0 : i32
    return %c0_i32, %c0_i32_0 : i32, i32
  }
  func.func @transform_9(%arg0: i32, %arg1: i32) -> (i32, i32) {
    %c0_i32 = arith.constant 0 : i32
    %c0_i32_0 = arith.constant 0 : i32
    %c0_i32_1 = arith.constant 0 : i32
    return %c0_i32, %c0_i32_0 : i32, i32
  }
  func.func @transform_10(%arg0: i32, %arg1: i32) -> (i32, i32) {
    %c0_i32 = arith.constant 0 : i32
    %c0_i32_0 = arith.constant 0 : i32
    %c0_i32_1 = arith.constant 0 : i32
    return %c0_i32, %c0_i32_0 : i32, i32
  }
  func.func @transform_11(%arg0: i32, %arg1: i32) -> (i32, i32) {
    %c0_i32 = arith.constant 0 : i32
    %c0_i32_0 = arith.constant 0 : i32
    %c0_i32_1 = arith.constant 0 : i32
    return %c0_i32, %c0_i32_0 : i32, i32
  }
  func.func @transform_12(%arg0: i32, %arg1: i32) -> (i32, i32) {
    %c0_i32 = arith.constant 0 : i32
    %c0_i32_0 = arith.constant 0 : i32
    %c0_i32_1 = arith.constant 0 : i32
    return %c0_i32, %c0_i32_0 : i32, i32
  }
}

</mosaic_0001>

<sc_bundles>
// kernel: kernel.11.cloned.1.call-start
scs
__scs_entry_jumppad:
0x0: {  	(pc) =	sbr.rel $0x88, $3  }
0x1: {  	(tag) =	ssettag $0x0;
	lr =	simm.s32 $0x1  }
0x2: {  	[smem:$0x3F9A] =	sst lr;
	_ =	strace $0xD0000000  }
0x3: {  	_ = 	snop  }
0x4: {  	_ = 	snop  }
0x5: {  	_ = 	snop  }
0x6: {  	_ = 	snop  }
0x7: {  	_ = 	snop  }
__scs_overlays_trampoline_lowered:
0x8: {  	[smem:$0x3FA9] =	sst s0  }
0x9: {  	[smem:$0x3FAA] =	sst s1  }
0xa: {  	[smem:$0x3FAB] =	sst s2  }
0xb: {  	[smem:$0x3FAC] =	sst s3  }
0xc: {  	[smem:$0x3FAD] =	sst s4  }
0xd: {  	[smem:$0x3FAE] =	sst s5  }
0xe: {  	[smem:$0x3FAF] =	sst s6  }
0xf: {  	[smem:$0x3FB0] =	sst s7  }
0x10: {  	[smem:$0x3FB1] =	sst s8  }
0x11: {  	[smem:$0x3FB2] =	sst s9;
	s0 =	simm.s32 @!p0 $0x0  }
0x12: {  	s1 =	sld [smem:$0x3F98];
	s0 =	simm.s32 @p0 $0x1  }
0x13: {  	[smem:$0x3FB3] =	sst s0;
	s0 =	simm.s32 @!p1 $0x0  }
0x14: {  	s2 =	sld [smem:$0x3F97];
	s0 =	simm.s32 @p1 $0x1  }
0x15: {  	[smem:$0x3FB4] =	sst s0;
	s0 =	simm.s32 @!p2 $0x0  }
0x16: {  	s3 =	sld [smem:$0x3FDB];
	s0 =	simm.s32 @p2 $0x1  }
0x17: {  	s4 =	simm.s32 $0x1BF5;
	[smem:$0x3FB6] =	sst s0  }
0x18: {  	s0 =	sld [smem:$0x3F99];
	_ =	swait.ge [sflag:s4], $0x0  }
0x19: {  	s7 =	sld [smem:$0x3F9A]  }
0x1a: {  	s8 =	sadd.s32 $0xFFFFE003, lr  }
0x1b: {  	s9 =	sadd.s32 $0xFFFFFEF7, lr;
	s5 =	simm.s32 $0xFFFFFFFF;
	p2 =	slt.u32 s8, $0xFFFFF086  }
0x1c: {  	p1 =	slt.u32 s9, $0xF7A;
	s5 =	simm.s32 @!p2 $0x0  }
0x1d: {  	s5 =	simm.s32 @p1 $0x1;
	p0 =	seq.s32 s7, s2  }
0x1e: {  	s7 =	smul.u32 @!p0 $0xF7A, s2;
	p2 =	seq.s32 @!p0 s5, $0x0  }
0x1f: {  	s9 =	smul.u32 $0xF7A, s1;
	s8 =	simm.s32 @!p0 $0x1BF5;
	p2 =	por !p2, p0  }
0x20: {  	[sflag:s8] =	ssyncset.s32 @!p0 $0xFFFFF086;
	s6 =	sadd.s32 @!p0 s3, s7;
	s7 =	simm.s32 @!p0 $0x108  }
0x21: {  	s3 =	sadd.s32 s3, s9;
	s6 =	sadd.s32 @!p0 $0x88, s6;
	s7 =	simm.s32 @p2 $0x1082  }
0x22: {  	[simem:s7], [sflag:s8] =	dma.local @!p0 [hbm:s6], $0xF7A  }
0x23: {  	s9 =	sor.u32 $0xD0000000, s2;
	s6 =	simm.s32 $0x108;
	_ =	swait.ge @!p0 [sflag:s8], $0x0  }
0x24: {  	s3 =	sadd.s32 $0x88, s3;
	s6 =	simm.s32 @!p1 $0x1082;
	[sflag:s4] =	ssyncset.s32 $0xFFFFF086  }
0x25: {  	[simem:s6], [sflag:s4] =	dma.local [hbm:s3], $0xF7A  }
0x26: {  	[smem:$0x3F9A] =	sst s1;
	(tag) =	ssettag s2;
	_ =	strace s9  }
0x27: {  	s1 =	sld [smem:$0x3FAA]  }
0x28: {  	s2 =	sld [smem:$0x3FAB]  }
0x29: {  	s4 =	sld [smem:$0x3FAD]  }
0x2a: {  	p0 =	seq.s32 s5, $0x0;
	s5 =	sld [smem:$0x3FAE]  }
0x2b: {  	s6 =	sld [smem:$0x3FAF]  }
0x2c: {  	s7 =	sld [smem:$0x3FB0]  }
0x2d: {  	s3 =	simm.s32 $0x108;
	s8 =	sld [smem:$0x3FB1]  }
0x2e: {  	s3 =	simm.s32 @!p0 $0x1082;
	s9 =	sld [smem:$0x3FB2]  }
0x2f: {  	lr =	sadd.s32 s0, s3;
	s0 =	sld [smem:$0x3FA9]  }
0x30: {  	s3 =	sld [smem:$0x3FAC]  }
0x31: {  	[smem:$0x3FB5] =	sst s10  }
0x32: {  	s10 =	sld [smem:$0x3FB3];
	_ =	sdelay $0x3  }
0x33: {  	p0 =	seq.s32 s10, $0x1;
	s10 =	sld [smem:$0x3FB5];
	_ =	sdelay $0x3  }
0x34: {  	[smem:$0x3FB5] =	sst s10  }
0x35: {  	s10 =	sld [smem:$0x3FB4];
	_ =	sdelay $0x3  }
0x36: {  	p1 =	seq.s32 s10, $0x1;
	s10 =	sld [smem:$0x3FB5];
	_ =	sdelay $0x3  }
0x37: {  	[smem:$0x3FB5] =	sst s10  }
0x38: {  	s10 =	sld [smem:$0x3FB6]  }
0x39: {  	_ = 	snop;
	(pc) =	sbr.ind lr, $3  }
0x3a: {  	_ = 	snop  }
0x3b: {  	_ = 	snop  }
0x3c: {  	p2 =	seq.s32 s10, $0x1;
	s10 =	sld [smem:$0x3FB5]  }
0x3d: {  	_ =	shalt  }
0x3e: {  	_ =	shalt  }
0x3f: {  	_ =	shalt  }
0x40: {  	_ =	shalt  }
0x41: {  	_ =	shalt  }
0x42: {  	_ =	shalt  }
0x43: {  	_ =	shalt  }
0x44: {  	_ =	shalt  }
0x45: {  	_ =	shalt  }
0x46: {  	_ =	shalt  }
0x47: {  	_ =	shalt  }
0x48: {  	_ =	shalt  }
0x49: {  	_ =	shalt  }
0x4a: {  	_ =	shalt  }
0x4b: {  	_ =	shalt  }
0x4c: {  	_ =	shalt  }
0x4d: {  	_ =	shalt  }
0x4e: {  	_ =	shalt  }
0x4f: {  	_ =	shalt  }
0x50: {  	_ =	shalt  }
0x51: {  	_ =	shalt  }
0x52: {  	_ =	shalt  }
0x53: {  	_ =	shalt  }
0x54: {  	_ =	shalt  }
0x55: {  	_ =	shalt  }
0x56: {  	_ =	shalt  }
0x57: {  	_ =	shalt  }
0x58: {  	_ =	shalt  }
0x59: {  	_ =	shalt  }
0x5a: {  	_ =	shalt  }
0x5b: {  	_ =	shalt  }
0x5c: {  	_ =	shalt  }
0x5d: {  	_ =	shalt  }
0x5e: {  	_ =	shalt  }
0x5f: {  	_ =	shalt  }
0x60: {  	_ =	shalt  }
0x61: {  	_ =	shalt  }
0x62: {  	_ =	shalt  }
0x63: {  	_ =	shalt  }
0x64: {  	_ =	shalt  }
0x65: {  	_ =	shalt  }
0x66: {  	_ =	shalt  }
0x67: {  	_ =	shalt  }
0x68: {  	_ =	shalt  }
0x69: {  	_ =	shalt  }
0x6a: {  	_ =	shalt  }
0x6b: {  	_ =	shalt  }
0x6c: {  	_ =	shalt  }
0x6d: {  	_ =	shalt  }
0x6e: {  	_ =	shalt  }
0x6f: {  	_ =	shalt  }
0x70: {  	_ =	shalt  }
0x71: {  	_ =	shalt  }
0x72: {  	_ =	shalt  }
0x73: {  	_ =	shalt  }
0x74: {  	_ =	shalt  }
0x75: {  	_ =	shalt  }
0x76: {  	_ =	shalt  }
0x77: {  	_ =	shalt  }
0x78: {  	_ =	shalt  }
0x79: {  	_ =	shalt  }
0x7a: {  	_ =	shalt  }
0x7b: {  	_ =	shalt  }
0x7c: {  	_ =	shalt  }
0x7d: {  	_ =	shalt  }
0x7e: {  	_ =	shalt  }
0x7f: {  	_ =	shalt  }
0x80: {  	_ =	shalt  }
0x81: {  	_ =	shalt  }
0x82: {  	_ =	shalt  }
0x83: {  	_ =	shalt  }
0x84: {  	_ =	shalt  }
0x85: {  	_ =	shalt  }
0x86: {  	_ =	shalt  }
0x87: {  	_ =	shalt  }
.Lfunc_end0:
.L_simem_size_0:
called_computation_lowered:
.L_overlay_start_0:
0x88: {  	s2 =	sld [smem:$0x3FD9]  }
0x89: {  	s3 =	sld [smem:$0x3FFE];
	_ =	sdelay $0x1  }
0x8a: {  	s1 =	srdreg.scid  }
0x8b: {  	s0 =	sand.u32 $0x1, s1  }
0x8c: {  	s16 =	sshll.u32 s0, $0xA;
	s2 =	sadd.s32 s3, s2  }
0x8d: {  	s2 =	sadd.s32 s2, s16  }
0x8e: {  	[smem:$0x3FC1] =	sst s2  }
0x8f: {  	_ = 	snop  }
0x90: {  	(tm) =	ssettm $0x1  }
0x91: {  	s17 =	sld [smem:$0x3FFB];
	_ =	sdelay $0x3  }
0x92: {  	_ =	strace s17  }
0x93: {  	s2 =	sld [smem:$0x3FFC];
	_ =	sdelay $0x3  }
0x94: {  	_ =	strace s2  }
0x95: {  	s2 =	sld [smem:$0x3FFD];
	_ =	sdelay $0x3  }
0x96: {  	_ =	strace s2  }
0x97: {  	_ =	strace $0x8FFFFFFF  }
0x98: {  	s18 =	sld [smem:$0x3FDB];
	_ =	sdelay $0x1  }
0x99: {  	s19 =	simm.s32 $_scs_section_size  }
0x9a: {  	s4 =	simm.s32 $_size__tile_overlayer_lowered;
	s5 =	simm.s32 $_tile_overlayer_lowered  }
0x9b: {  	s22 =	simm.s32 $0x1BFF;
	s21 =	sshll.u32 s5, $0x1;
	s2 =	sadd.s32 s19, s18  }
0x9c: {  	s6 =	simm.s32 $0x0;
	s20 =	sshll.u32 s4, $0x1;
	s4 =	sadd.s32 s21, s2  }
0x9d: {  	[timem:s6], [sflag:s22] =	dma.local [hbm:s4], s20  }
0x9e: {  	_ =	swait.ge [sflag:s22], s20  }
0x9f: {  	s3 =	ssub.s32 $0x0, s20;
	[sflag:s22] =	ssyncset.done $0x0  }
0xa0: {  	[sflag:s22] =	ssyncadd.s32 s3;
	_ =	sdelay $0x1  }
0xa1: {  	s23 =	simm.s32 $0x1B8B  }
0xa2: {  	_ =	swait.ge [sflag:s23], $0x1  }
0xa3: {  	[sflag:s23] =	ssyncset.done $0x0  }
0xa4: {  	s25 =	simm.s32 $0x1B8E;
	s24 =	sld [smem:$0x3FFE];
	[sflag:s23] =	ssyncadd.s32 $0xFFFFFFFF  }
0xa5: {  	s26 =	simm.s32 $execute0_lowered;
	[smem:$0x3FD2] =	sst s25  }
0xa6: {  	s4 =	sshll.u32 s26, $0x1;
	_ =	strace $0x80000046;
	[dreg:$0x1] =	wrdreg $0xFFFFFFFF  }
0xa7: {  	s28 =	simm.s32 $_size_execute0_lowered;
	s2 =	sadd.s32 s2, s4;
	[dreg:$0x0] =	wrdreg $0x0  }
0xa8: {  	s4 =	sshll.u32 s28, $0x1;
	[dreg:$0x2] =	wrdreg s2  }
0xa9: {  	[dreg:$0x3] =	wrdreg s4  }
0xaa: {  	[dreg:$0x4] =	wrdreg $0xC0  }
0xab: {  	_ =	task [dreg:s6], $0x5FFFF  }
0xac: {  	[dreg:$0x1] =	wrdreg $0xFFFFFFFF  }
0xad: {  	[dreg:$0x0] =	wrdreg $0x60  }
0xae: {  	[dreg:$0x2] =	wrdreg s24  }
0xaf: {  	[dreg:$0x3] =	wrdreg $0x41000  }
0xb0: {  	[dreg:$0x4] =	wrdreg $0x9  }
0xb1: {  	_ =	task.clear_ibuf [dreg:s6], $0x5FFFF;
	_ =	strace $0x90000046  }
0xb2: {  	s29 =	simm.s32 $0x9;
	_ =	strace $0x80000048  }
0xb3: {  	_ =	swait.ge [sflag:s29], $0x1  }
0xb4: {  	[sflag:s29] =	ssyncadd.s32 $0xFFFFFFFF  }
0xb5: {  	_ =	strace $0x90000048  }
0xb6: {  	_ =	sfence  }
0xb7: {  	s30 =	sld [smem:$0x0];
	_ =	sdelay $0x2  }
0xb8: {  	s31 =	sshll.u32 s1, $0xD;
	s1 =	sshrl.u32 s1, $0x2  }
0xb9: {  	s3 =	sand.u32 $0x4000, s31;
	s1 =	sadd.s32 s1, s30  }
0xba: {  	s0 =	sor.u32 s3, s0;
	s1 =	sshll.u32 s1, $0x11  }
0xbb: {  	s0 =	sor.u32 s1, s0  }
0xbc: {  	s0 =	sadd.s32 $0x8F2B, s0  }
0xbd: {  	[sflag:s0] =	ssyncadd.remote.s32 $0x1  }
0xbe: {  	_ =	sfence.sel $0xFFFF  }
0xbf: {  	[dreg:$0x0] =	wrdreg $0xFFFFFFFF;
	(pc) =	sbr.abs _section_cstart, $3  }
0xc0: {  	[dreg:$0x1] =	wrdreg $0xFFFFFFFF  }
0xc1: {  	_ =	task.clear_ibuf [dreg:s6], $0x2FFFF;
	_ =	strace $0x9FFFFFFF  }
0xc2: {  	(tm) =	ssettm $0x7FFFFFFF  }
0xc3: {  	_ =	shalt  }
tec
execute0_lowered:
.L_overlay_start_1:
0x0: {  	(tag) =	ssettag $0x1  }
0x1: {  	s5 =	rddreg [dreg:$0x0];
	s0 =	stileid.u32  }
0x2: {  	s1 =	srdreg.scid;
	s2 =	rddreg [dreg:$0x1]  }
0x3: {  	s14 =	simm.s32 $0x80;
	s15 =	simm.s32 $0x100;
	s3 =	smul.u32 $0x42, s0  }
0x4: {  	s16 =	simm.s32 $0x1;
	s17 =	simm.s32 $0x0;
	s4 =	smul.u32 $0x5B, s0  }
0x5: {  	s6 =	sand.u32 $0x1, s1;
	s1 =	rddreg [dreg:$0x2];
	s8 =	smul.u32 $0x2800, s0  }
0x6: {  	s28 =	smul.u32 $0x50000, s0;
	s31 =	sshll.u32 s0, $0x6;
	p0 =	seq.s32 s6, $0x0  }
0x7: {  	s9 =	smul.u32 $0x28000, s6;
	s6 =	ssub.s32 $0x2, s6;
	s7 =	sadd.s32 $0x5B0, s3  }
0x8: {  	s3 =	simm.s32 $0x0;
	s29 =	sshrl.u32 s6, $0x1;
	s30 =	sshrl.u32 s28, $0x2  }
0x9: {  	s7 =	smov.u32 @p0 s4;
	[smem:$0x7FF] =	sst s3;
	s4 =	sadd.s32 $0x15200, s5  }
0xa: {  	s26 =	sadd.s32 s8, s9;
	s8 =	sadd.s32 s8, s5;
	s12 =	ssub.s32 s6, s29  }
0xb: {  	s13 =	sadd.s32 s30, s2;
	s7 =	sshll.u32 s7, $0x4;
	_ =	strace $0x80000047  }
0xc: {  	s10 =	sadd.s32 s26, s5;
	s6 =	sadd.s32 $0x3D200, s8;
	s9 =	smax.u32 s12, $0x1  }
0xd: {  	s12 =	sshrl.u32 s13, $0x3;
	s13 =	simm.s32 $0x2;
	s11 =	sadd.s32 s7, s5  }
0xe: {  	s5 =	simm.s32 $0x5B;
	s7 =	sor.u32 $0x1C02, s31;
	s8 =	sadd.s32 $0x65200, s10  }
0xf: {  	s5 =	simm.s32 @!p0 $0x42;
	s10 =	sadd.s32 $0xB400, s11;
	s11 =	sadd.s32 $0x1600, s11  }
.LBB2_1:
0x10: {  	[spmem:s12], [sflag:s7] =	dma.local [hbm:s6], $0x2800  }
0x11: {  	_ =	swait.ge [sflag:s13], $0x2800  }
0x12: {  	[sflag:s13] =	ssyncset.done $0x0  }
0x13: {  	[sflag:s13] =	ssyncadd.s32 $0xFFFFD800  }
0x14: {  	[bflag:$0x0] =	sbarrier.arrive $0xFFFF  }
0x15: {  	[tilespmem:s3], [sflag:$0x2] =	stream.linear.gather [hbm4b:s11+s3], $0x80, $0x38;
	[tilespmem:$0x18100] =	vst v63  }
0x16: {  	_ =	swait.ge [sflag:s13], $0x80  }
0x17: {  	[sflag:s13] =	ssyncset.done $0x0  }
0x18: {  	[sflag:s13] =	ssyncadd.s32 $0xFFFFFF80  }
0x19: {  	[tilespmem:s14], [sflag:$0x2] =	stream.linear.gather [hbm4b:s10+s3], $0x80, $0x38;
	[tilespmem:$0x18100] =	vst v63  }
0x1a: {  	_ =	swait.ge [sflag:s13], $0x80  }
0x1b: {  	[sflag:s13] =	ssyncset.done $0x0  }
0x1c: {  	[sflag:s13] =	ssyncadd.s32 $0xFFFFFF80  }
0x1d: {  	[tilespmem:s15], [sflag:$0x1] =	stream.indirect.gather [hbm4b:s4+s14], $0x80, s3, s14, $0xb8;
	[tilespmem:$0x18100] =	vst v63  }
0x1e: {  	p0 =	sne.s32 s5, $0x1;
	_ =	swait.ge [sflag:s16], $0x4000  }
.Ltmp0:
0x1f: {  	[sflag:s16] =	ssyncset.done $0x0;
	(pc) =	sbr.rel @!p0 .LBB2_3-.Ltmp0, $4  }
0x20: {  	[sflag:s16] =	ssyncadd.s32 $0xFFFFC000  }
0x21: {  	[spmem:s2] =	stream.indirect.scatter.add.f32 [tilespmem:s15], [sflag:$0x2], $0x80, s14, s14, $0xb8;
	[tilespmem:$0x18100] =	vst v63  }
0x22: {  	s18 =	sadd.s32 $0xFFFFFFFF, s5;
	_ =	swait.ge [sflag:s13], $0x4000  }
0x23: {  	s19 =	smov.u32 s10;
	s20 =	smov.u32 s11;
	[sflag:s13] =	ssyncset.done $0x0  }
.LBB2_2:
0x24: {  	[sflag:s13] =	ssyncadd.s32 $0xFFFFC000;
	s19 =	sadd.s32 $0x10, s19;
	s20 =	sadd.s32 $0x10, s20  }
0x25: {  	[tilespmem:s3], [sflag:$0x2] =	stream.linear.gather [hbm4b:s20+s3], $0x80, $0x38;
	[tilespmem:$0x18100] =	vst v63  }
0x26: {  	p0 =	sne.s32 s18, $0x1;
	s18 =	sadd.s32 $0xFFFFFFFF, s18;
	_ =	swait.ge [sflag:s13], $0x80  }
0x27: {  	[sflag:s13] =	ssyncset.done $0x0  }
0x28: {  	[sflag:s13] =	ssyncadd.s32 $0xFFFFFF80  }
0x29: {  	[tilespmem:s14], [sflag:$0x2] =	stream.linear.gather [hbm4b:s19+s3], $0x80, $0x38;
	[tilespmem:$0x18100] =	vst v63  }
0x2a: {  	_ =	swait.ge [sflag:s13], $0x80  }
0x2b: {  	[sflag:s13] =	ssyncset.done $0x0  }
0x2c: {  	[sflag:s13] =	ssyncadd.s32 $0xFFFFFF80  }
0x2d: {  	[tilespmem:s15], [sflag:$0x1] =	stream.indirect.gather [hbm4b:s4+s14], $0x80, s3, s14, $0xb8;
	[tilespmem:$0x18100] =	vst v63  }
0x2e: {  	_ =	swait.ge [sflag:s16], $0x4000  }
.Ltmp1:
0x2f: {  	[sflag:s16] =	ssyncset.done $0x0;
	(pc) =	sbr.rel @p0 .LBB2_2-.Ltmp1, $4  }
0x30: {  	[sflag:s16] =	ssyncadd.s32 $0xFFFFC000  }
0x31: {  	[spmem:s2] =	stream.indirect.scatter.add.f32 [tilespmem:s15], [sflag:$0x2], $0x80, s14, s14, $0xb8;
	[tilespmem:$0x18100] =	vst v63  }
0x32: {  	_ =	swait.ge [sflag:s13], $0x4000  }
0x33: {  	[sflag:s13] =	ssyncset.done $0x0  }
.LBB2_3:
0x34: {  	s17 =	sadd.s32 $0x1, s17  }
0x35: {  	[sflag:s13] =	ssyncadd.s32 $0xFFFFC000;
	p0 =	sne.s32 s17, s9  }
.Ltmp2:
0x36: {  	[bflag:$0x0] =	sbarrier.arrive $0xFFFF;
	(pc) =	sbr.rel @p0 .LBB2_1-.Ltmp2, $4  }
0x37: {  	[hbm:s8], [sflag:s7] =	dma.local [spmem:s12], $0x2800  }
0x38: {  	_ =	swait.ge [sflag:s13], $0x2800  }
0x39: {  	[sflag:s13] =	ssyncset.done $0x0  }
0x3a: {  	[sflag:s13] =	ssyncadd.s32 $0xFFFFD800  }
0x3b: {  	_ =	sfence.sel $0x180000  }
0x3c: {  	[bflag:$0x0] =	sbarrier.arrive $0xFFFF  }
0x3d: {  	p0 =	sne.s32 s0, $0x0;
	_ =	strace $0x90000047  }
0x3e: {  	s0 =	sadd.s32 @!p0 $0x100000, s1;
	[bflag:$0x2] =	sbarrier.arrive $0xFFFF  }
0x3f: {  	[sflag:s0] =	ssyncadd.tile.s32 @!p0 $0x1;
	_ =	shalt  }
.Lfunc_end2:
_tile_overlayer_lowered:
.L_overlay_start_2:
0x40: {  	(tag) =	ssettag $0x2  }
0x41: {  	s0 =	rddreg [dreg:$0x0];
	s2 =	stileid.u32  }
0x42: {  	s1 =	rddreg [dreg:$0x1];
	p0 =	sne.s32 s2, $0x0  }
0x43: {  	s3 =	rddreg [dreg:$0x2];
	[bflag:$0x3] =	sbarrier.arrive $0xFFFF;
	s2 =	simm.s32 @!p0 $0x1C02  }
0x44: {  	[timem:s3], [sflag:s2] =	dma.local @!p0 [hbm:s0], s1  }
0x45: {  	s0 =	simm.s32 @!p0 $0x2  }
0x46: {  	_ =	swait.ge @!p0 [sflag:s0], s1  }
0x47: {  	s1 =	ssub.s32 @!p0 $0x0, s1;
	[sflag:s0] =	ssyncset.done @!p0 $0x0  }
0x48: {  	[sflag:s0] =	ssyncadd.s32 @!p0 s1  }
0x49: {  	[bflag:$0x3] =	sbarrier.arrive $0xFFFF  }
0x4a: {  	_ =	shalt  }

// kernel: kernel.14.cloned.1.call-start
scs
__scs_entry_jumppad:
0x0: {  	(pc) =	sbr.rel $0x88, $3  }
0x1: {  	(tag) =	ssettag $0x0;
	lr =	simm.s32 $0x1  }
0x2: {  	[smem:$0x3F9A] =	sst lr;
	_ =	strace $0xD0000000  }
0x3: {  	_ = 	snop  }
0x4: {  	_ = 	snop  }
0x5: {  	_ = 	snop  }
0x6: {  	_ = 	snop  }
0x7: {  	_ = 	snop  }
__scs_overlays_trampoline_lowered:
0x8: {  	[smem:$0x3FA9] =	sst s0  }
0x9: {  	[smem:$0x3FAA] =	sst s1  }
0xa: {  	[smem:$0x3FAB] =	sst s2  }
0xb: {  	[smem:$0x3FAC] =	sst s3  }
0xc: {  	[smem:$0x3FAD] =	sst s4  }
0xd: {  	[smem:$0x3FAE] =	sst s5  }
0xe: {  	[smem:$0x3FAF] =	sst s6  }
0xf: {  	[smem:$0x3FB0] =	sst s7  }
0x10: {  	[smem:$0x3FB1] =	sst s8  }
0x11: {  	[smem:$0x3FB2] =	sst s9;
	s0 =	simm.s32 @!p0 $0x0  }
0x12: {  	s1 =	sld [smem:$0x3F98];
	s0 =	simm.s32 @p0 $0x1  }
0x13: {  	[smem:$0x3FB3] =	sst s0;
	s0 =	simm.s32 @!p1 $0x0  }
0x14: {  	s2 =	sld [smem:$0x3F97];
	s0 =	simm.s32 @p1 $0x1  }
0x15: {  	[smem:$0x3FB4] =	sst s0;
	s0 =	simm.s32 @!p2 $0x0  }
0x16: {  	s3 =	sld [smem:$0x3FDB];
	s0 =	simm.s32 @p2 $0x1  }
0x17: {  	s4 =	simm.s32 $0x1BF5;
	[smem:$0x3FB6] =	sst s0  }
0x18: {  	s0 =	sld [smem:$0x3F99];
	_ =	swait.ge [sflag:s4], $0x0  }
0x19: {  	s7 =	sld [smem:$0x3F9A]  }
0x1a: {  	s8 =	sadd.s32 $0xFFFFE003, lr  }
0x1b: {  	s9 =	sadd.s32 $0xFFFFFEF7, lr;
	s5 =	simm.s32 $0xFFFFFFFF;
	p2 =	slt.u32 s8, $0xFFFFF086  }
0x1c: {  	p1 =	slt.u32 s9, $0xF7A;
	s5 =	simm.s32 @!p2 $0x0  }
0x1d: {  	s5 =	simm.s32 @p1 $0x1;
	p0 =	seq.s32 s7, s2  }
0x1e: {  	s7 =	smul.u32 @!p0 $0xF7A, s2;
	p2 =	seq.s32 @!p0 s5, $0x0  }
0x1f: {  	s9 =	smul.u32 $0xF7A, s1;
	s8 =	simm.s32 @!p0 $0x1BF5;
	p2 =	por !p2, p0  }
0x20: {  	[sflag:s8] =	ssyncset.s32 @!p0 $0xFFFFF086;
	s6 =	sadd.s32 @!p0 s3, s7;
	s7 =	simm.s32 @!p0 $0x108  }
0x21: {  	s3 =	sadd.s32 s3, s9;
	s6 =	sadd.s32 @!p0 $0x88, s6;
	s7 =	simm.s32 @p2 $0x1082  }
0x22: {  	[simem:s7], [sflag:s8] =	dma.local @!p0 [hbm:s6], $0xF7A  }
0x23: {  	s9 =	sor.u32 $0xD0000000, s2;
	s6 =	simm.s32 $0x108;
	_ =	swait.ge @!p0 [sflag:s8], $0x0  }
0x24: {  	s3 =	sadd.s32 $0x88, s3;
	s6 =	simm.s32 @!p1 $0x1082;
	[sflag:s4] =	ssyncset.s32 $0xFFFFF086  }
0x25: {  	[simem:s6], [sflag:s4] =	dma.local [hbm:s3], $0xF7A  }
0x26: {  	[smem:$0x3F9A] =	sst s1;
	(tag) =	ssettag s2;
	_ =	strace s9  }
0x27: {  	s1 =	sld [smem:$0x3FAA]  }
0x28: {  	s2 =	sld [smem:$0x3FAB]  }
0x29: {  	s4 =	sld [smem:$0x3FAD]  }
0x2a: {  	p0 =	seq.s32 s5, $0x0;
	s5 =	sld [smem:$0x3FAE]  }
0x2b: {  	s6 =	sld [smem:$0x3FAF]  }
0x2c: {  	s7 =	sld [smem:$0x3FB0]  }
0x2d: {  	s3 =	simm.s32 $0x108;
	s8 =	sld [smem:$0x3FB1]  }
0x2e: {  	s3 =	simm.s32 @!p0 $0x1082;
	s9 =	sld [smem:$0x3FB2]  }
0x2f: {  	lr =	sadd.s32 s0, s3;
	s0 =	sld [smem:$0x3FA9]  }
0x30: {  	s3 =	sld [smem:$0x3FAC]  }
0x31: {  	[smem:$0x3FB5] =	sst s10  }
0x32: {  	s10 =	sld [smem:$0x3FB3];
	_ =	sdelay $0x3  }
0x33: {  	p0 =	seq.s32 s10, $0x1;
	s10 =	sld [smem:$0x3FB5];
	_ =	sdelay $0x3  }
0x34: {  	[smem:$0x3FB5] =	sst s10  }
0x35: {  	s10 =	sld [smem:$0x3FB4];
	_ =	sdelay $0x3  }
0x36: {  	p1 =	seq.s32 s10, $0x1;
	s10 =	sld [smem:$0x3FB5];
	_ =	sdelay $0x3  }
0x37: {  	[smem:$0x3FB5] =	sst s10  }
0x38: {  	s10 =	sld [smem:$0x3FB6]  }
0x39: {  	_ = 	snop;
	(pc) =	sbr.ind lr, $3  }
0x3a: {  	_ = 	snop  }
0x3b: {  	_ = 	snop  }
0x3c: {  	p2 =	seq.s32 s10, $0x1;
	s10 =	sld [smem:$0x3FB5]  }
0x3d: {  	_ =	shalt  }
0x3e: {  	_ =	shalt  }
0x3f: {  	_ =	shalt  }
0x40: {  	_ =	shalt  }
0x41: {  	_ =	shalt  }
0x42: {  	_ =	shalt  }
0x43: {  	_ =	shalt  }
0x44: {  	_ =	shalt  }
0x45: {  	_ =	shalt  }
0x46: {  	_ =	shalt  }
0x47: {  	_ =	shalt  }
0x48: {  	_ =	shalt  }
0x49: {  	_ =	shalt  }
0x4a: {  	_ =	shalt  }
0x4b: {  	_ =	shalt  }
0x4c: {  	_ =	shalt  }
0x4d: {  	_ =	shalt  }
0x4e: {  	_ =	shalt  }
0x4f: {  	_ =	shalt  }
0x50: {  	_ =	shalt  }
0x51: {  	_ =	shalt  }
0x52: {  	_ =	shalt  }
0x53: {  	_ =	shalt  }
0x54: {  	_ =	shalt  }
0x55: {  	_ =	shalt  }
0x56: {  	_ =	shalt  }
0x57: {  	_ =	shalt  }
0x58: {  	_ =	shalt  }
0x59: {  	_ =	shalt  }
0x5a: {  	_ =	shalt  }
0x5b: {  	_ =	shalt  }
0x5c: {  	_ =	shalt  }
0x5d: {  	_ =	shalt  }
0x5e: {  	_ =	shalt  }
0x5f: {  	_ =	shalt  }
0x60: {  	_ =	shalt  }
0x61: {  	_ =	shalt  }
0x62: {  	_ =	shalt  }
0x63: {  	_ =	shalt  }
0x64: {  	_ =	shalt  }
0x65: {  	_ =	shalt  }
0x66: {  	_ =	shalt  }
0x67: {  	_ =	shalt  }
0x68: {  	_ =	shalt  }
0x69: {  	_ =	shalt  }
0x6a: {  	_ =	shalt  }
0x6b: {  	_ =	shalt  }
0x6c: {  	_ =	shalt  }
0x6d: {  	_ =	shalt  }
0x6e: {  	_ =	shalt  }
0x6f: {  	_ =	shalt  }
0x70: {  	_ =	shalt  }
0x71: {  	_ =	shalt  }
0x72: {  	_ =	shalt  }
0x73: {  	_ =	shalt  }
0x74: {  	_ =	shalt  }
0x75: {  	_ =	shalt  }
0x76: {  	_ =	shalt  }
0x77: {  	_ =	shalt  }
0x78: {  	_ =	shalt  }
0x79: {  	_ =	shalt  }
0x7a: {  	_ =	shalt  }
0x7b: {  	_ =	shalt  }
0x7c: {  	_ =	shalt  }
0x7d: {  	_ =	shalt  }
0x7e: {  	_ =	shalt  }
0x7f: {  	_ =	shalt  }
0x80: {  	_ =	shalt  }
0x81: {  	_ =	shalt  }
0x82: {  	_ =	shalt  }
0x83: {  	_ =	shalt  }
0x84: {  	_ =	shalt  }
0x85: {  	_ =	shalt  }
0x86: {  	_ =	shalt  }
0x87: {  	_ =	shalt  }
.Lfunc_end0:
.L_simem_size_0:
called_computation.1_lowered:
.L_overlay_start_0:
0x88: {  	s2 =	sld [smem:$0x3FD9]  }
0x89: {  	s3 =	sld [smem:$0x3FFE];
	_ =	sdelay $0x1  }
0x8a: {  	s1 =	srdreg.scid  }
0x8b: {  	s0 =	sand.u32 $0x1, s1  }
0x8c: {  	s16 =	sshll.u32 s0, $0xA;
	s2 =	sadd.s32 s3, s2  }
0x8d: {  	s2 =	sadd.s32 s2, s16  }
0x8e: {  	[smem:$0x3FC1] =	sst s2  }
0x8f: {  	_ = 	snop  }
0x90: {  	(tm) =	ssettm $0x1  }
0x91: {  	s17 =	sld [smem:$0x3FFB];
	_ =	sdelay $0x3  }
0x92: {  	_ =	strace s17  }
0x93: {  	s2 =	sld [smem:$0x3FFC];
	_ =	sdelay $0x3  }
0x94: {  	_ =	strace s2  }
0x95: {  	s2 =	sld [smem:$0x3FFD];
	_ =	sdelay $0x3  }
0x96: {  	_ =	strace s2  }
0x97: {  	_ =	strace $0x8FFFFFFF  }
0x98: {  	s18 =	sld [smem:$0x3FDB];
	_ =	sdelay $0x1  }
0x99: {  	s19 =	simm.s32 $_scs_section_size  }
0x9a: {  	s4 =	simm.s32 $_size__tile_overlayer_lowered;
	s5 =	simm.s32 $_tile_overlayer_lowered  }
0x9b: {  	s22 =	simm.s32 $0x1BFF;
	s21 =	sshll.u32 s5, $0x1;
	s2 =	sadd.s32 s19, s18  }
0x9c: {  	s6 =	simm.s32 $0x0;
	s20 =	sshll.u32 s4, $0x1;
	s4 =	sadd.s32 s21, s2  }
0x9d: {  	[timem:s6], [sflag:s22] =	dma.local [hbm:s4], s20  }
0x9e: {  	_ =	swait.ge [sflag:s22], s20  }
0x9f: {  	s3 =	ssub.s32 $0x0, s20;
	[sflag:s22] =	ssyncset.done $0x0  }
0xa0: {  	[sflag:s22] =	ssyncadd.s32 s3;
	_ =	sdelay $0x1  }
0xa1: {  	s23 =	simm.s32 $0x1B8B  }
0xa2: {  	_ =	swait.ge [sflag:s23], $0x1  }
0xa3: {  	[sflag:s23] =	ssyncset.done $0x0  }
0xa4: {  	s25 =	simm.s32 $0x1B8E;
	s24 =	sld [smem:$0x3FFE];
	[sflag:s23] =	ssyncadd.s32 $0xFFFFFFFF  }
0xa5: {  	s26 =	simm.s32 $execute0_lowered;
	[smem:$0x3FD2] =	sst s25  }
0xa6: {  	s4 =	sshll.u32 s26, $0x1;
	_ =	strace $0x80000049;
	[dreg:$0x1] =	wrdreg $0xFFFFFFFF  }
0xa7: {  	s28 =	simm.s32 $_size_execute0_lowered;
	s2 =	sadd.s32 s2, s4;
	[dreg:$0x0] =	wrdreg $0x0  }
0xa8: {  	s4 =	sshll.u32 s28, $0x1;
	[dreg:$0x2] =	wrdreg s2  }
0xa9: {  	[dreg:$0x3] =	wrdreg s4  }
0xaa: {  	[dreg:$0x4] =	wrdreg $0xC0  }
0xab: {  	_ =	task [dreg:s6], $0x5FFFF  }
0xac: {  	[dreg:$0x1] =	wrdreg $0xFFFFFFFF  }
0xad: {  	[dreg:$0x0] =	wrdreg $0x60  }
0xae: {  	[dreg:$0x2] =	wrdreg s24  }
0xaf: {  	[dreg:$0x3] =	wrdreg $0x41000  }
0xb0: {  	[dreg:$0x4] =	wrdreg $0x9  }
0xb1: {  	_ =	task.clear_ibuf [dreg:s6], $0x5FFFF;
	_ =	strace $0x90000049  }
0xb2: {  	s29 =	simm.s32 $0x9;
	_ =	strace $0x8000004B  }
0xb3: {  	_ =	swait.ge [sflag:s29], $0x1  }
0xb4: {  	[sflag:s29] =	ssyncadd.s32 $0xFFFFFFFF  }
0xb5: {  	_ =	strace $0x9000004B  }
0xb6: {  	_ =	sfence  }
0xb7: {  	s30 =	sld [smem:$0x0];
	_ =	sdelay $0x2  }
0xb8: {  	s31 =	sshll.u32 s1, $0xD;
	s1 =	sshrl.u32 s1, $0x2  }
0xb9: {  	s3 =	sand.u32 $0x4000, s31;
	s1 =	sadd.s32 s1, s30  }
0xba: {  	s0 =	sor.u32 s3, s0;
	s1 =	sshll.u32 s1, $0x11  }
0xbb: {  	s0 =	sor.u32 s1, s0  }
0xbc: {  	s0 =	sadd.s32 $0x8F2B, s0  }
0xbd: {  	[sflag:s0] =	ssyncadd.remote.s32 $0x1  }
0xbe: {  	_ =	sfence.sel $0xFFFF  }
0xbf: {  	[dreg:$0x0] =	wrdreg $0xFFFFFFFF;
	(pc) =	sbr.abs _section_cstart, $3  }
0xc0: {  	[dreg:$0x1] =	wrdreg $0xFFFFFFFF  }
0xc1: {  	_ =	task.clear_ibuf [dreg:s6], $0x2FFFF;
	_ =	strace $0x9FFFFFFF  }
0xc2: {  	(tm) =	ssettm $0x7FFFFFFF  }
0xc3: {  	_ =	shalt  }
tec
execute0_lowered:
.L_overlay_start_1:
0x0: {  	(tag) =	ssettag $0x1  }
0x1: {  	s5 =	rddreg [dreg:$0x0];
	s0 =	stileid.u32  }
0x2: {  	s1 =	srdreg.scid;
	s2 =	rddreg [dreg:$0x1]  }
0x3: {  	s14 =	simm.s32 $0x80;
	s15 =	simm.s32 $0x100;
	s3 =	smul.u32 $0x42, s0  }
0x4: {  	s16 =	simm.s32 $0x1;
	s17 =	simm.s32 $0x0;
	s4 =	smul.u32 $0x5B, s0  }
0x5: {  	s6 =	sand.u32 $0x1, s1;
	s1 =	rddreg [dreg:$0x2];
	s8 =	smul.u32 $0x2800, s0  }
0x6: {  	s28 =	smul.u32 $0x50000, s0;
	s31 =	sshll.u32 s0, $0x6;
	p0 =	seq.s32 s6, $0x0  }
0x7: {  	s9 =	smul.u32 $0x28000, s6;
	s6 =	ssub.s32 $0x2, s6;
	s7 =	sadd.s32 $0x5B0, s3  }
0x8: {  	s3 =	simm.s32 $0x0;
	s29 =	sshrl.u32 s6, $0x1;
	s30 =	sshrl.u32 s28, $0x2  }
0x9: {  	s7 =	smov.u32 @p0 s4;
	[smem:$0x7FF] =	sst s3;
	s4 =	sadd.s32 $0x15200, s5  }
0xa: {  	s26 =	sadd.s32 s8, s9;
	s8 =	sadd.s32 s8, s5;
	s12 =	ssub.s32 s6, s29  }
0xb: {  	s13 =	sadd.s32 s30, s2;
	s7 =	sshll.u32 s7, $0x4;
	_ =	strace $0x8000004A  }
0xc: {  	s10 =	sadd.s32 s26, s5;
	s6 =	sadd.s32 $0x3D200, s8;
	s9 =	smax.u32 s12, $0x1  }
0xd: {  	s12 =	sshrl.u32 s13, $0x3;
	s13 =	simm.s32 $0x2;
	s11 =	sadd.s32 s7, s5  }
0xe: {  	s5 =	simm.s32 $0x5B;
	s7 =	sor.u32 $0x1C02, s31;
	s8 =	sadd.s32 $0x65200, s10  }
0xf: {  	s5 =	simm.s32 @!p0 $0x42;
	s10 =	sadd.s32 $0xB400, s11;
	s11 =	sadd.s32 $0x1600, s11  }
.LBB2_1:
0x10: {  	[spmem:s12], [sflag:s7] =	dma.local [hbm:s6], $0x2800  }
0x11: {  	_ =	swait.ge [sflag:s13], $0x2800  }
0x12: {  	[sflag:s13] =	ssyncset.done $0x0  }
0x13: {  	[sflag:s13] =	ssyncadd.s32 $0xFFFFD800  }
0x14: {  	[bflag:$0x0] =	sbarrier.arrive $0xFFFF  }
0x15: {  	[tilespmem:s3], [sflag:$0x2] =	stream.linear.gather [hbm4b:s11+s3], $0x80, $0x38;
	[tilespmem:$0x18100] =	vst v63  }
0x16: {  	_ =	swait.ge [sflag:s13], $0x80  }
0x17: {  	[sflag:s13] =	ssyncset.done $0x0  }
0x18: {  	[sflag:s13] =	ssyncadd.s32 $0xFFFFFF80  }
0x19: {  	[tilespmem:s14], [sflag:$0x2] =	stream.linear.gather [hbm4b:s10+s3], $0x80, $0x38;
	[tilespmem:$0x18100] =	vst v63  }
0x1a: {  	_ =	swait.ge [sflag:s13], $0x80  }
0x1b: {  	[sflag:s13] =	ssyncset.done $0x0  }
0x1c: {  	[sflag:s13] =	ssyncadd.s32 $0xFFFFFF80  }
0x1d: {  	[tilespmem:s15], [sflag:$0x1] =	stream.indirect.gather [hbm4b:s4+s14], $0x80, s3, s14, $0xb8;
	[tilespmem:$0x18100] =	vst v63  }
0x1e: {  	p0 =	sne.s32 s5, $0x1;
	_ =	swait.ge [sflag:s16], $0x4000  }
.Ltmp0:
0x1f: {  	[sflag:s16] =	ssyncset.done $0x0;
	(pc) =	sbr.rel @!p0 .LBB2_3-.Ltmp0, $4  }
0x20: {  	[sflag:s16] =	ssyncadd.s32 $0xFFFFC000  }
0x21: {  	[spmem:s2] =	stream.indirect.scatter.add.f32 [tilespmem:s15], [sflag:$0x2], $0x80, s14, s14, $0xb8;
	[tilespmem:$0x18100] =	vst v63  }
0x22: {  	s18 =	sadd.s32 $0xFFFFFFFF, s5;
	_ =	swait.ge [sflag:s13], $0x4000  }
0x23: {  	s19 =	smov.u32 s10;
	s20 =	smov.u32 s11;
	[sflag:s13] =	ssyncset.done $0x0  }
.LBB2_2:
0x24: {  	[sflag:s13] =	ssyncadd.s32 $0xFFFFC000;
	s19 =	sadd.s32 $0x10, s19;
	s20 =	sadd.s32 $0x10, s20  }
0x25: {  	[tilespmem:s3], [sflag:$0x2] =	stream.linear.gather [hbm4b:s20+s3], $0x80, $0x38;
	[tilespmem:$0x18100] =	vst v63  }
0x26: {  	p0 =	sne.s32 s18, $0x1;
	s18 =	sadd.s32 $0xFFFFFFFF, s18;
	_ =	swait.ge [sflag:s13], $0x80  }
0x27: {  	[sflag:s13] =	ssyncset.done $0x0  }
0x28: {  	[sflag:s13] =	ssyncadd.s32 $0xFFFFFF80  }
0x29: {  	[tilespmem:s14], [sflag:$0x2] =	stream.linear.gather [hbm4b:s19+s3], $0x80, $0x38;
	[tilespmem:$0x18100] =	vst v63  }
0x2a: {  	_ =	swait.ge [sflag:s13], $0x80  }
0x2b: {  	[sflag:s13] =	ssyncset.done $0x0  }
0x2c: {  	[sflag:s13] =	ssyncadd.s32 $0xFFFFFF80  }
0x2d: {  	[tilespmem:s15], [sflag:$0x1] =	stream.indirect.gather [hbm4b:s4+s14], $0x80, s3, s14, $0xb8;
	[tilespmem:$0x18100] =	vst v63  }
0x2e: {  	_ =	swait.ge [sflag:s16], $0x4000  }
.Ltmp1:
0x2f: {  	[sflag:s16] =	ssyncset.done $0x0;
	(pc) =	sbr.rel @p0 .LBB2_2-.Ltmp1, $4  }
0x30: {  	[sflag:s16] =	ssyncadd.s32 $0xFFFFC000  }
0x31: {  	[spmem:s2] =	stream.indirect.scatter.add.f32 [tilespmem:s15], [sflag:$0x2], $0x80, s14, s14, $0xb8;
	[tilespmem:$0x18100] =	vst v63  }
0x32: {  	_ =	swait.ge [sflag:s13], $0x4000  }
0x33: {  	[sflag:s13] =	ssyncset.done $0x0  }
.LBB2_3:
0x34: {  	s17 =	sadd.s32 $0x1, s17  }
0x35: {  	[sflag:s13] =	ssyncadd.s32 $0xFFFFC000;
	p0 =	sne.s32 s17, s9  }
.Ltmp2:
0x36: {  	[bflag:$0x0] =	sbarrier.arrive $0xFFFF;
	(pc) =	sbr.rel @p0 .LBB2_1-.Ltmp2, $4  }
0x37: {  	[hbm:s8], [sflag:s7] =	dma.local [spmem:s12], $0x2800  }
0x38: {  	_ =	swait.ge [sflag:s13], $0x2800  }
0x39: {  	[sflag:s13] =	ssyncset.done $0x0  }
0x3a: {  	[sflag:s13] =	ssyncadd.s32 $0xFFFFD800  }
0x3b: {  	_ =	sfence.sel $0x180000  }
0x3c: {  	[bflag:$0x0] =	sbarrier.arrive $0xFFFF  }
0x3d: {  	p0 =	sne.s32 s0, $0x0;
	_ =	strace $0x9000004A  }
0x3e: {  	s0 =	sadd.s32 @!p0 $0x100000, s1;
	[bflag:$0x2] =	sbarrier.arrive $0xFFFF  }
0x3f: {  	[sflag:s0] =	ssyncadd.tile.s32 @!p0 $0x1;
	_ =	shalt  }
.Lfunc_end2:
_tile_overlayer_lowered:
.L_overlay_start_2:
0x40: {  	(tag) =	ssettag $0x2  }
0x41: {  	s0 =	rddreg [dreg:$0x0];
	s2 =	stileid.u32  }
0x42: {  	s1 =	rddreg [dreg:$0x1];
	p0 =	sne.s32 s2, $0x0  }
0x43: {  	s3 =	rddreg [dreg:$0x2];
	[bflag:$0x3] =	sbarrier.arrive $0xFFFF;
	s2 =	simm.s32 @!p0 $0x1C02  }
0x44: {  	[timem:s3], [sflag:s2] =	dma.local @!p0 [hbm:s0], s1  }
0x45: {  	s0 =	simm.s32 @!p0 $0x2  }
0x46: {  	_ =	swait.ge @!p0 [sflag:s0], s1  }
0x47: {  	s1 =	ssub.s32 @!p0 $0x0, s1;
	[sflag:s0] =	ssyncset.done @!p0 $0x0  }
0x48: {  	[sflag:s0] =	ssyncadd.s32 @!p0 s1  }
0x49: {  	[bflag:$0x3] =	sbarrier.arrive $0xFFFF  }
0x4a: {  	_ =	shalt  }

// kernel: kernel.17.cloned.1.call-start
scs
__scs_entry_jumppad:
0x0: {  	(pc) =	sbr.rel $0x88, $3  }
0x1: {  	(tag) =	ssettag $0x0;
	lr =	simm.s32 $0x1  }
0x2: {  	[smem:$0x3F9A] =	sst lr;
	_ =	strace $0xD0000000  }
0x3: {  	_ = 	snop  }
0x4: {  	_ = 	snop  }
0x5: {  	_ = 	snop  }
0x6: {  	_ = 	snop  }
0x7: {  	_ = 	snop  }
__scs_overlays_trampoline_lowered:
0x8: {  	[smem:$0x3FA9] =	sst s0  }
0x9: {  	[smem:$0x3FAA] =	sst s1  }
0xa: {  	[smem:$0x3FAB] =	sst s2  }
0xb: {  	[smem:$0x3FAC] =	sst s3  }
0xc: {  	[smem:$0x3FAD] =	sst s4  }
0xd: {  	[smem:$0x3FAE] =	sst s5  }
0xe: {  	[smem:$0x3FAF] =	sst s6  }
0xf: {  	[smem:$0x3FB0] =	sst s7  }
0x10: {  	[smem:$0x3FB1] =	sst s8  }
0x11: {  	[smem:$0x3FB2] =	sst s9;
	s0 =	simm.s32 @!p0 $0x0  }
0x12: {  	s1 =	sld [smem:$0x3F98];
	s0 =	simm.s32 @p0 $0x1  }
0x13: {  	[smem:$0x3FB3] =	sst s0;
	s0 =	simm.s32 @!p1 $0x0  }
0x14: {  	s2 =	sld [smem:$0x3F97];
	s0 =	simm.s32 @p1 $0x1  }
0x15: {  	[smem:$0x3FB4] =	sst s0;
	s0 =	simm.s32 @!p2 $0x0  }
0x16: {  	s3 =	sld [smem:$0x3FDB];
	s0 =	simm.s32 @p2 $0x1  }
0x17: {  	s4 =	simm.s32 $0x1BF5;
	[smem:$0x3FB6] =	sst s0  }
0x18: {  	s0 =	sld [smem:$0x3F99];
	_ =	swait.ge [sflag:s4], $0x0  }
0x19: {  	s7 =	sld [smem:$0x3F9A]  }
0x1a: {  	s8 =	sadd.s32 $0xFFFFE003, lr  }
0x1b: {  	s9 =	sadd.s32 $0xFFFFFEF7, lr;
	s5 =	simm.s32 $0xFFFFFFFF;
	p2 =	slt.u32 s8, $0xFFFFF086  }
0x1c: {  	p1 =	slt.u32 s9, $0xF7A;
	s5 =	simm.s32 @!p2 $0x0  }
0x1d: {  	s5 =	simm.s32 @p1 $0x1;
	p0 =	seq.s32 s7, s2  }
0x1e: {  	s7 =	smul.u32 @!p0 $0xF7A, s2;
	p2 =	seq.s32 @!p0 s5, $0x0  }
0x1f: {  	s9 =	smul.u32 $0xF7A, s1;
	s8 =	simm.s32 @!p0 $0x1BF5;
	p2 =	por !p2, p0  }
0x20: {  	[sflag:s8] =	ssyncset.s32 @!p0 $0xFFFFF086;
	s6 =	sadd.s32 @!p0 s3, s7;
	s7 =	simm.s32 @!p0 $0x108  }
0x21: {  	s3 =	sadd.s32 s3, s9;
	s6 =	sadd.s32 @!p0 $0x88, s6;
	s7 =	simm.s32 @p2 $0x1082  }
0x22: {  	[simem:s7], [sflag:s8] =	dma.local @!p0 [hbm:s6], $0xF7A  }
0x23: {  	s9 =	sor.u32 $0xD0000000, s2;
	s6 =	simm.s32 $0x108;
	_ =	swait.ge @!p0 [sflag:s8], $0x0  }
0x24: {  	s3 =	sadd.s32 $0x88, s3;
	s6 =	simm.s32 @!p1 $0x1082;
	[sflag:s4] =	ssyncset.s32 $0xFFFFF086  }
0x25: {  	[simem:s6], [sflag:s4] =	dma.local [hbm:s3], $0xF7A  }
0x26: {  	[smem:$0x3F9A] =	sst s1;
	(tag) =	ssettag s2;
	_ =	strace s9  }
0x27: {  	s1 =	sld [smem:$0x3FAA]  }
0x28: {  	s2 =	sld [smem:$0x3FAB]  }
0x29: {  	s4 =	sld [smem:$0x3FAD]  }
0x2a: {  	p0 =	seq.s32 s5, $0x0;
	s5 =	sld [smem:$0x3FAE]  }
0x2b: {  	s6 =	sld [smem:$0x3FAF]  }
0x2c: {  	s7 =	sld [smem:$0x3FB0]  }
0x2d: {  	s3 =	simm.s32 $0x108;
	s8 =	sld [smem:$0x3FB1]  }
0x2e: {  	s3 =	simm.s32 @!p0 $0x1082;
	s9 =	sld [smem:$0x3FB2]  }
0x2f: {  	lr =	sadd.s32 s0, s3;
	s0 =	sld [smem:$0x3FA9]  }
0x30: {  	s3 =	sld [smem:$0x3FAC]  }
0x31: {  	[smem:$0x3FB5] =	sst s10  }
0x32: {  	s10 =	sld [smem:$0x3FB3];
	_ =	sdelay $0x3  }
0x33: {  	p0 =	seq.s32 s10, $0x1;
	s10 =	sld [smem:$0x3FB5];
	_ =	sdelay $0x3  }
0x34: {  	[smem:$0x3FB5] =	sst s10  }
0x35: {  	s10 =	sld [smem:$0x3FB4];
	_ =	sdelay $0x3  }
0x36: {  	p1 =	seq.s32 s10, $0x1;
	s10 =	sld [smem:$0x3FB5];
	_ =	sdelay $0x3  }
0x37: {  	[smem:$0x3FB5] =	sst s10  }
0x38: {  	s10 =	sld [smem:$0x3FB6]  }
0x39: {  	_ = 	snop;
	(pc) =	sbr.ind lr, $3  }
0x3a: {  	_ = 	snop  }
0x3b: {  	_ = 	snop  }
0x3c: {  	p2 =	seq.s32 s10, $0x1;
	s10 =	sld [smem:$0x3FB5]  }
0x3d: {  	_ =	shalt  }
0x3e: {  	_ =	shalt  }
0x3f: {  	_ =	shalt  }
0x40: {  	_ =	shalt  }
0x41: {  	_ =	shalt  }
0x42: {  	_ =	shalt  }
0x43: {  	_ =	shalt  }
0x44: {  	_ =	shalt  }
0x45: {  	_ =	shalt  }
0x46: {  	_ =	shalt  }
0x47: {  	_ =	shalt  }
0x48: {  	_ =	shalt  }
0x49: {  	_ =	shalt  }
0x4a: {  	_ =	shalt  }
0x4b: {  	_ =	shalt  }
0x4c: {  	_ =	shalt  }
0x4d: {  	_ =	shalt  }
0x4e: {  	_ =	shalt  }
0x4f: {  	_ =	shalt  }
0x50: {  	_ =	shalt  }
0x51: {  	_ =	shalt  }
0x52: {  	_ =	shalt  }
0x53: {  	_ =	shalt  }
0x54: {  	_ =	shalt  }
0x55: {  	_ =	shalt  }
0x56: {  	_ =	shalt  }
0x57: {  	_ =	shalt  }
0x58: {  	_ =	shalt  }
0x59: {  	_ =	shalt  }
0x5a: {  	_ =	shalt  }
0x5b: {  	_ =	shalt  }
0x5c: {  	_ =	shalt  }
0x5d: {  	_ =	shalt  }
0x5e: {  	_ =	shalt  }
0x5f: {  	_ =	shalt  }
0x60: {  	_ =	shalt  }
0x61: {  	_ =	shalt  }
0x62: {  	_ =	shalt  }
0x63: {  	_ =	shalt  }
0x64: {  	_ =	shalt  }
0x65: {  	_ =	shalt  }
0x66: {  	_ =	shalt  }
0x67: {  	_ =	shalt  }
0x68: {  	_ =	shalt  }
0x69: {  	_ =	shalt  }
0x6a: {  	_ =	shalt  }
0x6b: {  	_ =	shalt  }
0x6c: {  	_ =	shalt  }
0x6d: {  	_ =	shalt  }
0x6e: {  	_ =	shalt  }
0x6f: {  	_ =	shalt  }
0x70: {  	_ =	shalt  }
0x71: {  	_ =	shalt  }
0x72: {  	_ =	shalt  }
0x73: {  	_ =	shalt  }
0x74: {  	_ =	shalt  }
0x75: {  	_ =	shalt  }
0x76: {  	_ =	shalt  }
0x77: {  	_ =	shalt  }
0x78: {  	_ =	shalt  }
0x79: {  	_ =	shalt  }
0x7a: {  	_ =	shalt  }
0x7b: {  	_ =	shalt  }
0x7c: {  	_ =	shalt  }
0x7d: {  	_ =	shalt  }
0x7e: {  	_ =	shalt  }
0x7f: {  	_ =	shalt  }
0x80: {  	_ =	shalt  }
0x81: {  	_ =	shalt  }
0x82: {  	_ =	shalt  }
0x83: {  	_ =	shalt  }
0x84: {  	_ =	shalt  }
0x85: {  	_ =	shalt  }
0x86: {  	_ =	shalt  }
0x87: {  	_ =	shalt  }
.Lfunc_end0:
.L_simem_size_0:
called_computation.2_lowered:
.L_overlay_start_0:
0x88: {  	s2 =	sld [smem:$0x3FD9]  }
0x89: {  	s3 =	sld [smem:$0x3FFE];
	_ =	sdelay $0x1  }
0x8a: {  	s1 =	srdreg.scid  }
0x8b: {  	s0 =	sand.u32 $0x1, s1  }
0x8c: {  	s17 =	sshll.u32 s0, $0xA;
	s2 =	sadd.s32 s3, s2  }
0x8d: {  	s2 =	sadd.s32 s2, s17  }
0x8e: {  	[smem:$0x3FC1] =	sst s2  }
0x8f: {  	_ = 	snop  }
0x90: {  	(tm) =	ssettm $0x1  }
0x91: {  	s18 =	sld [smem:$0x3FFB];
	_ =	sdelay $0x3  }
0x92: {  	_ =	strace s18  }
0x93: {  	s2 =	sld [smem:$0x3FFC];
	_ =	sdelay $0x3  }
0x94: {  	_ =	strace s2  }
0x95: {  	s2 =	sld [smem:$0x3FFD];
	_ =	sdelay $0x3  }
0x96: {  	_ =	strace s2  }
0x97: {  	_ =	strace $0x8FFFFFFF  }
0x98: {  	s19 =	sld [smem:$0x3FDB];
	_ =	sdelay $0x1  }
0x99: {  	s20 =	simm.s32 $_scs_section_size  }
0x9a: {  	s4 =	simm.s32 $_size__tile_overlayer_lowered;
	s5 =	simm.s32 $_tile_overlayer_lowered  }
0x9b: {  	s6 =	simm.s32 $0x1BFF;
	s21 =	sshll.u32 s5, $0x1;
	s3 =	sadd.s32 s20, s19  }
0x9c: {  	s22 =	simm.s32 $0x0;
	s4 =	sshll.u32 s4, $0x1;
	s5 =	sadd.s32 s21, s3  }
0x9d: {  	[timem:s22], [sflag:s6] =	dma.local [hbm:s5], s4  }
0x9e: {  	_ =	swait.ge [sflag:s6], s4  }
0x9f: {  	s4 =	ssub.s32 $0x0, s4;
	[sflag:s6] =	ssyncset.done $0x0  }
0xa0: {  	[sflag:s6] =	ssyncadd.s32 s4;
	_ =	sdelay $0x1  }
0xa1: {  	s23 =	simm.s32 $0x1B8B  }
0xa2: {  	_ =	swait.ge [sflag:s23], $0x1  }
0xa3: {  	[sflag:s23] =	ssyncset.done $0x0  }
0xa4: {  	[sflag:s23] =	ssyncadd.s32 $0xFFFFFFFF  }
0xa5: {  	s4 =	sld [smem:$0x0]  }
0xa6: {  	s5 =	sand.u32 $0xFFFFFFFE, s1  }
0xa7: {  	p0 =	sne.s32 s1, s5  }
0xa8: {  	s5 =	sshll.u32 @p0 s5, $0xE  }
0xa9: {  	s5 =	sadd.s32 @p0 $0x11B8D, s5;
	s6 =	sshll.u32 @p0 s4, $0x11  }
0xaa: {  	s5 =	sor.u32 @p0 s6, s5  }
0xab: {  	[sflag:s5] =	ssyncadd.remote.s32 @p0 $0x1;
	_ =	sdelay $0x1  }
0xac: {  	s5 =	simm.s32 @p0 $0x1B8D  }
0xad: {  	_ =	swait.eq @p0 [sflag:s5], $0x1  }
0xae: {  	[sflag:s5] =	ssyncadd.s32 @p0 $0xFFFFFFFF  }
0xaf: {  	s6 =	sshll.u32 @!p0 s1, $0xE  }
0xb0: {  	s6 =	sor.u32 @!p0 $0x4000, s6;
	s5 =	simm.s32 @!p0 $0x1B8D  }
0xb1: {  	s4 =	sshll.u32 @!p0 s4, $0x11;
	s6 =	sadd.s32 @!p0 $0x11B8D, s6;
	_ =	swait.eq @!p0 [sflag:s5], $0x1  }
0xb2: {  	s4 =	sor.u32 @!p0 s4, s6;
	[sflag:s5] =	ssyncadd.s32 @!p0 $0xFFFFFFFF  }
0xb3: {  	s25 =	simm.s32 $0x1B8E;
	s24 =	sld [smem:$0x3FFE];
	[sflag:s4] =	ssyncadd.remote.s32 @!p0 $0x1  }
0xb4: {  	s26 =	simm.s32 $execute0_lowered;
	[smem:$0x3FD2] =	sst s25  }
0xb5: {  	s5 =	sshll.u32 s26, $0x1;
	_ =	strace $0x8000004F;
	[dreg:$0x1] =	wrdreg $0xFFFFFFFF  }
0xb6: {  	s28 =	simm.s32 $_size_execute0_lowered;
	s3 =	sadd.s32 s3, s5;
	[dreg:$0x0] =	wrdreg $0x0  }
0xb7: {  	s5 =	sshll.u32 s28, $0x1;
	[dreg:$0x2] =	wrdreg s3  }
0xb8: {  	[dreg:$0x3] =	wrdreg s5  }
0xb9: {  	[dreg:$0x4] =	wrdreg $0xC0  }
0xba: {  	_ =	task [dreg:s22], $0x5FFFF  }
0xbb: {  	[dreg:$0x1] =	wrdreg $0xFFFFFFFF  }
0xbc: {  	[dreg:$0x0] =	wrdreg $0x60  }
0xbd: {  	[dreg:$0x2] =	wrdreg s24  }
0xbe: {  	[dreg:$0x3] =	wrdreg $0x41000  }
0xbf: {  	[dreg:$0x4] =	wrdreg $0x9  }
0xc0: {  	_ =	task.clear_ibuf [dreg:s22], $0x5FFFF;
	_ =	strace $0x9000004F  }
0xc1: {  	s29 =	simm.s32 $0x9;
	_ =	strace $0x80000051  }
0xc2: {  	_ =	swait.ge [sflag:s29], $0x1  }
0xc3: {  	[sflag:s29] =	ssyncadd.s32 $0xFFFFFFFF  }
0xc4: {  	_ =	strace $0x90000051  }
0xc5: {  	_ =	sfence  }
0xc6: {  	s30 =	sld [smem:$0x0];
	_ =	sdelay $0x2  }
0xc7: {  	s31 =	sshll.u32 s1, $0xD;
	s1 =	sshrl.u32 s1, $0x2  }
0xc8: {  	s4 =	sand.u32 $0x4000, s31;
	s1 =	sadd.s32 s1, s30  }
0xc9: {  	s0 =	sor.u32 s4, s0;
	s1 =	sshll.u32 s1, $0x11  }
0xca: {  	s0 =	sor.u32 s1, s0  }
0xcb: {  	s0 =	sadd.s32 $0x8F2B, s0  }
0xcc: {  	[sflag:s0] =	ssyncadd.remote.s32 $0x1  }
0xcd: {  	_ =	sfence.sel $0xFFFF  }
0xce: {  	[dreg:$0x0] =	wrdreg $0xFFFFFFFF;
	(pc) =	sbr.abs _section_cstart, $3  }
0xcf: {  	[dreg:$0x1] =	wrdreg $0xFFFFFFFF  }
0xd0: {  	_ =	task.clear_ibuf [dreg:s22], $0x2FFFF;
	_ =	strace $0x9FFFFFFF  }
0xd1: {  	(tm) =	ssettm $0x7FFFFFFF  }
tec
execute0_lowered:
.L_overlay_start_1:
0x0: {  	(tag) =	ssettag $0x1  }
0x1: {  	s5 =	rddreg [dreg:$0x0];
	s0 =	stileid.u32  }
0x2: {  	s1 =	srdreg.scid;
	s2 =	rddreg [dreg:$0x1]  }
0x3: {  	s14 =	simm.s32 $0x80;
	s15 =	simm.s32 $0x100;
	s3 =	smul.u32 $0x42, s0  }
0x4: {  	s16 =	simm.s32 $0x1;
	s17 =	simm.s32 $0x0;
	s4 =	smul.u32 $0x5B, s0  }
0x5: {  	s6 =	sand.u32 $0x1, s1;
	s1 =	rddreg [dreg:$0x2];
	s8 =	smul.u32 $0x2800, s0  }
0x6: {  	s28 =	smul.u32 $0x50000, s0;
	s31 =	sshll.u32 s0, $0x6;
	p0 =	seq.s32 s6, $0x0  }
0x7: {  	s9 =	smul.u32 $0x28000, s6;
	s6 =	ssub.s32 $0x2, s6;
	s7 =	sadd.s32 $0x5B0, s3  }
0x8: {  	s3 =	simm.s32 $0x0;
	s29 =	sshrl.u32 s6, $0x1;
	s30 =	sshrl.u32 s28, $0x2  }
0x9: {  	s7 =	smov.u32 @p0 s4;
	[smem:$0x7FF] =	sst s3;
	s4 =	sadd.s32 $0x1600, s5  }
0xa: {  	s26 =	sadd.s32 s8, s9;
	s8 =	sadd.s32 s8, s5;
	s12 =	ssub.s32 s6, s29  }
0xb: {  	s13 =	sadd.s32 s30, s2;
	s7 =	sshll.u32 s7, $0x4;
	_ =	strace $0x80000050  }
0xc: {  	s10 =	sadd.s32 s26, s5;
	s6 =	sadd.s32 $0x3D200, s8;
	s9 =	smax.u32 s12, $0x1  }
0xd: {  	s12 =	sshrl.u32 s13, $0x3;
	s13 =	simm.s32 $0x2;
	s11 =	sadd.s32 s7, s5  }
0xe: {  	s5 =	simm.s32 $0x5B;
	s7 =	sor.u32 $0x1C02, s31;
	s8 =	sadd.s32 $0x65200, s10  }
0xf: {  	s5 =	simm.s32 @!p0 $0x42;
	s10 =	sadd.s32 $0x33400, s11;
	s11 =	sadd.s32 $0x29600, s11  }
.LBB2_1:
0x10: {  	[spmem:s12], [sflag:s7] =	dma.local [hbm:s6], $0x2800  }
0x11: {  	_ =	swait.ge [sflag:s13], $0x2800  }
0x12: {  	[sflag:s13] =	ssyncset.done $0x0  }
0x13: {  	[sflag:s13] =	ssyncadd.s32 $0xFFFFD800  }
0x14: {  	[bflag:$0x0] =	sbarrier.arrive $0xFFFF  }
0x15: {  	[tilespmem:s3], [sflag:$0x2] =	stream.linear.gather [hbm4b:s11+s3], $0x80, $0x38;
	[tilespmem:$0x18100] =	vst v63  }
0x16: {  	_ =	swait.ge [sflag:s13], $0x80  }
0x17: {  	[sflag:s13] =	ssyncset.done $0x0  }
0x18: {  	[sflag:s13] =	ssyncadd.s32 $0xFFFFFF80  }
0x19: {  	[tilespmem:s14], [sflag:$0x2] =	stream.linear.gather [hbm4b:s10+s3], $0x80, $0x38;
	[tilespmem:$0x18100] =	vst v63  }
0x1a: {  	_ =	swait.ge [sflag:s13], $0x80  }
0x1b: {  	[sflag:s13] =	ssyncset.done $0x0  }
0x1c: {  	[sflag:s13] =	ssyncadd.s32 $0xFFFFFF80  }
0x1d: {  	[tilespmem:s15], [sflag:$0x1] =	stream.indirect.gather [hbm4b:s4+s14], $0x80, s3, s14, $0xb8;
	[tilespmem:$0x18100] =	vst v63  }
0x1e: {  	p0 =	sne.s32 s5, $0x1;
	_ =	swait.ge [sflag:s16], $0x4000  }
.Ltmp0:
0x1f: {  	[sflag:s16] =	ssyncset.done $0x0;
	(pc) =	sbr.rel @!p0 .LBB2_3-.Ltmp0, $4  }
0x20: {  	[sflag:s16] =	ssyncadd.s32 $0xFFFFC000  }
0x21: {  	[spmem:s2] =	stream.indirect.scatter.add.f32 [tilespmem:s15], [sflag:$0x2], $0x80, s14, s14, $0xb8;
	[tilespmem:$0x18100] =	vst v63  }
0x22: {  	s18 =	sadd.s32 $0xFFFFFFFF, s5;
	_ =	swait.ge [sflag:s13], $0x4000  }
0x23: {  	s19 =	smov.u32 s10;
	s20 =	smov.u32 s11;
	[sflag:s13] =	ssyncset.done $0x0  }
.LBB2_2:
0x24: {  	[sflag:s13] =	ssyncadd.s32 $0xFFFFC000;
	s19 =	sadd.s32 $0x10, s19;
	s20 =	sadd.s32 $0x10, s20  }
0x25: {  	[tilespmem:s3], [sflag:$0x2] =	stream.linear.gather [hbm4b:s20+s3], $0x80, $0x38;
	[tilespmem:$0x18100] =	vst v63  }
0x26: {  	p0 =	sne.s32 s18, $0x1;
	s18 =	sadd.s32 $0xFFFFFFFF, s18;
	_ =	swait.ge [sflag:s13], $0x80  }
0x27: {  	[sflag:s13] =	ssyncset.done $0x0  }
0x28: {  	[sflag:s13] =	ssyncadd.s32 $0xFFFFFF80  }
0x29: {  	[tilespmem:s14], [sflag:$0x2] =	stream.linear.gather [hbm4b:s19+s3], $0x80, $0x38;
	[tilespmem:$0x18100] =	vst v63  }
0x2a: {  	_ =	swait.ge [sflag:s13], $0x80  }
0x2b: {  	[sflag:s13] =	ssyncset.done $0x0  }
0x2c: {  	[sflag:s13] =	ssyncadd.s32 $0xFFFFFF80  }
0x2d: {  	[tilespmem:s15], [sflag:$0x1] =	stream.indirect.gather [hbm4b:s4+s14], $0x80, s3, s14, $0xb8;
	[tilespmem:$0x18100] =	vst v63  }
0x2e: {  	_ =	swait.ge [sflag:s16], $0x4000  }
.Ltmp1:
0x2f: {  	[sflag:s16] =	ssyncset.done $0x0;
	(pc) =	sbr.rel @p0 .LBB2_2-.Ltmp1, $4  }
0x30: {  	[sflag:s16] =	ssyncadd.s32 $0xFFFFC000  }
0x31: {  	[spmem:s2] =	stream.indirect.scatter.add.f32 [tilespmem:s15], [sflag:$0x2], $0x80, s14, s14, $0xb8;
	[tilespmem:$0x18100] =	vst v63  }
0x32: {  	_ =	swait.ge [sflag:s13], $0x4000  }
0x33: {  	[sflag:s13] =	ssyncset.done $0x0  }
.LBB2_3:
0x34: {  	s17 =	sadd.s32 $0x1, s17  }
0x35: {  	[sflag:s13] =	ssyncadd.s32 $0xFFFFC000;
	p0 =	sne.s32 s17, s9  }
.Ltmp2:
0x36: {  	[bflag:$0x0] =	sbarrier.arrive $0xFFFF;
	(pc) =	sbr.rel @p0 .LBB2_1-.Ltmp2, $4  }
0x37: {  	[hbm:s8], [sflag:s7] =	dma.local [spmem:s12], $0x2800  }
0x38: {  	_ =	swait.ge [sflag:s13], $0x2800  }
0x39: {  	[sflag:s13] =	ssyncset.done $0x0  }
0x3a: {  	[sflag:s13] =	ssyncadd.s32 $0xFFFFD800  }
0x3b: {  	_ =	sfence.sel $0x180000  }
0x3c: {  	[bflag:$0x0] =	sbarrier.arrive $0xFFFF  }
0x3d: {  	p0 =	sne.s32 s0, $0x0;
	_ =	strace $0x90000050  }
0x3e: {  	s0 =	sadd.s32 @!p0 $0x100000, s1;
	[bflag:$0x2] =	sbarrier.arrive $0xFFFF  }
0x3f: {  	[sflag:s0] =	ssyncadd.tile.s32 @!p0 $0x1;
	_ =	shalt  }
.Lfunc_end2:
_tile_overlayer_lowered:
.L_overlay_start_2:
0x40: {  	(tag) =	ssettag $0x2  }
0x41: {  	s0 =	rddreg [dreg:$0x0];
	s2 =	stileid.u32  }
0x42: {  	s1 =	rddreg [dreg:$0x1];
	p0 =	sne.s32 s2, $0x0  }
0x43: {  	s3 =	rddreg [dreg:$0x2];
	[bflag:$0x3] =	sbarrier.arrive $0xFFFF;
	s2 =	simm.s32 @!p0 $0x1C02  }
0x44: {  	[timem:s3], [sflag:s2] =	dma.local @!p0 [hbm:s0], s1  }
0x45: {  	s0 =	simm.s32 @!p0 $0x2  }
0x46: {  	_ =	swait.ge @!p0 [sflag:s0], s1  }
0x47: {  	s1 =	ssub.s32 @!p0 $0x0, s1;
	[sflag:s0] =	ssyncset.done @!p0 $0x0  }
0x48: {  	[sflag:s0] =	ssyncadd.s32 @!p0 s1  }
0x49: {  	[bflag:$0x3] =	sbarrier.arrive $0xFFFF  }
0x4a: {  	_ =	shalt  }

// kernel: kernel.20.cloned.1.call-start
scs
__scs_entry_jumppad:
0x0: {  	(pc) =	sbr.rel $0x88, $3  }
0x1: {  	(tag) =	ssettag $0x0;
	lr =	simm.s32 $0x1  }
0x2: {  	[smem:$0x3F9A] =	sst lr;
	_ =	strace $0xD0000000  }
0x3: {  	_ = 	snop  }
0x4: {  	_ = 	snop  }
0x5: {  	_ = 	snop  }
0x6: {  	_ = 	snop  }
0x7: {  	_ = 	snop  }
__scs_overlays_trampoline_lowered:
0x8: {  	[smem:$0x3FA9] =	sst s0  }
0x9: {  	[smem:$0x3FAA] =	sst s1  }
0xa: {  	[smem:$0x3FAB] =	sst s2  }
0xb: {  	[smem:$0x3FAC] =	sst s3  }
0xc: {  	[smem:$0x3FAD] =	sst s4  }
0xd: {  	[smem:$0x3FAE] =	sst s5  }
0xe: {  	[smem:$0x3FAF] =	sst s6  }
0xf: {  	[smem:$0x3FB0] =	sst s7  }
0x10: {  	[smem:$0x3FB1] =	sst s8  }
0x11: {  	[smem:$0x3FB2] =	sst s9;
	s0 =	simm.s32 @!p0 $0x0  }
0x12: {  	s1 =	sld [smem:$0x3F98];
	s0 =	simm.s32 @p0 $0x1  }
0x13: {  	[smem:$0x3FB3] =	sst s0;
	s0 =	simm.s32 @!p1 $0x0  }
0x14: {  	s2 =	sld [smem:$0x3F97];
	s0 =	simm.s32 @p1 $0x1  }
0x15: {  	[smem:$0x3FB4] =	sst s0;
	s0 =	simm.s32 @!p2 $0x0  }
0x16: {  	s3 =	sld [smem:$0x3FDB];
	s0 =	simm.s32 @p2 $0x1  }
0x17: {  	s4 =	simm.s32 $0x1BF5;
	[smem:$0x3FB6] =	sst s0  }
0x18: {  	s0 =	sld [smem:$0x3F99];
	_ =	swait.ge [sflag:s4], $0x0  }
0x19: {  	s7 =	sld [smem:$0x3F9A]  }
0x1a: {  	s8 =	sadd.s32 $0xFFFFE003, lr  }
0x1b: {  	s9 =	sadd.s32 $0xFFFFFEF7, lr;
	s5 =	simm.s32 $0xFFFFFFFF;
	p2 =	slt.u32 s8, $0xFFFFF086  }
0x1c: {  	p1 =	slt.u32 s9, $0xF7A;
	s5 =	simm.s32 @!p2 $0x0  }
0x1d: {  	s5 =	simm.s32 @p1 $0x1;
	p0 =	seq.s32 s7, s2  }
0x1e: {  	s7 =	smul.u32 @!p0 $0xF7A, s2;
	p2 =	seq.s32 @!p0 s5, $0x0  }
0x1f: {  	s9 =	smul.u32 $0xF7A, s1;
	s8 =	simm.s32 @!p0 $0x1BF5;
	p2 =	por !p2, p0  }
0x20: {  	[sflag:s8] =	ssyncset.s32 @!p0 $0xFFFFF086;
	s6 =	sadd.s32 @!p0 s3, s7;
	s7 =	simm.s32 @!p0 $0x108  }
0x21: {  	s3 =	sadd.s32 s3, s9;
	s6 =	sadd.s32 @!p0 $0x88, s6;
	s7 =	simm.s32 @p2 $0x1082  }
0x22: {  	[simem:s7], [sflag:s8] =	dma.local @!p0 [hbm:s6], $0xF7A  }
0x23: {  	s9 =	sor.u32 $0xD0000000, s2;
	s6 =	simm.s32 $0x108;
	_ =	swait.ge @!p0 [sflag:s8], $0x0  }
0x24: {  	s3 =	sadd.s32 $0x88, s3;
	s6 =	simm.s32 @!p1 $0x1082;
	[sflag:s4] =	ssyncset.s32 $0xFFFFF086  }
0x25: {  	[simem:s6], [sflag:s4] =	dma.local [hbm:s3], $0xF7A  }
0x26: {  	[smem:$0x3F9A] =	sst s1;
	(tag) =	ssettag s2;
	_ =	strace s9  }
0x27: {  	s1 =	sld [smem:$0x3FAA]  }
0x28: {  	s2 =	sld [smem:$0x3FAB]  }
0x29: {  	s4 =	sld [smem:$0x3FAD]  }
0x2a: {  	p0 =	seq.s32 s5, $0x0;
	s5 =	sld [smem:$0x3FAE]  }
0x2b: {  	s6 =	sld [smem:$0x3FAF]  }
0x2c: {  	s7 =	sld [smem:$0x3FB0]  }
0x2d: {  	s3 =	simm.s32 $0x108;
	s8 =	sld [smem:$0x3FB1]  }
0x2e: {  	s3 =	simm.s32 @!p0 $0x1082;
	s9 =	sld [smem:$0x3FB2]  }
0x2f: {  	lr =	sadd.s32 s0, s3;
	s0 =	sld [smem:$0x3FA9]  }
0x30: {  	s3 =	sld [smem:$0x3FAC]  }
0x31: {  	[smem:$0x3FB5] =	sst s10  }
0x32: {  	s10 =	sld [smem:$0x3FB3];
	_ =	sdelay $0x3  }
0x33: {  	p0 =	seq.s32 s10, $0x1;
	s10 =	sld [smem:$0x3FB5];
	_ =	sdelay $0x3  }
0x34: {  	[smem:$0x3FB5] =	sst s10  }
0x35: {  	s10 =	sld [smem:$0x3FB4];
	_ =	sdelay $0x3  }
0x36: {  	p1 =	seq.s32 s10, $0x1;
	s10 =	sld [smem:$0x3FB5];
	_ =	sdelay $0x3  }
0x37: {  	[smem:$0x3FB5] =	sst s10  }
0x38: {  	s10 =	sld [smem:$0x3FB6]  }
0x39: {  	_ = 	snop;
	(pc) =	sbr.ind lr, $3  }
0x3a: {  	_ = 	snop  }
0x3b: {  	_ = 	snop  }
0x3c: {  	p2 =	seq.s32 s10, $0x1;
	s10 =	sld [smem:$0x3FB5]  }
0x3d: {  	_ =	shalt  }
0x3e: {  	_ =	shalt  }
0x3f: {  	_ =	shalt  }
0x40: {  	_ =	shalt  }
0x41: {  	_ =	shalt  }
0x42: {  	_ =	shalt  }
0x43: {  	_ =	shalt  }
0x44: {  	_ =	shalt  }
0x45: {  	_ =	shalt  }
0x46: {  	_ =	shalt  }
0x47: {  	_ =	shalt  }
0x48: {  	_ =	shalt  }
0x49: {  	_ =	shalt  }
0x4a: {  	_ =	shalt  }
0x4b: {  	_ =	shalt  }
0x4c: {  	_ =	shalt  }
0x4d: {  	_ =	shalt  }
0x4e: {  	_ =	shalt  }
0x4f: {  	_ =	shalt  }
0x50: {  	_ =	shalt  }
0x51: {  	_ =	shalt  }
0x52: {  	_ =	shalt  }
0x53: {  	_ =	shalt  }
0x54: {  	_ =	shalt  }
0x55: {  	_ =	shalt  }
0x56: {  	_ =	shalt  }
0x57: {  	_ =	shalt  }
0x58: {  	_ =	shalt  }
0x59: {  	_ =	shalt  }
0x5a: {  	_ =	shalt  }
0x5b: {  	_ =	shalt  }
0x5c: {  	_ =	shalt  }
0x5d: {  	_ =	shalt  }
0x5e: {  	_ =	shalt  }
0x5f: {  	_ =	shalt  }
0x60: {  	_ =	shalt  }
0x61: {  	_ =	shalt  }
0x62: {  	_ =	shalt  }
0x63: {  	_ =	shalt  }
0x64: {  	_ =	shalt  }
0x65: {  	_ =	shalt  }
0x66: {  	_ =	shalt  }
0x67: {  	_ =	shalt  }
0x68: {  	_ =	shalt  }
0x69: {  	_ =	shalt  }
0x6a: {  	_ =	shalt  }
0x6b: {  	_ =	shalt  }
0x6c: {  	_ =	shalt  }
0x6d: {  	_ =	shalt  }
0x6e: {  	_ =	shalt  }
0x6f: {  	_ =	shalt  }
0x70: {  	_ =	shalt  }
0x71: {  	_ =	shalt  }
0x72: {  	_ =	shalt  }
0x73: {  	_ =	shalt  }
0x74: {  	_ =	shalt  }
0x75: {  	_ =	shalt  }
0x76: {  	_ =	shalt  }
0x77: {  	_ =	shalt  }
0x78: {  	_ =	shalt  }
0x79: {  	_ =	shalt  }
0x7a: {  	_ =	shalt  }
0x7b: {  	_ =	shalt  }
0x7c: {  	_ =	shalt  }
0x7d: {  	_ =	shalt  }
0x7e: {  	_ =	shalt  }
0x7f: {  	_ =	shalt  }
0x80: {  	_ =	shalt  }
0x81: {  	_ =	shalt  }
0x82: {  	_ =	shalt  }
0x83: {  	_ =	shalt  }
0x84: {  	_ =	shalt  }
0x85: {  	_ =	shalt  }
0x86: {  	_ =	shalt  }
0x87: {  	_ =	shalt  }
.Lfunc_end0:
.L_simem_size_0:
called_computation.3_lowered:
.L_overlay_start_0:
0x88: {  	s2 =	sld [smem:$0x3FD9]  }
0x89: {  	s3 =	sld [smem:$0x3FFE];
	_ =	sdelay $0x1  }
0x8a: {  	s1 =	srdreg.scid  }
0x8b: {  	s0 =	sand.u32 $0x1, s1  }
0x8c: {  	s16 =	sshll.u32 s0, $0xA;
	s2 =	sadd.s32 s3, s2  }
0x8d: {  	s2 =	sadd.s32 s2, s16  }
0x8e: {  	[smem:$0x3FC1] =	sst s2  }
0x8f: {  	_ = 	snop  }
0x90: {  	(tm) =	ssettm $0x1  }
0x91: {  	s17 =	sld [smem:$0x3FFB];
	_ =	sdelay $0x3  }
0x92: {  	_ =	strace s17  }
0x93: {  	s2 =	sld [smem:$0x3FFC];
	_ =	sdelay $0x3  }
0x94: {  	_ =	strace s2  }
0x95: {  	s2 =	sld [smem:$0x3FFD];
	_ =	sdelay $0x3  }
0x96: {  	_ =	strace s2  }
0x97: {  	_ =	strace $0x8FFFFFFF  }
0x98: {  	s18 =	sld [smem:$0x3FDB];
	_ =	sdelay $0x1  }
0x99: {  	s19 =	simm.s32 $_scs_section_size  }
0x9a: {  	s4 =	simm.s32 $_size__tile_overlayer_lowered;
	s5 =	simm.s32 $_tile_overlayer_lowered  }
0x9b: {  	s22 =	simm.s32 $0x1BFF;
	s21 =	sshll.u32 s5, $0x1;
	s2 =	sadd.s32 s19, s18  }
0x9c: {  	s6 =	simm.s32 $0x0;
	s20 =	sshll.u32 s4, $0x1;
	s4 =	sadd.s32 s21, s2  }
0x9d: {  	[timem:s6], [sflag:s22] =	dma.local [hbm:s4], s20  }
0x9e: {  	_ =	swait.ge [sflag:s22], s20  }
0x9f: {  	s3 =	ssub.s32 $0x0, s20;
	[sflag:s22] =	ssyncset.done $0x0  }
0xa0: {  	[sflag:s22] =	ssyncadd.s32 s3;
	_ =	sdelay $0x1  }
0xa1: {  	s23 =	simm.s32 $0x1B8B  }
0xa2: {  	_ =	swait.ge [sflag:s23], $0x1  }
0xa3: {  	[sflag:s23] =	ssyncset.done $0x0  }
0xa4: {  	s25 =	simm.s32 $0x1B8E;
	s24 =	sld [smem:$0x3FFE];
	[sflag:s23] =	ssyncadd.s32 $0xFFFFFFFF  }
0xa5: {  	s26 =	simm.s32 $execute0_lowered;
	[smem:$0x3FD2] =	sst s25  }
0xa6: {  	s4 =	sshll.u32 s26, $0x1;
	_ =	strace $0x8000004C;
	[dreg:$0x1] =	wrdreg $0xFFFFFFFF  }
0xa7: {  	s28 =	simm.s32 $_size_execute0_lowered;
	s2 =	sadd.s32 s2, s4;
	[dreg:$0x0] =	wrdreg $0x0  }
0xa8: {  	s4 =	sshll.u32 s28, $0x1;
	[dreg:$0x2] =	wrdreg s2  }
0xa9: {  	[dreg:$0x3] =	wrdreg s4  }
0xaa: {  	[dreg:$0x4] =	wrdreg $0xC0  }
0xab: {  	_ =	task [dreg:s6], $0x5FFFF  }
0xac: {  	[dreg:$0x1] =	wrdreg $0xFFFFFFFF  }
0xad: {  	[dreg:$0x0] =	wrdreg $0x60  }
0xae: {  	[dreg:$0x2] =	wrdreg s24  }
0xaf: {  	[dreg:$0x3] =	wrdreg $0xA  }
0xb0: {  	_ =	task.clear_ibuf [dreg:s6], $0x4FFFF;
	_ =	strace $0x9000004C  }
0xb1: {  	s29 =	simm.s32 $0xA;
	_ =	strace $0x8000004E  }
0xb2: {  	_ =	swait.ge [sflag:s29], $0x1  }
0xb3: {  	[sflag:s29] =	ssyncadd.s32 $0xFFFFFFFF  }
0xb4: {  	_ =	strace $0x9000004E  }
0xb5: {  	_ =	sfence  }
0xb6: {  	s30 =	sld [smem:$0x0];
	_ =	sdelay $0x2  }
0xb7: {  	s31 =	sshll.u32 s1, $0xD;
	s1 =	sshrl.u32 s1, $0x2  }
0xb8: {  	s3 =	sand.u32 $0x4000, s31;
	s1 =	sadd.s32 s1, s30  }
0xb9: {  	s0 =	sor.u32 s3, s0;
	s1 =	sshll.u32 s1, $0x11  }
0xba: {  	s0 =	sor.u32 s1, s0  }
0xbb: {  	s0 =	sadd.s32 $0x8F2B, s0  }
0xbc: {  	[sflag:s0] =	ssyncadd.remote.s32 $0x1  }
0xbd: {  	_ =	sfence.sel $0xFFFF  }
0xbe: {  	[dreg:$0x0] =	wrdreg $0xFFFFFFFF;
	(pc) =	sbr.abs _section_cstart, $3  }
0xbf: {  	[dreg:$0x1] =	wrdreg $0xFFFFFFFF  }
0xc0: {  	_ =	task.clear_ibuf [dreg:s6], $0x2FFFF;
	_ =	strace $0x9FFFFFFF  }
0xc1: {  	(tm) =	ssettm $0x7FFFFFFF  }
tec
execute0_lowered:
.L_overlay_start_1:
0x0: {  	(tag) =	ssettag $0x1  }
0x1: {  	s5 =	rddreg [dreg:$0x0]  }
0x2: {  	s0 =	stileid.u32;
	s2 =	srdreg.scid  }
0x3: {  	s1 =	rddreg [dreg:$0x1];
	s9 =	simm.s32 $0x80;
	s10 =	simm.s32 $0x1  }
0x4: {  	s11 =	simm.s32 $0x0;
	s3 =	smul.u32 $0x14, s0;
	s4 =	sand.u32 $0x1, s2  }
0x5: {  	s6 =	smul.u32 $0x1D, s0;
	s2 =	simm.s32 $0x0;
	p0 =	seq.s32 s4, $0x0  }
0x6: {  	[smem:$0x7FF] =	sst s2;
	s4 =	ssub.s32 $0x2, s4;
	s7 =	sadd.s32 $0x1D0, s3  }
0x7: {  	_ =	strace $0x8000004D;
	s3 =	sadd.s32 $0x1600, s5;
	s7 =	smov.u32 @p0 s6  }
0x8: {  	s31 =	sshrl.u32 s4, $0x1;
	s6 =	sshll.u32 s7, $0x4;
	s7 =	sshll.u32 s7, $0xB  }
0x9: {  	s8 =	sadd.s32 s6, s5;
	s6 =	ssub.s32 s4, s31;
	s4 =	simm.s32 $0x1D  }
0xa: {  	s7 =	sadd.s32 s7, s5;
	s4 =	simm.s32 @!p0 $0x14;
	s5 =	smax.u32 s6, $0x1  }
0xb: {  	s6 =	sadd.s32 $0xB8400, s7;
	s7 =	sadd.s32 $0xB5200, s8;
	s8 =	simm.s32 $0x2  }
.LBB2_1:
0xc: {  	[tilespmem:s2], [sflag:$0x2] =	stream.linear.gather [hbm4b:s7+s2], $0x80, $0x38;
	[tilespmem:$0x4080] =	vst v63  }
0xd: {  	_ =	swait.ge [sflag:s8], $0x80  }
0xe: {  	[sflag:s8] =	ssyncset.done $0x0  }
0xf: {  	[sflag:s8] =	ssyncadd.s32 $0xFFFFFF80  }
0x10: {  	[tilespmem:s9], [sflag:$0x1] =	stream.indirect.gather [hbm4b:s3+s9], $0x80, s2, s9, $0xb8;
	[tilespmem:$0x4080] =	vst v63  }
0x11: {  	p0 =	sne.s32 s4, $0x1;
	_ =	swait.ge [sflag:s10], $0x4000  }
.Ltmp0:
0x12: {  	[sflag:s10] =	ssyncset.done $0x0;
	(pc) =	sbr.rel @!p0 .LBB2_3-.Ltmp0, $4  }
0x13: {  	[sflag:s10] =	ssyncadd.s32 $0xFFFFC000  }
0x14: {  	[hbm4b:s6+s2] =	stream.linear.scatter [tilespmem:s9], [sflag:$0x2], $0x4000, $0x38;
	[tilespmem:$0x4080] =	vst v63  }
0x15: {  	s12 =	sadd.s32 $0xFFFFFFFF, s4;
	_ =	swait.ge [sflag:s8], $0x4000  }
0x16: {  	s13 =	smov.u32 s6;
	s14 =	smov.u32 s7;
	[sflag:s8] =	ssyncset.done $0x0  }
.LBB2_2:
0x17: {  	[sflag:s8] =	ssyncadd.s32 $0xFFFFC000;
	s13 =	sadd.s32 $0x800, s13;
	s14 =	sadd.s32 $0x10, s14  }
0x18: {  	[tilespmem:s2], [sflag:$0x2] =	stream.linear.gather [hbm4b:s14+s2], $0x80, $0x38;
	[tilespmem:$0x4080] =	vst v63  }
0x19: {  	p0 =	sne.s32 s12, $0x1;
	s12 =	sadd.s32 $0xFFFFFFFF, s12;
	_ =	swait.ge [sflag:s8], $0x80  }
0x1a: {  	[sflag:s8] =	ssyncset.done $0x0  }
0x1b: {  	[sflag:s8] =	ssyncadd.s32 $0xFFFFFF80  }
0x1c: {  	[tilespmem:s9], [sflag:$0x1] =	stream.indirect.gather [hbm4b:s3+s9], $0x80, s2, s9, $0xb8;
	[tilespmem:$0x4080] =	vst v63  }
0x1d: {  	_ =	swait.ge [sflag:s10], $0x4000  }
.Ltmp1:
0x1e: {  	[sflag:s10] =	ssyncset.done $0x0;
	(pc) =	sbr.rel @p0 .LBB2_2-.Ltmp1, $4  }
0x1f: {  	[sflag:s10] =	ssyncadd.s32 $0xFFFFC000  }
0x20: {  	[hbm4b:s13+s2] =	stream.linear.scatter [tilespmem:s9], [sflag:$0x2], $0x4000, $0x38;
	[tilespmem:$0x4080] =	vst v63  }
0x21: {  	_ =	swait.ge [sflag:s8], $0x4000  }
0x22: {  	[sflag:s8] =	ssyncset.done $0x0  }
.LBB2_3:
0x23: {  	s11 =	sadd.s32 $0x1, s11  }
0x24: {  	p0 =	sne.s32 s11, s5  }
.Ltmp2:
0x25: {  	_ = 	snop;
	(pc) =	sbr.rel @p0 .LBB2_1-.Ltmp2, $2  }
0x26: {  	_ =	sdelay $0x2  }
0x27: {  	[sflag:s8] =	ssyncadd.s32 $0xFFFFC000  }
0x28: {  	_ =	sfence.sel $0x180000  }
0x29: {  	[bflag:$0x0] =	sbarrier.arrive $0xFFFF  }
0x2a: {  	p0 =	sne.s32 s0, $0x0;
	_ =	strace $0x9000004D  }
0x2b: {  	s0 =	sadd.s32 @!p0 $0x100000, s1;
	[bflag:$0x2] =	sbarrier.arrive $0xFFFF  }
0x2c: {  	[sflag:s0] =	ssyncadd.tile.s32 @!p0 $0x1;
	_ =	shalt  }
.Lfunc_end2:
_tile_overlayer_lowered:
.L_overlay_start_2:
0x2d: {  	(tag) =	ssettag $0x2  }
0x2e: {  	s0 =	rddreg [dreg:$0x0];
	s2 =	stileid.u32  }
0x2f: {  	s1 =	rddreg [dreg:$0x1];
	p0 =	sne.s32 s2, $0x0  }
0x30: {  	s3 =	rddreg [dreg:$0x2];
	[bflag:$0x3] =	sbarrier.arrive $0xFFFF;
	s2 =	simm.s32 @!p0 $0x1C02  }
0x31: {  	[timem:s3], [sflag:s2] =	dma.local @!p0 [hbm:s0], s1  }
0x32: {  	s0 =	simm.s32 @!p0 $0x2  }
0x33: {  	_ =	swait.ge @!p0 [sflag:s0], s1  }
0x34: {  	s1 =	ssub.s32 @!p0 $0x0, s1;
	[sflag:s0] =	ssyncset.done @!p0 $0x0  }
0x35: {  	[sflag:s0] =	ssyncadd.s32 @!p0 s1  }
0x36: {  	[bflag:$0x3] =	sbarrier.arrive $0xFFFF  }
0x37: {  	_ =	shalt  }

</sc_bundles>
